<compile_context>
chip_gen: v7x
topology: tpu7x:2x2x1
jax: 0.10.2.dev20260603
libtpu: 0.0.44.dev20260713+nightly
codegen_flags: <defaults>
</compile_context>

<pallas_src>
import functools

import jax
import jax.numpy as jnp
from jax import lax
from jax.experimental import pallas as pl
from jax.experimental.pallas import tpu as pltpu
from jax.experimental.pallas import tpu_sc as plsc

N = 10000
E = 320000
H = 64
C = 40
DI = 128

NC = 2
NS = 16
NW = NC * NS
EPW = E // NW
WIN = 200
NWIN = EPW // WIN
NP = 10240
SL = NP // NS
K = 5

_mesh = plsc.VectorSubcoreMesh(core_axis_name="c", subcore_axis_name="s")
_sc_params = pltpu.CompilerParams(use_tc_tiling_on_sc=False)


HNP = NP // 2


@functools.partial(
    pl.kernel,
    out_type=jax.ShapeDtypeStruct((NC, 1, NP), jnp.float32),
    mesh=_mesh,
    scratch_types=[
        pltpu.VMEM((NWIN, 1, WIN), jnp.int32),
        pltpu.VMEM((NWIN, 1, WIN), jnp.int32),
        pltpu.VMEM((WIN,), jnp.float32),
        pltpu.VMEM_SHARED((NP,), jnp.float32),
        pltpu.SemaphoreType.DMA,
    ],
    compiler_params=_sc_params,
)
def _sc_degree(edges_hbm, zeros_hbm, ones_hbm, degp_hbm, colv, colv2, onesv,
               deg_sh, hsem):
    c = lax.axis_index("c")
    s = lax.axis_index("s")
    w = c * NS + s
    pltpu.sync_copy(edges_hbm.at[1, w], colv)
    pltpu.sync_copy(ones_hbm, onesv)
    pltpu.sync_copy(zeros_hbm.at[pl.ds(s * SL, SL)],
                    deg_sh.at[pl.ds(s * SL, SL)])

    starts = list(range(0, WIN - 16, 16)) + [WIN - 16]

    def remap(j, carry):
        for t in starts:
            x = colv[j, 0, pl.ds(t, 16)]
            colv2[j, 0, pl.ds(t, 16)] = (x & 1) * HNP + (x >> 1)
        return carry

    lax.fori_loop(0, NWIN, remap, 0)
    plsc.subcore_barrier()

    def body(j, carry):
        pltpu.async_copy(onesv, deg_sh.at[colv2.at[j, 0]], hsem, add=True)
        return carry

    lax.fori_loop(0, NWIN, body, 0)

    def drain(j, carry):
        pltpu.make_async_copy(onesv, deg_sh.at[colv2.at[0, 0]], hsem).wait()
        return carry

    lax.fori_loop(0, NWIN, drain, 0)
    plsc.subcore_barrier()
    pltpu.sync_copy(deg_sh.at[pl.ds(s * SL, SL)],
                    degp_hbm.at[c, 0, pl.ds(s * SL, SL)])


@functools.partial(
    pl.kernel,
    out_type=jax.ShapeDtypeStruct((NC, NP, H), jnp.float32),
    mesh=_mesh,
    scratch_types=[
        pltpu.VMEM((NWIN, 1, WIN), jnp.int32),
        pltpu.VMEM((NWIN, 1, WIN), jnp.int32),
        pltpu.VMEM((K, WIN, H), jnp.float32),
        pltpu.VMEM_SHARED((NP, H), jnp.float32),
        pltpu.SemaphoreType.DMA((K,)),
        pltpu.SemaphoreType.DMA((K,)),
    ],
    compiler_params=_sc_params,
)
def _sc_propagate(h_hbm, edges_hbm, zeros_hbm, outp_hbm,
                  rowv, colv, gbuf, acc_sh, gsem, ssem):
    c = lax.axis_index("c")
    s = lax.axis_index("s")
    w = c * NS + s
    pltpu.sync_copy(edges_hbm.at[0, w], rowv)
    pltpu.sync_copy(edges_hbm.at[1, w], colv)

    @pl.when(c == 0)
    def _():
        pltpu.sync_copy(h_hbm.at[pl.ds(s * SL, SL)],
                        acc_sh.at[pl.ds(s * SL, SL)])

    @pl.when(c != 0)
    def _():
        pltpu.sync_copy(zeros_hbm.at[pl.ds(s * SL, SL)],
                        acc_sh.at[pl.ds(s * SL, SL)])

    plsc.subcore_barrier()

    for k in range(K):
        pltpu.async_copy(h_hbm.at[rowv.at[k, 0]], gbuf.at[k], gsem.at[k])

    def body(i, carry):
        for k in range(K):
            j = K * i + k
            pltpu.make_async_copy(h_hbm.at[rowv.at[j, 0]], gbuf.at[k],
                                  gsem.at[k]).wait()
            pltpu.async_copy(gbuf.at[k], acc_sh.at[colv.at[j, 0]],
                             ssem.at[k], add=True)
        for k in range(K):
            j = K * i + k
            jn = j + K
            pltpu.make_async_copy(gbuf.at[k], acc_sh.at[colv.at[j, 0]],
                                  ssem.at[k]).wait()

            @pl.when(jn < NWIN)
            def _():
                pltpu.async_copy(h_hbm.at[rowv.at[jn, 0]], gbuf.at[k],
                                 gsem.at[k])
        return carry

    lax.fori_loop(0, NWIN // K, body, 0)
    plsc.subcore_barrier()
    pltpu.sync_copy(acc_sh.at[pl.ds(s * SL, SL)],
                    outp_hbm.at[c, pl.ds(s * SL, SL)])


NH = NP // 2
NR = N // 2


def _dinv_pair(degp_ref):
    deg = degp_ref[0, 0] + degp_ref[1, 0] + 1.0
    dinv = lax.rsqrt(deg)
    de = dinv[0:HNP][:NR, None]
    do = dinv[HNP:NP][:NR, None]
    return jnp.concatenate(
        [jnp.broadcast_to(de, (NR, H)), jnp.broadcast_to(do, (NR, H))],
        axis=1)


def _pair_bn(y, g_ref, be_ref, eps=1e-5):
    m = jnp.mean(y, axis=0, keepdims=True)
    mh = (m[:, :H] + m[:, H:]) * 0.5
    mp = jnp.concatenate([mh, mh], axis=1)
    cent = y - mp
    v = jnp.mean(cent * cent, axis=0, keepdims=True)
    vh = (v[:, :H] + v[:, H:]) * 0.5
    vp = jnp.concatenate([vh, vh], axis=1)
    return cent * lax.rsqrt(vp + eps) * g_ref[...] + be_ref[...]


def _pair_matmul(x, w_ref):
    he = jnp.dot(x[:, :H], w_ref[...], preferred_element_type=jnp.float32)
    ho = jnp.dot(x[:, H:], w_ref[...], preferred_element_type=jnp.float32)
    return jnp.concatenate([he, ho], axis=1)


def _tc1_body(degp_ref, data2_ref, w1_ref, hp_ref):
    dp = _dinv_pair(degp_ref)
    d2 = data2_ref[...]
    he = jnp.dot(d2[:, :DI], w1_ref[...], preferred_element_type=jnp.float32)
    ho = jnp.dot(d2[:, DI:], w1_ref[...], preferred_element_type=jnp.float32)
    hp_ref[pl.ds(0, NR)] = jnp.concatenate([he, ho], axis=1) * dp


def _tc2_body(degp_ref, s1p_ref, b1p_ref, g1p_ref, be1p_ref, w2_ref,
              hp2_ref):
    dp = _dinv_pair(degp_ref)
    s1 = (s1p_ref[0, pl.ds(0, NR)] + s1p_ref[1, pl.ds(0, NR)]) * dp \
        + b1p_ref[...]
    y = jnp.maximum(s1, 0.0)
    x1 = jnp.maximum(_pair_bn(y, g1p_ref, be1p_ref), 0.0)
    hp2_ref[pl.ds(0, NR)] = _pair_matmul(x1, w2_ref) * dp


def _tc3_body(degp_ref, s2p_ref, b2p_ref, g2p_ref, be2p_ref, w3_ref,
              b3p_ref, out_ref):
    dp = _dinv_pair(degp_ref)
    s2 = (s2p_ref[0, pl.ds(0, NR)] + s2p_ref[1, pl.ds(0, NR)]) * dp \
        + b2p_ref[...]
    y = jnp.maximum(s2, 0.0)
    x2 = _pair_bn(y, g2p_ref, be2p_ref)
    oe = jnp.dot(x2[:, :H], w3_ref[...], preferred_element_type=jnp.float32)
    oo = jnp.dot(x2[:, H:], w3_ref[...], preferred_element_type=jnp.float32)
    out_ref[...] = jnp.maximum(
        jnp.concatenate([oe, oo], axis=1) + b3p_ref[...], 0.0)


def kernel(data, edge_index, W1, b1, g1, be1, W2, b2, g2, be2, W3, b3):
    edges = edge_index.reshape(2, NW, NWIN, 1, WIN)
    zeros_np = jnp.zeros((NP,), jnp.float32)
    ones_w = jnp.ones((WIN,), jnp.float32)
    zeros_nph = jnp.zeros((NP, H), jnp.float32)

    degp = _sc_degree(edges, zeros_np, ones_w)

    data2 = data.reshape(NR, 2 * DI)
    b1p = jnp.concatenate([b1, b1]).reshape(1, 2 * H)
    g1p = jnp.concatenate([g1, g1]).reshape(1, 2 * H)
    be1p = jnp.concatenate([be1, be1]).reshape(1, 2 * H)
    b2p = jnp.concatenate([b2, b2]).reshape(1, 2 * H)
    g2p = jnp.concatenate([g2, g2]).reshape(1, 2 * H)
    be2p = jnp.concatenate([be2, be2]).reshape(1, 2 * H)
    b3p = jnp.concatenate([b3, b3]).reshape(1, 2 * C)

    hp1 = pl.pallas_call(
        _tc1_body,
        out_shape=jax.ShapeDtypeStruct((NH, 2 * H), jnp.float32),
    )(degp, data2, W1)

    s1p = _sc_propagate(hp1.reshape(NP, H), edges, zeros_nph)

    hp2 = pl.pallas_call(
        _tc2_body,
        out_shape=jax.ShapeDtypeStruct((NH, 2 * H), jnp.float32),
    )(degp, s1p.reshape(2, NH, 2 * H), b1p, g1p, be1p, W2)

    s2p = _sc_propagate(hp2.reshape(NP, H), edges, zeros_nph)

    out2 = pl.pallas_call(
        _tc3_body,
        out_shape=jax.ShapeDtypeStruct((NR, 2 * C), jnp.float32),
    )(degp, s2p.reshape(2, NH, 2 * H), b2p, g2p, be2p, W3, b3p)
    return out2.reshape(N, C)

# --- scband reference (transcript-rebuilt; emitter-appended) ---
"""Pipeline reference for scband-encoder-7095285973646 (READ-ONLY COPY).

The authoritative reference and input builder live on the scoring server;
editing this copy changes nothing except your own understanding.
"""

import jax, jax.numpy as jnp
import numpy as np

N = 10000
E = 320000
D_IN = 128
H = 64
C = 40


def gcn_conv(x, edge_index, W, b):
    # PyG GCNConv: add self-loops, symmetric normalization, x @ W then scatter-add
    row = edge_index[0]
    col = edge_index[1]
    loops = jnp.arange(N, dtype=row.dtype)
    row = jnp.concatenate([row, loops])
    col = jnp.concatenate([col, loops])
    deg = jax.ops.segment_sum(jnp.ones_like(col, dtype=x.dtype), col, num_segments=N)
    dinv = jnp.where(deg > 0, 1.0 / jnp.sqrt(deg), 0.0)
    norm = dinv[row] * dinv[col]
    h = x @ W
    msg = h[row] * norm[:, None]
    out = jax.ops.segment_sum(msg, col, num_segments=N)
    return out + b


def batchnorm(x, gamma, beta, eps=1e-5):
    # training-mode BatchNorm1d using batch statistics (biased var)
    mean = jnp.mean(x, axis=0)
    var = jnp.mean((x - mean) ** 2, axis=0)
    return (x - mean) / jnp.sqrt(var + eps) * gamma + beta


def setup_inputs(seed: int = 0):
    key = jax.random.key(seed)
    ks = jax.random.split(key, 8)
    data = jax.random.normal(ks[0], (N, D_IN), dtype=jnp.float32)
    edge_index = jax.random.randint(ks[1], (2, E), 0, N, dtype=jnp.int32)
    W1 = jax.random.normal(ks[2], (D_IN, H), dtype=jnp.float32) * 0.05
    b1 = jnp.zeros((H,), dtype=jnp.float32)
    g1 = jnp.ones((H,), dtype=jnp.float32)
    be1 = jnp.zeros((H,), dtype=jnp.float32)
    W2 = jax.random.normal(ks[3], (H, H), dtype=jnp.float32) * 0.05
    b2 = jnp.zeros((H,), dtype=jnp.float32)
    g2 = jnp.ones((H,), dtype=jnp.float32)
    be2 = jnp.zeros((H,), dtype=jnp.float32)
    W3 = jax.random.normal(ks[4], (H, C), dtype=jnp.float32) * 0.05
    b3 = jnp.zeros((C,), dtype=jnp.float32)
    return {"data": data, "edge_index": edge_index, "W1": W1, "b1": b1, "g1": g1, "be1": be1, "W2": W2, "b2": b2, "g2": g2, "be2": be2, "W3": W3, "b3": b3}


def reference(data, edge_index, W1, b1, g1, be1, W2, b2, g2, be2, W3, b3):
    # Block 0 (outer i=0): relu(GCNConv), then relu(BatchNorm) since i != len(block)-1
    x = jax.nn.relu(gcn_conv(data, edge_index, W1, b1))
    x = jax.nn.relu(batchnorm(x, g1, be1))
    # Block 1 (outer i=1): relu(GCNConv), then BatchNorm WITHOUT relu since i == 1 == len(block)-1
    x = jax.nn.relu(gcn_conv(x, edge_index, W2, b2))
    x = batchnorm(x, g2, be2)
    # Block 2 (outer i=2, single Linear): i != len(block)-1 (=0), so relu(Linear)
    x = jax.nn.relu(x @ W3 + b3)
    # args.simple == True -> return x only
    return x

if __name__ == "__main__":
    import jax
    _d = setup_inputs()
    print(jax.jit(kernel)(*tuple(_d.values())))

</pallas_src>

<mosaic_0001>
#map = affine_map<(d0, d1) -> (0, 0)>
#map1 = affine_map<(d0, d1) -> (0, 0, 0, 0, 0)>
#map2 = affine_map<(d0, d1) -> (0, 0, 0)>
module attributes {stable_mosaic.version = 14 : i64} {
  func.func @_sc_propagate(%arg0: i32, %arg1: i32, %arg2: memref<10240x64xf32, #tpu.memory_space<hbm>>, %arg3: memref<2x32x50x1x200xi32, #tpu.memory_space<hbm>>, %arg4: memref<10240x64xf32, #tpu.memory_space<hbm>>, %arg5: memref<2x10240x64xf32, #tpu.memory_space<hbm>>, %arg6: memref<50x1x200xi32, #tpu.memory_space<vmem>>, %arg7: memref<50x1x200xi32, #tpu.memory_space<vmem>>, %arg8: memref<5x200x64xf32, #tpu.memory_space<vmem>>, %arg9: memref<10240x64xf32, #tpu.memory_space<vmem_shared>>, %arg10: memref<5x!tpu.dma_semaphore, #tpu.memory_space<semaphore_mem>>, %arg11: memref<5x!tpu.dma_semaphore, #tpu.memory_space<semaphore_mem>>) attributes {dimension_semantics = [#tpu.dimension_semantics<core_parallel>, #tpu.dimension_semantics<subcore_parallel>], iteration_bounds = array<i64: 2, 16>, scalar_prefetch = 0 : i64, scratch_operands = 6 : i64, tpu.core_type = #tpu.core_type<sc_vector_subcore>, window_params = [{transform_indices = #map}, {transform_indices = #map1}, {transform_indices = #map}, {transform_indices = #map2}]} {
    %mul3A = arith.constant 16 : i32
    %mul3A_0 = arith.muli %arg0, %mul3A : i32
    %add3A = arith.addi %mul3A_0, %arg1 : i32
    %run_scoped3A = arith.constant 0 : i32
    "tpu.region"() ({
      %run_scoped3A_97 = tpu.sem_alloc : memref<!tpu.dma_semaphore, #tpu.memory_space<semaphore_mem>>
      %dma_start3A_98 = arith.constant 0 : i32
      %dma_start3A_99 = arith.constant 0 : i32
      %dma_start3A_100 = arith.constant 0 : i32
      %dma_start3A_101 = tpu.memref_slice %arg3[%run_scoped3A, %add3A, %dma_start3A_98, %dma_start3A_99, %dma_start3A_100] : memref<2x32x50x1x200xi32, #tpu.memory_space<hbm>> -> memref<1x1x50x1x200xi32, #tpu.memory_space<hbm>>
      %dma_start3A_102 = tpu.memref_squeeze %dma_start3A_101 : memref<1x1x50x1x200xi32, #tpu.memory_space<hbm>> -> memref<50x1x200xi32, #tpu.memory_space<hbm>>
      %dma_start3A_103 = arith.constant 0 : i32
      %dma_start3A_104 = arith.constant 0 : i32
      %dma_start3A_105 = arith.constant 0 : i32
      %dma_start3A_106 = tpu.memref_slice %arg3[%run_scoped3A, %add3A, %dma_start3A_103, %dma_start3A_104, %dma_start3A_105] : memref<2x32x50x1x200xi32, #tpu.memory_space<hbm>> -> memref<1x1x50x1x200xi32, #tpu.memory_space<hbm>>
      %dma_start3A_107 = tpu.memref_squeeze %dma_start3A_106 : memref<1x1x50x1x200xi32, #tpu.memory_space<hbm>> -> memref<50x1x200xi32, #tpu.memory_space<hbm>>
      tpu.enqueue_dma source(%dma_start3A_107 : memref<50x1x200xi32, #tpu.memory_space<hbm>>) target(%arg6 : memref<50x1x200xi32, #tpu.memory_space<vmem>>) target_semaphore(%run_scoped3A_97 : memref<!tpu.dma_semaphore, #tpu.memory_space<semaphore_mem>>)
      %dma_wait3A = arith.constant 0 : i32
      %dma_wait3A_108 = arith.constant 0 : i32
      %dma_wait3A_109 = arith.constant 0 : i32
      %dma_wait3A_110 = tpu.memref_slice %arg3[%run_scoped3A, %add3A, %dma_wait3A, %dma_wait3A_108, %dma_wait3A_109] : memref<2x32x50x1x200xi32, #tpu.memory_space<hbm>> -> memref<1x1x50x1x200xi32, #tpu.memory_space<hbm>>
      %dma_wait3A_111 = tpu.memref_squeeze %dma_wait3A_110 : memref<1x1x50x1x200xi32, #tpu.memory_space<hbm>> -> memref<50x1x200xi32, #tpu.memory_space<hbm>>
      %dma_wait3A_112 = arith.constant 0 : i32
      %dma_wait3A_113 = arith.constant 0 : i32
      %dma_wait3A_114 = arith.constant 0 : i32
      %dma_wait3A_115 = tpu.memref_slice %arg3[%run_scoped3A, %add3A, %dma_wait3A_112, %dma_wait3A_113, %dma_wait3A_114] : memref<2x32x50x1x200xi32, #tpu.memory_space<hbm>> -> memref<1x1x50x1x200xi32, #tpu.memory_space<hbm>>
      %dma_wait3A_116 = tpu.memref_squeeze %dma_wait3A_115 : memref<1x1x50x1x200xi32, #tpu.memory_space<hbm>> -> memref<50x1x200xi32, #tpu.memory_space<hbm>>
      tpu.wait_dma2 semaphore(%run_scoped3A_97 : memref<!tpu.dma_semaphore, #tpu.memory_space<semaphore_mem>>) src(%dma_wait3A_116 : memref<50x1x200xi32, #tpu.memory_space<hbm>>) dst(%arg6 : memref<50x1x200xi32, #tpu.memory_space<vmem>>)
      tpu.yield
    }) : () -> ()
    %run_scoped3A_1 = arith.constant 1 : i32
    "tpu.region"() ({
      %run_scoped3A_97 = tpu.sem_alloc : memref<!tpu.dma_semaphore, #tpu.memory_space<semaphore_mem>>
      %dma_start3A_98 = arith.constant 0 : i32
      %dma_start3A_99 = arith.constant 0 : i32
      %dma_start3A_100 = arith.constant 0 : i32
      %dma_start3A_101 = tpu.memref_slice %arg3[%run_scoped3A_1, %add3A, %dma_start3A_98, %dma_start3A_99, %dma_start3A_100] : memref<2x32x50x1x200xi32, #tpu.memory_space<hbm>> -> memref<1x1x50x1x200xi32, #tpu.memory_space<hbm>>
      %dma_start3A_102 = tpu.memref_squeeze %dma_start3A_101 : memref<1x1x50x1x200xi32, #tpu.memory_space<hbm>> -> memref<50x1x200xi32, #tpu.memory_space<hbm>>
      %dma_start3A_103 = arith.constant 0 : i32
      %dma_start3A_104 = arith.constant 0 : i32
      %dma_start3A_105 = arith.constant 0 : i32
      %dma_start3A_106 = tpu.memref_slice %arg3[%run_scoped3A_1, %add3A, %dma_start3A_103, %dma_start3A_104, %dma_start3A_105] : memref<2x32x50x1x200xi32, #tpu.memory_space<hbm>> -> memref<1x1x50x1x200xi32, #tpu.memory_space<hbm>>
      %dma_start3A_107 = tpu.memref_squeeze %dma_start3A_106 : memref<1x1x50x1x200xi32, #tpu.memory_space<hbm>> -> memref<50x1x200xi32, #tpu.memory_space<hbm>>
      tpu.enqueue_dma source(%dma_start3A_107 : memref<50x1x200xi32, #tpu.memory_space<hbm>>) target(%arg7 : memref<50x1x200xi32, #tpu.memory_space<vmem>>) target_semaphore(%run_scoped3A_97 : memref<!tpu.dma_semaphore, #tpu.memory_space<semaphore_mem>>)
      %dma_wait3A = arith.constant 0 : i32
      %dma_wait3A_108 = arith.constant 0 : i32
      %dma_wait3A_109 = arith.constant 0 : i32
      %dma_wait3A_110 = tpu.memref_slice %arg3[%run_scoped3A_1, %add3A, %dma_wait3A, %dma_wait3A_108, %dma_wait3A_109] : memref<2x32x50x1x200xi32, #tpu.memory_space<hbm>> -> memref<1x1x50x1x200xi32, #tpu.memory_space<hbm>>
      %dma_wait3A_111 = tpu.memref_squeeze %dma_wait3A_110 : memref<1x1x50x1x200xi32, #tpu.memory_space<hbm>> -> memref<50x1x200xi32, #tpu.memory_space<hbm>>
      %dma_wait3A_112 = arith.constant 0 : i32
      %dma_wait3A_113 = arith.constant 0 : i32
      %dma_wait3A_114 = arith.constant 0 : i32
      %dma_wait3A_115 = tpu.memref_slice %arg3[%run_scoped3A_1, %add3A, %dma_wait3A_112, %dma_wait3A_113, %dma_wait3A_114] : memref<2x32x50x1x200xi32, #tpu.memory_space<hbm>> -> memref<1x1x50x1x200xi32, #tpu.memory_space<hbm>>
      %dma_wait3A_116 = tpu.memref_squeeze %dma_wait3A_115 : memref<1x1x50x1x200xi32, #tpu.memory_space<hbm>> -> memref<50x1x200xi32, #tpu.memory_space<hbm>>
      tpu.wait_dma2 semaphore(%run_scoped3A_97 : memref<!tpu.dma_semaphore, #tpu.memory_space<semaphore_mem>>) src(%dma_wait3A_116 : memref<50x1x200xi32, #tpu.memory_space<hbm>>) dst(%arg7 : memref<50x1x200xi32, #tpu.memory_space<vmem>>)
      tpu.yield
    }) : () -> ()
    %eq3A = arith.constant 0 : i32
    %eq3A_2 = arith.cmpi eq, %arg0, %eq3A : i32
    %convert_element_type3A = arith.extui %eq3A_2 : i1 to i32
    %cond3A = arith.constant 0 : i32
    %cond3A_3 = arith.cmpi ne, %convert_element_type3A, %cond3A : i32
    scf.if %cond3A_3 {
      %mul3A_97 = arith.constant 640 : i32
      %mul3A_98 = arith.muli %arg1, %mul3A_97 : i32
      %mul3A_99 = arith.constant 640 : i32
      %mul3A_100 = arith.muli %arg1, %mul3A_99 : i32
      "tpu.region"() ({
        %run_scoped3A_101 = tpu.sem_alloc : memref<!tpu.dma_semaphore, #tpu.memory_space<semaphore_mem>>
        %dma_start3A_102 = arith.constant 0 : i32
        %dma_start3A_103 = tpu.memref_slice %arg9[%mul3A_100, %dma_start3A_102] : memref<10240x64xf32, #tpu.memory_space<vmem_shared>> -> memref<640x64xf32, #tpu.memory_space<vmem_shared>>
        %dma_start3A_104 = arith.constant 0 : i32
        %dma_start3A_105 = tpu.memref_slice %arg2[%mul3A_98, %dma_start3A_104] : memref<10240x64xf32, #tpu.memory_space<hbm>> -> memref<640x64xf32, #tpu.memory_space<hbm>>
        tpu.enqueue_dma source(%dma_start3A_105 : memref<640x64xf32, #tpu.memory_space<hbm>>) target(%dma_start3A_103 : memref<640x64xf32, #tpu.memory_space<vmem_shared>>) target_semaphore(%run_scoped3A_101 : memref<!tpu.dma_semaphore, #tpu.memory_space<semaphore_mem>>)
        %dma_wait3A = arith.constant 0 : i32
        %dma_wait3A_106 = tpu.memref_slice %arg9[%mul3A_100, %dma_wait3A] : memref<10240x64xf32, #tpu.memory_space<vmem_shared>> -> memref<640x64xf32, #tpu.memory_space<vmem_shared>>
        %dma_wait3A_107 = arith.constant 0 : i32
        %dma_wait3A_108 = tpu.memref_slice %arg2[%mul3A_98, %dma_wait3A_107] : memref<10240x64xf32, #tpu.memory_space<hbm>> -> memref<640x64xf32, #tpu.memory_space<hbm>>
        tpu.wait_dma2 semaphore(%run_scoped3A_101 : memref<!tpu.dma_semaphore, #tpu.memory_space<semaphore_mem>>) src(%dma_wait3A_108 : memref<640x64xf32, #tpu.memory_space<hbm>>) dst(%dma_wait3A_106 : memref<640x64xf32, #tpu.memory_space<vmem_shared>>)
        tpu.yield
      }) : () -> ()
    } else {
    }
    %ne3A = arith.constant 0 : i32
    %ne3A_4 = arith.cmpi ne, %arg0, %ne3A : i32
    %convert_element_type3A_5 = arith.extui %ne3A_4 : i1 to i32
    %cond3A_6 = arith.constant 0 : i32
    %cond3A_7 = arith.cmpi ne, %convert_element_type3A_5, %cond3A_6 : i32
    scf.if %cond3A_7 {
      %mul3A_97 = arith.constant 640 : i32
      %mul3A_98 = arith.muli %arg1, %mul3A_97 : i32
      %mul3A_99 = arith.constant 640 : i32
      %mul3A_100 = arith.muli %arg1, %mul3A_99 : i32
      "tpu.region"() ({
        %run_scoped3A_101 = tpu.sem_alloc : memref<!tpu.dma_semaphore, #tpu.memory_space<semaphore_mem>>
        %dma_start3A_102 = arith.constant 0 : i32
        %dma_start3A_103 = tpu.memref_slice %arg9[%mul3A_100, %dma_start3A_102] : memref<10240x64xf32, #tpu.memory_space<vmem_shared>> -> memref<640x64xf32, #tpu.memory_space<vmem_shared>>
        %dma_start3A_104 = arith.constant 0 : i32
        %dma_start3A_105 = tpu.memref_slice %arg4[%mul3A_98, %dma_start3A_104] : memref<10240x64xf32, #tpu.memory_space<hbm>> -> memref<640x64xf32, #tpu.memory_space<hbm>>
        tpu.enqueue_dma source(%dma_start3A_105 : memref<640x64xf32, #tpu.memory_space<hbm>>) target(%dma_start3A_103 : memref<640x64xf32, #tpu.memory_space<vmem_shared>>) target_semaphore(%run_scoped3A_101 : memref<!tpu.dma_semaphore, #tpu.memory_space<semaphore_mem>>)
        %dma_wait3A = arith.constant 0 : i32
        %dma_wait3A_106 = tpu.memref_slice %arg9[%mul3A_100, %dma_wait3A] : memref<10240x64xf32, #tpu.memory_space<vmem_shared>> -> memref<640x64xf32, #tpu.memory_space<vmem_shared>>
        %dma_wait3A_107 = arith.constant 0 : i32
        %dma_wait3A_108 = tpu.memref_slice %arg4[%mul3A_98, %dma_wait3A_107] : memref<10240x64xf32, #tpu.memory_space<hbm>> -> memref<640x64xf32, #tpu.memory_space<hbm>>
        tpu.wait_dma2 semaphore(%run_scoped3A_101 : memref<!tpu.dma_semaphore, #tpu.memory_space<semaphore_mem>>) src(%dma_wait3A_108 : memref<640x64xf32, #tpu.memory_space<hbm>>) dst(%dma_wait3A_106 : memref<640x64xf32, #tpu.memory_space<vmem_shared>>)
        tpu.yield
      }) : () -> ()
    } else {
    }
    %barrier3A = arith.constant 0 : index
    tpu.barrier barrier_id(%barrier3A)
    %dma_start3A = arith.constant 0 : i32
    %dma_start3A_8 = arith.constant 0 : i32
    %dma_start3A_9 = arith.constant 0 : i32
    %dma_start3A_10 = arith.constant 0 : i32
    %dma_start3A_11 = arith.constant 0 : i32
    %dma_start3A_12 = arith.constant 0 : i32
    %dma_start3A_13 = tpu.memref_slice %arg8[%dma_start3A_9, %dma_start3A_11, %dma_start3A_12] : memref<5x200x64xf32, #tpu.memory_space<vmem>> -> memref<1x200x64xf32, #tpu.memory_space<vmem>>
    %dma_start3A_14 = tpu.memref_squeeze %dma_start3A_13 : memref<1x200x64xf32, #tpu.memory_space<vmem>> -> memref<200x64xf32, #tpu.memory_space<vmem>>
    %dma_start3A_15 = arith.constant 0 : i32
    %dma_start3A_16 = tpu.memref_slice %arg6[%dma_start3A, %dma_start3A_8, %dma_start3A_15] : memref<50x1x200xi32, #tpu.memory_space<vmem>> -> memref<1x1x200xi32, #tpu.memory_space<vmem>>
    %dma_start3A_17 = tpu.memref_squeeze %dma_start3A_16 : memref<1x1x200xi32, #tpu.memory_space<vmem>> -> memref<200xi32, #tpu.memory_space<vmem>>
    %dma_start3A_18 = arith.constant 0 : i32
    %dma_start3A_19 = arith.constant 0 : i32
    %dma_start3A_20 = tpu.memref_slice %arg2[%dma_start3A_18, %dma_start3A_19] : memref<10240x64xf32, #tpu.memory_space<hbm>> -> memref<10240x64xf32, #tpu.memory_space<hbm>>
    %dma_start3A_21 = tpu.memref_slice %arg10[%dma_start3A_10] : memref<5x!tpu.dma_semaphore, #tpu.memory_space<semaphore_mem>> -> memref<1x!tpu.dma_semaphore, #tpu.memory_space<semaphore_mem>>
    %dma_start3A_22 = tpu.memref_squeeze %dma_start3A_21 : memref<1x!tpu.dma_semaphore, #tpu.memory_space<semaphore_mem>> -> memref<!tpu.dma_semaphore, #tpu.memory_space<semaphore_mem>>
    tpu.enqueue_indirect_dma source(%dma_start3A_20 : memref<10240x64xf32, #tpu.memory_space<hbm>>) target(%dma_start3A_14 : memref<200x64xf32, #tpu.memory_space<vmem>>) offsets(%dma_start3A_17 : memref<200xi32, #tpu.memory_space<vmem>>) semaphore(%dma_start3A_22 : memref<!tpu.dma_semaphore, #tpu.memory_space<semaphore_mem>>)
    %dma_start3A_23 = arith.constant 1 : i32
    %dma_start3A_24 = arith.constant 0 : i32
    %dma_start3A_25 = arith.constant 1 : i32
    %dma_start3A_26 = arith.constant 1 : i32
    %dma_start3A_27 = arith.constant 0 : i32
    %dma_start3A_28 = arith.constant 0 : i32
    %dma_start3A_29 = tpu.memref_slice %arg8[%dma_start3A_25, %dma_start3A_27, %dma_start3A_28] : memref<5x200x64xf32, #tpu.memory_space<vmem>> -> memref<1x200x64xf32, #tpu.memory_space<vmem>>
    %dma_start3A_30 = tpu.memref_squeeze %dma_start3A_29 : memref<1x200x64xf32, #tpu.memory_space<vmem>> -> memref<200x64xf32, #tpu.memory_space<vmem>>
    %dma_start3A_31 = arith.constant 0 : i32
    %dma_start3A_32 = tpu.memref_slice %arg6[%dma_start3A_23, %dma_start3A_24, %dma_start3A_31] : memref<50x1x200xi32, #tpu.memory_space<vmem>> -> memref<1x1x200xi32, #tpu.memory_space<vmem>>
    %dma_start3A_33 = tpu.memref_squeeze %dma_start3A_32 : memref<1x1x200xi32, #tpu.memory_space<vmem>> -> memref<200xi32, #tpu.memory_space<vmem>>
    %dma_start3A_34 = arith.constant 0 : i32
    %dma_start3A_35 = arith.constant 0 : i32
    %dma_start3A_36 = tpu.memref_slice %arg2[%dma_start3A_34, %dma_start3A_35] : memref<10240x64xf32, #tpu.memory_space<hbm>> -> memref<10240x64xf32, #tpu.memory_space<hbm>>
    %dma_start3A_37 = tpu.memref_slice %arg10[%dma_start3A_26] : memref<5x!tpu.dma_semaphore, #tpu.memory_space<semaphore_mem>> -> memref<1x!tpu.dma_semaphore, #tpu.memory_space<semaphore_mem>>
    %dma_start3A_38 = tpu.memref_squeeze %dma_start3A_37 : memref<1x!tpu.dma_semaphore, #tpu.memory_space<semaphore_mem>> -> memref<!tpu.dma_semaphore, #tpu.memory_space<semaphore_mem>>
    tpu.enqueue_indirect_dma source(%dma_start3A_36 : memref<10240x64xf32, #tpu.memory_space<hbm>>) target(%dma_start3A_30 : memref<200x64xf32, #tpu.memory_space<vmem>>) offsets(%dma_start3A_33 : memref<200xi32, #tpu.memory_space<vmem>>) semaphore(%dma_start3A_38 : memref<!tpu.dma_semaphore, #tpu.memory_space<semaphore_mem>>)
    %dma_start3A_39 = arith.constant 2 : i32
    %dma_start3A_40 = arith.constant 0 : i32
    %dma_start3A_41 = arith.constant 2 : i32
    %dma_start3A_42 = arith.constant 2 : i32
    %dma_start3A_43 = arith.constant 0 : i32
    %dma_start3A_44 = arith.constant 0 : i32
    %dma_start3A_45 = tpu.memref_slice %arg8[%dma_start3A_41, %dma_start3A_43, %dma_start3A_44] : memref<5x200x64xf32, #tpu.memory_space<vmem>> -> memref<1x200x64xf32, #tpu.memory_space<vmem>>
    %dma_start3A_46 = tpu.memref_squeeze %dma_start3A_45 : memref<1x200x64xf32, #tpu.memory_space<vmem>> -> memref<200x64xf32, #tpu.memory_space<vmem>>
    %dma_start3A_47 = arith.constant 0 : i32
    %dma_start3A_48 = tpu.memref_slice %arg6[%dma_start3A_39, %dma_start3A_40, %dma_start3A_47] : memref<50x1x200xi32, #tpu.memory_space<vmem>> -> memref<1x1x200xi32, #tpu.memory_space<vmem>>
    %dma_start3A_49 = tpu.memref_squeeze %dma_start3A_48 : memref<1x1x200xi32, #tpu.memory_space<vmem>> -> memref<200xi32, #tpu.memory_space<vmem>>
    %dma_start3A_50 = arith.constant 0 : i32
    %dma_start3A_51 = arith.constant 0 : i32
    %dma_start3A_52 = tpu.memref_slice %arg2[%dma_start3A_50, %dma_start3A_51] : memref<10240x64xf32, #tpu.memory_space<hbm>> -> memref<10240x64xf32, #tpu.memory_space<hbm>>
    %dma_start3A_53 = tpu.memref_slice %arg10[%dma_start3A_42] : memref<5x!tpu.dma_semaphore, #tpu.memory_space<semaphore_mem>> -> memref<1x!tpu.dma_semaphore, #tpu.memory_space<semaphore_mem>>
    %dma_start3A_54 = tpu.memref_squeeze %dma_start3A_53 : memref<1x!tpu.dma_semaphore, #tpu.memory_space<semaphore_mem>> -> memref<!tpu.dma_semaphore, #tpu.memory_space<semaphore_mem>>
    tpu.enqueue_indirect_dma source(%dma_start3A_52 : memref<10240x64xf32, #tpu.memory_space<hbm>>) target(%dma_start3A_46 : memref<200x64xf32, #tpu.memory_space<vmem>>) offsets(%dma_start3A_49 : memref<200xi32, #tpu.memory_space<vmem>>) semaphore(%dma_start3A_54 : memref<!tpu.dma_semaphore, #tpu.memory_space<semaphore_mem>>)
    %dma_start3A_55 = arith.constant 3 : i32
    %dma_start3A_56 = arith.constant 0 : i32
    %dma_start3A_57 = arith.constant 3 : i32
    %dma_start3A_58 = arith.constant 3 : i32
    %dma_start3A_59 = arith.constant 0 : i32
    %dma_start3A_60 = arith.constant 0 : i32
    %dma_start3A_61 = tpu.memref_slice %arg8[%dma_start3A_57, %dma_start3A_59, %dma_start3A_60] : memref<5x200x64xf32, #tpu.memory_space<vmem>> -> memref<1x200x64xf32, #tpu.memory_space<vmem>>
    %dma_start3A_62 = tpu.memref_squeeze %dma_start3A_61 : memref<1x200x64xf32, #tpu.memory_space<vmem>> -> memref<200x64xf32, #tpu.memory_space<vmem>>
    %dma_start3A_63 = arith.constant 0 : i32
    %dma_start3A_64 = tpu.memref_slice %arg6[%dma_start3A_55, %dma_start3A_56, %dma_start3A_63] : memref<50x1x200xi32, #tpu.memory_space<vmem>> -> memref<1x1x200xi32, #tpu.memory_space<vmem>>
    %dma_start3A_65 = tpu.memref_squeeze %dma_start3A_64 : memref<1x1x200xi32, #tpu.memory_space<vmem>> -> memref<200xi32, #tpu.memory_space<vmem>>
    %dma_start3A_66 = arith.constant 0 : i32
    %dma_start3A_67 = arith.constant 0 : i32
    %dma_start3A_68 = tpu.memref_slice %arg2[%dma_start3A_66, %dma_start3A_67] : memref<10240x64xf32, #tpu.memory_space<hbm>> -> memref<10240x64xf32, #tpu.memory_space<hbm>>
    %dma_start3A_69 = tpu.memref_slice %arg10[%dma_start3A_58] : memref<5x!tpu.dma_semaphore, #tpu.memory_space<semaphore_mem>> -> memref<1x!tpu.dma_semaphore, #tpu.memory_space<semaphore_mem>>
    %dma_start3A_70 = tpu.memref_squeeze %dma_start3A_69 : memref<1x!tpu.dma_semaphore, #tpu.memory_space<semaphore_mem>> -> memref<!tpu.dma_semaphore, #tpu.memory_space<semaphore_mem>>
    tpu.enqueue_indirect_dma source(%dma_start3A_68 : memref<10240x64xf32, #tpu.memory_space<hbm>>) target(%dma_start3A_62 : memref<200x64xf32, #tpu.memory_space<vmem>>) offsets(%dma_start3A_65 : memref<200xi32, #tpu.memory_space<vmem>>) semaphore(%dma_start3A_70 : memref<!tpu.dma_semaphore, #tpu.memory_space<semaphore_mem>>)
    %dma_start3A_71 = arith.constant 4 : i32
    %dma_start3A_72 = arith.constant 0 : i32
    %dma_start3A_73 = arith.constant 4 : i32
    %dma_start3A_74 = arith.constant 4 : i32
    %dma_start3A_75 = arith.constant 0 : i32
    %dma_start3A_76 = arith.constant 0 : i32
    %dma_start3A_77 = tpu.memref_slice %arg8[%dma_start3A_73, %dma_start3A_75, %dma_start3A_76] : memref<5x200x64xf32, #tpu.memory_space<vmem>> -> memref<1x200x64xf32, #tpu.memory_space<vmem>>
    %dma_start3A_78 = tpu.memref_squeeze %dma_start3A_77 : memref<1x200x64xf32, #tpu.memory_space<vmem>> -> memref<200x64xf32, #tpu.memory_space<vmem>>
    %dma_start3A_79 = arith.constant 0 : i32
    %dma_start3A_80 = tpu.memref_slice %arg6[%dma_start3A_71, %dma_start3A_72, %dma_start3A_79] : memref<50x1x200xi32, #tpu.memory_space<vmem>> -> memref<1x1x200xi32, #tpu.memory_space<vmem>>
    %dma_start3A_81 = tpu.memref_squeeze %dma_start3A_80 : memref<1x1x200xi32, #tpu.memory_space<vmem>> -> memref<200xi32, #tpu.memory_space<vmem>>
    %dma_start3A_82 = arith.constant 0 : i32
    %dma_start3A_83 = arith.constant 0 : i32
    %dma_start3A_84 = tpu.memref_slice %arg2[%dma_start3A_82, %dma_start3A_83] : memref<10240x64xf32, #tpu.memory_space<hbm>> -> memref<10240x64xf32, #tpu.memory_space<hbm>>
    %dma_start3A_85 = tpu.memref_slice %arg10[%dma_start3A_74] : memref<5x!tpu.dma_semaphore, #tpu.memory_space<semaphore_mem>> -> memref<1x!tpu.dma_semaphore, #tpu.memory_space<semaphore_mem>>
    %dma_start3A_86 = tpu.memref_squeeze %dma_start3A_85 : memref<1x!tpu.dma_semaphore, #tpu.memory_space<semaphore_mem>> -> memref<!tpu.dma_semaphore, #tpu.memory_space<semaphore_mem>>
    tpu.enqueue_indirect_dma source(%dma_start3A_84 : memref<10240x64xf32, #tpu.memory_space<hbm>>) target(%dma_start3A_78 : memref<200x64xf32, #tpu.memory_space<vmem>>) offsets(%dma_start3A_81 : memref<200xi32, #tpu.memory_space<vmem>>) semaphore(%dma_start3A_86 : memref<!tpu.dma_semaphore, #tpu.memory_space<semaphore_mem>>)
    %scan3A = arith.constant 0 : i32
    %scan3A_87 = arith.constant 0 : i32
    %scan3A_88 = arith.constant 10 : i32
    %scan3A_89 = arith.addi %scan3A_87, %scan3A_88 : i32
    %scan3A_90 = arith.constant 1 : i32
    scf.for %scan3A_97 = %scan3A_87 to %scan3A_89 step %scan3A_90  : i32 {
      %mul3A_98 = arith.constant 5 : i32
      %mul3A_99 = arith.muli %mul3A_98, %scan3A_97 : i32
      %add3A_100 = arith.constant 0 : i32
      %add3A_101 = arith.addi %mul3A_99, %add3A_100 : i32
      %dma_wait3A = arith.constant 0 : i32
      %dma_wait3A_102 = arith.constant 0 : i32
      %dma_wait3A_103 = arith.constant 0 : i32
      %dma_wait3A_104 = arith.constant 0 : i32
      %dma_wait3A_105 = arith.constant 0 : i32
      %dma_wait3A_106 = tpu.memref_slice %arg8[%dma_wait3A_102, %dma_wait3A_104, %dma_wait3A_105] : memref<5x200x64xf32, #tpu.memory_space<vmem>> -> memref<1x200x64xf32, #tpu.memory_space<vmem>>
      %dma_wait3A_107 = tpu.memref_squeeze %dma_wait3A_106 : memref<1x200x64xf32, #tpu.memory_space<vmem>> -> memref<200x64xf32, #tpu.memory_space<vmem>>
      %dma_wait3A_108 = arith.constant 0 : i32
      %dma_wait3A_109 = tpu.memref_slice %arg6[%add3A_101, %dma_wait3A, %dma_wait3A_108] : memref<50x1x200xi32, #tpu.memory_space<vmem>> -> memref<1x1x200xi32, #tpu.memory_space<vmem>>
      %dma_wait3A_110 = tpu.memref_squeeze %dma_wait3A_109 : memref<1x1x200xi32, #tpu.memory_space<vmem>> -> memref<200xi32, #tpu.memory_space<vmem>>
      %dma_wait3A_111 = arith.constant 0 : i32
      %dma_wait3A_112 = arith.constant 0 : i32
      %dma_wait3A_113 = tpu.memref_slice %arg2[%dma_wait3A_111, %dma_wait3A_112] : memref<10240x64xf32, #tpu.memory_space<hbm>> -> memref<10240x64xf32, #tpu.memory_space<hbm>>
      %dma_wait3A_114 = tpu.memref_slice %arg10[%dma_wait3A_103] : memref<5x!tpu.dma_semaphore, #tpu.memory_space<semaphore_mem>> -> memref<1x!tpu.dma_semaphore, #tpu.memory_space<semaphore_mem>>
      %dma_wait3A_115 = tpu.memref_squeeze %dma_wait3A_114 : memref<1x!tpu.dma_semaphore, #tpu.memory_space<semaphore_mem>> -> memref<!tpu.dma_semaphore, #tpu.memory_space<semaphore_mem>>
      tpu.wait_indirect_dma semaphore(%dma_wait3A_115 : memref<!tpu.dma_semaphore, #tpu.memory_space<semaphore_mem>>) src(%dma_wait3A_113 : memref<10240x64xf32, #tpu.memory_space<hbm>>) dst(%dma_wait3A_107 : memref<200x64xf32, #tpu.memory_space<vmem>>)
      %dma_start3A_116 = arith.constant 0 : i32
      %dma_start3A_117 = arith.constant 0 : i32
      %dma_start3A_118 = arith.constant 0 : i32
      %dma_start3A_119 = arith.constant 0 : i32
      %dma_start3A_120 = arith.constant 0 : i32
      %dma_start3A_121 = tpu.memref_slice %arg8[%dma_start3A_116, %dma_start3A_119, %dma_start3A_120] : memref<5x200x64xf32, #tpu.memory_space<vmem>> -> memref<1x200x64xf32, #tpu.memory_space<vmem>>
      %dma_start3A_122 = tpu.memref_squeeze %dma_start3A_121 : memref<1x200x64xf32, #tpu.memory_space<vmem>> -> memref<200x64xf32, #tpu.memory_space<vmem>>
      %dma_start3A_123 = arith.constant 0 : i32
      %dma_start3A_124 = tpu.memref_slice %arg7[%add3A_101, %dma_start3A_117, %dma_start3A_123] : memref<50x1x200xi32, #tpu.memory_space<vmem>> -> memref<1x1x200xi32, #tpu.memory_space<vmem>>
      %dma_start3A_125 = tpu.memref_squeeze %dma_start3A_124 : memref<1x1x200xi32, #tpu.memory_space<vmem>> -> memref<200xi32, #tpu.memory_space<vmem>>
      %dma_start3A_126 = arith.constant 0 : i32
      %dma_start3A_127 = arith.constant 0 : i32
      %dma_start3A_128 = tpu.memref_slice %arg9[%dma_start3A_126, %dma_start3A_127] : memref<10240x64xf32, #tpu.memory_space<vmem_shared>> -> memref<10240x64xf32, #tpu.memory_space<vmem_shared>>
      %dma_start3A_129 = tpu.memref_slice %arg11[%dma_start3A_118] : memref<5x!tpu.dma_semaphore, #tpu.memory_space<semaphore_mem>> -> memref<1x!tpu.dma_semaphore, #tpu.memory_space<semaphore_mem>>
      %dma_start3A_130 = tpu.memref_squeeze %dma_start3A_129 : memref<1x!tpu.dma_semaphore, #tpu.memory_space<semaphore_mem>> -> memref<!tpu.dma_semaphore, #tpu.memory_space<semaphore_mem>>
      tpu.enqueue_indirect_dma source(%dma_start3A_122 : memref<200x64xf32, #tpu.memory_space<vmem>>) target(%dma_start3A_128 : memref<10240x64xf32, #tpu.memory_space<vmem_shared>>) offsets(%dma_start3A_125 : memref<200xi32, #tpu.memory_space<vmem>>) semaphore(%dma_start3A_130 : memref<!tpu.dma_semaphore, #tpu.memory_space<semaphore_mem>>) {add = true}
      %mul3A_131 = arith.constant 5 : i32
      %mul3A_132 = arith.muli %mul3A_131, %scan3A_97 : i32
      %add3A_133 = arith.constant 1 : i32
      %add3A_134 = arith.addi %mul3A_132, %add3A_133 : i32
      %dma_wait3A_135 = arith.constant 0 : i32
      %dma_wait3A_136 = arith.constant 1 : i32
      %dma_wait3A_137 = arith.constant 1 : i32
      %dma_wait3A_138 = arith.constant 0 : i32
      %dma_wait3A_139 = arith.constant 0 : i32
      %dma_wait3A_140 = tpu.memref_slice %arg8[%dma_wait3A_136, %dma_wait3A_138, %dma_wait3A_139] : memref<5x200x64xf32, #tpu.memory_space<vmem>> -> memref<1x200x64xf32, #tpu.memory_space<vmem>>
      %dma_wait3A_141 = tpu.memref_squeeze %dma_wait3A_140 : memref<1x200x64xf32, #tpu.memory_space<vmem>> -> memref<200x64xf32, #tpu.memory_space<vmem>>
      %dma_wait3A_142 = arith.constant 0 : i32
      %dma_wait3A_143 = tpu.memref_slice %arg6[%add3A_134, %dma_wait3A_135, %dma_wait3A_142] : memref<50x1x200xi32, #tpu.memory_space<vmem>> -> memref<1x1x200xi32, #tpu.memory_space<vmem>>
      %dma_wait3A_144 = tpu.memref_squeeze %dma_wait3A_143 : memref<1x1x200xi32, #tpu.memory_space<vmem>> -> memref<200xi32, #tpu.memory_space<vmem>>
      %dma_wait3A_145 = arith.constant 0 : i32
      %dma_wait3A_146 = arith.constant 0 : i32
      %dma_wait3A_147 = tpu.memref_slice %arg2[%dma_wait3A_145, %dma_wait3A_146] : memref<10240x64xf32, #tpu.memory_space<hbm>> -> memref<10240x64xf32, #tpu.memory_space<hbm>>
      %dma_wait3A_148 = tpu.memref_slice %arg10[%dma_wait3A_137] : memref<5x!tpu.dma_semaphore, #tpu.memory_space<semaphore_mem>> -> memref<1x!tpu.dma_semaphore, #tpu.memory_space<semaphore_mem>>
      %dma_wait3A_149 = tpu.memref_squeeze %dma_wait3A_148 : memref<1x!tpu.dma_semaphore, #tpu.memory_space<semaphore_mem>> -> memref<!tpu.dma_semaphore, #tpu.memory_space<semaphore_mem>>
      tpu.wait_indirect_dma semaphore(%dma_wait3A_149 : memref<!tpu.dma_semaphore, #tpu.memory_space<semaphore_mem>>) src(%dma_wait3A_147 : memref<10240x64xf32, #tpu.memory_space<hbm>>) dst(%dma_wait3A_141 : memref<200x64xf32, #tpu.memory_space<vmem>>)
      %dma_start3A_150 = arith.constant 1 : i32
      %dma_start3A_151 = arith.constant 0 : i32
      %dma_start3A_152 = arith.constant 1 : i32
      %dma_start3A_153 = arith.constant 0 : i32
      %dma_start3A_154 = arith.constant 0 : i32
      %dma_start3A_155 = tpu.memref_slice %arg8[%dma_start3A_150, %dma_start3A_153, %dma_start3A_154] : memref<5x200x64xf32, #tpu.memory_space<vmem>> -> memref<1x200x64xf32, #tpu.memory_space<vmem>>
      %dma_start3A_156 = tpu.memref_squeeze %dma_start3A_155 : memref<1x200x64xf32, #tpu.memory_space<vmem>> -> memref<200x64xf32, #tpu.memory_space<vmem>>
      %dma_start3A_157 = arith.constant 0 : i32
      %dma_start3A_158 = tpu.memref_slice %arg7[%add3A_134, %dma_start3A_151, %dma_start3A_157] : memref<50x1x200xi32, #tpu.memory_space<vmem>> -> memref<1x1x200xi32, #tpu.memory_space<vmem>>
      %dma_start3A_159 = tpu.memref_squeeze %dma_start3A_158 : memref<1x1x200xi32, #tpu.memory_space<vmem>> -> memref<200xi32, #tpu.memory_space<vmem>>
      %dma_start3A_160 = arith.constant 0 : i32
      %dma_start3A_161 = arith.constant 0 : i32
      %dma_start3A_162 = tpu.memref_slice %arg9[%dma_start3A_160, %dma_start3A_161] : memref<10240x64xf32, #tpu.memory_space<vmem_shared>> -> memref<10240x64xf32, #tpu.memory_space<vmem_shared>>
      %dma_start3A_163 = tpu.memref_slice %arg11[%dma_start3A_152] : memref<5x!tpu.dma_semaphore, #tpu.memory_space<semaphore_mem>> -> memref<1x!tpu.dma_semaphore, #tpu.memory_space<semaphore_mem>>
      %dma_start3A_164 = tpu.memref_squeeze %dma_start3A_163 : memref<1x!tpu.dma_semaphore, #tpu.memory_space<semaphore_mem>> -> memref<!tpu.dma_semaphore, #tpu.memory_space<semaphore_mem>>
      tpu.enqueue_indirect_dma source(%dma_start3A_156 : memref<200x64xf32, #tpu.memory_space<vmem>>) target(%dma_start3A_162 : memref<10240x64xf32, #tpu.memory_space<vmem_shared>>) offsets(%dma_start3A_159 : memref<200xi32, #tpu.memory_space<vmem>>) semaphore(%dma_start3A_164 : memref<!tpu.dma_semaphore, #tpu.memory_space<semaphore_mem>>) {add = true}
      %mul3A_165 = arith.constant 5 : i32
      %mul3A_166 = arith.muli %mul3A_165, %scan3A_97 : i32
      %add3A_167 = arith.constant 2 : i32
      %add3A_168 = arith.addi %mul3A_166, %add3A_167 : i32
      %dma_wait3A_169 = arith.constant 0 : i32
      %dma_wait3A_170 = arith.constant 2 : i32
      %dma_wait3A_171 = arith.constant 2 : i32
      %dma_wait3A_172 = arith.constant 0 : i32
      %dma_wait3A_173 = arith.constant 0 : i32
      %dma_wait3A_174 = tpu.memref_slice %arg8[%dma_wait3A_170, %dma_wait3A_172, %dma_wait3A_173] : memref<5x200x64xf32, #tpu.memory_space<vmem>> -> memref<1x200x64xf32, #tpu.memory_space<vmem>>
      %dma_wait3A_175 = tpu.memref_squeeze %dma_wait3A_174 : memref<1x200x64xf32, #tpu.memory_space<vmem>> -> memref<200x64xf32, #tpu.memory_space<vmem>>
      %dma_wait3A_176 = arith.constant 0 : i32
      %dma_wait3A_177 = tpu.memref_slice %arg6[%add3A_168, %dma_wait3A_169, %dma_wait3A_176] : memref<50x1x200xi32, #tpu.memory_space<vmem>> -> memref<1x1x200xi32, #tpu.memory_space<vmem>>
      %dma_wait3A_178 = tpu.memref_squeeze %dma_wait3A_177 : memref<1x1x200xi32, #tpu.memory_space<vmem>> -> memref<200xi32, #tpu.memory_space<vmem>>
      %dma_wait3A_179 = arith.constant 0 : i32
      %dma_wait3A_180 = arith.constant 0 : i32
      %dma_wait3A_181 = tpu.memref_slice %arg2[%dma_wait3A_179, %dma_wait3A_180] : memref<10240x64xf32, #tpu.memory_space<hbm>> -> memref<10240x64xf32, #tpu.memory_space<hbm>>
      %dma_wait3A_182 = tpu.memref_slice %arg10[%dma_wait3A_171] : memref<5x!tpu.dma_semaphore, #tpu.memory_space<semaphore_mem>> -> memref<1x!tpu.dma_semaphore, #tpu.memory_space<semaphore_mem>>
      %dma_wait3A_183 = tpu.memref_squeeze %dma_wait3A_182 : memref<1x!tpu.dma_semaphore, #tpu.memory_space<semaphore_mem>> -> memref<!tpu.dma_semaphore, #tpu.memory_space<semaphore_mem>>
      tpu.wait_indirect_dma semaphore(%dma_wait3A_183 : memref<!tpu.dma_semaphore, #tpu.memory_space<semaphore_mem>>) src(%dma_wait3A_181 : memref<10240x64xf32, #tpu.memory_space<hbm>>) dst(%dma_wait3A_175 : memref<200x64xf32, #tpu.memory_space<vmem>>)
      %dma_start3A_184 = arith.constant 2 : i32
      %dma_start3A_185 = arith.constant 0 : i32
      %dma_start3A_186 = arith.constant 2 : i32
      %dma_start3A_187 = arith.constant 0 : i32
      %dma_start3A_188 = arith.constant 0 : i32
      %dma_start3A_189 = tpu.memref_slice %arg8[%dma_start3A_184, %dma_start3A_187, %dma_start3A_188] : memref<5x200x64xf32, #tpu.memory_space<vmem>> -> memref<1x200x64xf32, #tpu.memory_space<vmem>>
      %dma_start3A_190 = tpu.memref_squeeze %dma_start3A_189 : memref<1x200x64xf32, #tpu.memory_space<vmem>> -> memref<200x64xf32, #tpu.memory_space<vmem>>
      %dma_start3A_191 = arith.constant 0 : i32
      %dma_start3A_192 = tpu.memref_slice %arg7[%add3A_168, %dma_start3A_185, %dma_start3A_191] : memref<50x1x200xi32, #tpu.memory_space<vmem>> -> memref<1x1x200xi32, #tpu.memory_space<vmem>>
      %dma_start3A_193 = tpu.memref_squeeze %dma_start3A_192 : memref<1x1x200xi32, #tpu.memory_space<vmem>> -> memref<200xi32, #tpu.memory_space<vmem>>
      %dma_start3A_194 = arith.constant 0 : i32
      %dma_start3A_195 = arith.constant 0 : i32
      %dma_start3A_196 = tpu.memref_slice %arg9[%dma_start3A_194, %dma_start3A_195] : memref<10240x64xf32, #tpu.memory_space<vmem_shared>> -> memref<10240x64xf32, #tpu.memory_space<vmem_shared>>
      %dma_start3A_197 = tpu.memref_slice %arg11[%dma_start3A_186] : memref<5x!tpu.dma_semaphore, #tpu.memory_space<semaphore_mem>> -> memref<1x!tpu.dma_semaphore, #tpu.memory_space<semaphore_mem>>
      %dma_start3A_198 = tpu.memref_squeeze %dma_start3A_197 : memref<1x!tpu.dma_semaphore, #tpu.memory_space<semaphore_mem>> -> memref<!tpu.dma_semaphore, #tpu.memory_space<semaphore_mem>>
      tpu.enqueue_indirect_dma source(%dma_start3A_190 : memref<200x64xf32, #tpu.memory_space<vmem>>) target(%dma_start3A_196 : memref<10240x64xf32, #tpu.memory_space<vmem_shared>>) offsets(%dma_start3A_193 : memref<200xi32, #tpu.memory_space<vmem>>) semaphore(%dma_start3A_198 : memref<!tpu.dma_semaphore, #tpu.memory_space<semaphore_mem>>) {add = true}
      %mul3A_199 = arith.constant 5 : i32
      %mul3A_200 = arith.muli %mul3A_199, %scan3A_97 : i32
      %add3A_201 = arith.constant 3 : i32
      %add3A_202 = arith.addi %mul3A_200, %add3A_201 : i32
      %dma_wait3A_203 = arith.constant 0 : i32
      %dma_wait3A_204 = arith.constant 3 : i32
      %dma_wait3A_205 = arith.constant 3 : i32
      %dma_wait3A_206 = arith.constant 0 : i32
      %dma_wait3A_207 = arith.constant 0 : i32
      %dma_wait3A_208 = tpu.memref_slice %arg8[%dma_wait3A_204, %dma_wait3A_206, %dma_wait3A_207] : memref<5x200x64xf32, #tpu.memory_space<vmem>> -> memref<1x200x64xf32, #tpu.memory_space<vmem>>
      %dma_wait3A_209 = tpu.memref_squeeze %dma_wait3A_208 : memref<1x200x64xf32, #tpu.memory_space<vmem>> -> memref<200x64xf32, #tpu.memory_space<vmem>>
      %dma_wait3A_210 = arith.constant 0 : i32
      %dma_wait3A_211 = tpu.memref_slice %arg6[%add3A_202, %dma_wait3A_203, %dma_wait3A_210] : memref<50x1x200xi32, #tpu.memory_space<vmem>> -> memref<1x1x200xi32, #tpu.memory_space<vmem>>
      %dma_wait3A_212 = tpu.memref_squeeze %dma_wait3A_211 : memref<1x1x200xi32, #tpu.memory_space<vmem>> -> memref<200xi32, #tpu.memory_space<vmem>>
      %dma_wait3A_213 = arith.constant 0 : i32
      %dma_wait3A_214 = arith.constant 0 : i32
      %dma_wait3A_215 = tpu.memref_slice %arg2[%dma_wait3A_213, %dma_wait3A_214] : memref<10240x64xf32, #tpu.memory_space<hbm>> -> memref<10240x64xf32, #tpu.memory_space<hbm>>
      %dma_wait3A_216 = tpu.memref_slice %arg10[%dma_wait3A_205] : memref<5x!tpu.dma_semaphore, #tpu.memory_space<semaphore_mem>> -> memref<1x!tpu.dma_semaphore, #tpu.memory_space<semaphore_mem>>
      %dma_wait3A_217 = tpu.memref_squeeze %dma_wait3A_216 : memref<1x!tpu.dma_semaphore, #tpu.memory_space<semaphore_mem>> -> memref<!tpu.dma_semaphore, #tpu.memory_space<semaphore_mem>>
      tpu.wait_indirect_dma semaphore(%dma_wait3A_217 : memref<!tpu.dma_semaphore, #tpu.memory_space<semaphore_mem>>) src(%dma_wait3A_215 : memref<10240x64xf32, #tpu.memory_space<hbm>>) dst(%dma_wait3A_209 : memref<200x64xf32, #tpu.memory_space<vmem>>)
      %dma_start3A_218 = arith.constant 3 : i32
      %dma_start3A_219 = arith.constant 0 : i32
      %dma_start3A_220 = arith.constant 3 : i32
      %dma_start3A_221 = arith.constant 0 : i32
      %dma_start3A_222 = arith.constant 0 : i32
      %dma_start3A_223 = tpu.memref_slice %arg8[%dma_start3A_218, %dma_start3A_221, %dma_start3A_222] : memref<5x200x64xf32, #tpu.memory_space<vmem>> -> memref<1x200x64xf32, #tpu.memory_space<vmem>>
      %dma_start3A_224 = tpu.memref_squeeze %dma_start3A_223 : memref<1x200x64xf32, #tpu.memory_space<vmem>> -> memref<200x64xf32, #tpu.memory_space<vmem>>
      %dma_start3A_225 = arith.constant 0 : i32
      %dma_start3A_226 = tpu.memref_slice %arg7[%add3A_202, %dma_start3A_219, %dma_start3A_225] : memref<50x1x200xi32, #tpu.memory_space<vmem>> -> memref<1x1x200xi32, #tpu.memory_space<vmem>>
      %dma_start3A_227 = tpu.memref_squeeze %dma_start3A_226 : memref<1x1x200xi32, #tpu.memory_space<vmem>> -> memref<200xi32, #tpu.memory_space<vmem>>
      %dma_start3A_228 = arith.constant 0 : i32
      %dma_start3A_229 = arith.constant 0 : i32
      %dma_start3A_230 = tpu.memref_slice %arg9[%dma_start3A_228, %dma_start3A_229] : memref<10240x64xf32, #tpu.memory_space<vmem_shared>> -> memref<10240x64xf32, #tpu.memory_space<vmem_shared>>
      %dma_start3A_231 = tpu.memref_slice %arg11[%dma_start3A_220] : memref<5x!tpu.dma_semaphore, #tpu.memory_space<semaphore_mem>> -> memref<1x!tpu.dma_semaphore, #tpu.memory_space<semaphore_mem>>
      %dma_start3A_232 = tpu.memref_squeeze %dma_start3A_231 : memref<1x!tpu.dma_semaphore, #tpu.memory_space<semaphore_mem>> -> memref<!tpu.dma_semaphore, #tpu.memory_space<semaphore_mem>>
      tpu.enqueue_indirect_dma source(%dma_start3A_224 : memref<200x64xf32, #tpu.memory_space<vmem>>) target(%dma_start3A_230 : memref<10240x64xf32, #tpu.memory_space<vmem_shared>>) offsets(%dma_start3A_227 : memref<200xi32, #tpu.memory_space<vmem>>) semaphore(%dma_start3A_232 : memref<!tpu.dma_semaphore, #tpu.memory_space<semaphore_mem>>) {add = true}
      %mul3A_233 = arith.constant 5 : i32
      %mul3A_234 = arith.muli %mul3A_233, %scan3A_97 : i32
      %add3A_235 = arith.constant 4 : i32
      %add3A_236 = arith.addi %mul3A_234, %add3A_235 : i32
      %dma_wait3A_237 = arith.constant 0 : i32
      %dma_wait3A_238 = arith.constant 4 : i32
      %dma_wait3A_239 = arith.constant 4 : i32
      %dma_wait3A_240 = arith.constant 0 : i32
      %dma_wait3A_241 = arith.constant 0 : i32
      %dma_wait3A_242 = tpu.memref_slice %arg8[%dma_wait3A_238, %dma_wait3A_240, %dma_wait3A_241] : memref<5x200x64xf32, #tpu.memory_space<vmem>> -> memref<1x200x64xf32, #tpu.memory_space<vmem>>
      %dma_wait3A_243 = tpu.memref_squeeze %dma_wait3A_242 : memref<1x200x64xf32, #tpu.memory_space<vmem>> -> memref<200x64xf32, #tpu.memory_space<vmem>>
      %dma_wait3A_244 = arith.constant 0 : i32
      %dma_wait3A_245 = tpu.memref_slice %arg6[%add3A_236, %dma_wait3A_237, %dma_wait3A_244] : memref<50x1x200xi32, #tpu.memory_space<vmem>> -> memref<1x1x200xi32, #tpu.memory_space<vmem>>
      %dma_wait3A_246 = tpu.memref_squeeze %dma_wait3A_245 : memref<1x1x200xi32, #tpu.memory_space<vmem>> -> memref<200xi32, #tpu.memory_space<vmem>>
      %dma_wait3A_247 = arith.constant 0 : i32
      %dma_wait3A_248 = arith.constant 0 : i32
      %dma_wait3A_249 = tpu.memref_slice %arg2[%dma_wait3A_247, %dma_wait3A_248] : memref<10240x64xf32, #tpu.memory_space<hbm>> -> memref<10240x64xf32, #tpu.memory_space<hbm>>
      %dma_wait3A_250 = tpu.memref_slice %arg10[%dma_wait3A_239] : memref<5x!tpu.dma_semaphore, #tpu.memory_space<semaphore_mem>> -> memref<1x!tpu.dma_semaphore, #tpu.memory_space<semaphore_mem>>
      %dma_wait3A_251 = tpu.memref_squeeze %dma_wait3A_250 : memref<1x!tpu.dma_semaphore, #tpu.memory_space<semaphore_mem>> -> memref<!tpu.dma_semaphore, #tpu.memory_space<semaphore_mem>>
      tpu.wait_indirect_dma semaphore(%dma_wait3A_251 : memref<!tpu.dma_semaphore, #tpu.memory_space<semaphore_mem>>) src(%dma_wait3A_249 : memref<10240x64xf32, #tpu.memory_space<hbm>>) dst(%dma_wait3A_243 : memref<200x64xf32, #tpu.memory_space<vmem>>)
      %dma_start3A_252 = arith.constant 4 : i32
      %dma_start3A_253 = arith.constant 0 : i32
      %dma_start3A_254 = arith.constant 4 : i32
      %dma_start3A_255 = arith.constant 0 : i32
      %dma_start3A_256 = arith.constant 0 : i32
      %dma_start3A_257 = tpu.memref_slice %arg8[%dma_start3A_252, %dma_start3A_255, %dma_start3A_256] : memref<5x200x64xf32, #tpu.memory_space<vmem>> -> memref<1x200x64xf32, #tpu.memory_space<vmem>>
      %dma_start3A_258 = tpu.memref_squeeze %dma_start3A_257 : memref<1x200x64xf32, #tpu.memory_space<vmem>> -> memref<200x64xf32, #tpu.memory_space<vmem>>
      %dma_start3A_259 = arith.constant 0 : i32
      %dma_start3A_260 = tpu.memref_slice %arg7[%add3A_236, %dma_start3A_253, %dma_start3A_259] : memref<50x1x200xi32, #tpu.memory_space<vmem>> -> memref<1x1x200xi32, #tpu.memory_space<vmem>>
      %dma_start3A_261 = tpu.memref_squeeze %dma_start3A_260 : memref<1x1x200xi32, #tpu.memory_space<vmem>> -> memref<200xi32, #tpu.memory_space<vmem>>
      %dma_start3A_262 = arith.constant 0 : i32
      %dma_start3A_263 = arith.constant 0 : i32
      %dma_start3A_264 = tpu.memref_slice %arg9[%dma_start3A_262, %dma_start3A_263] : memref<10240x64xf32, #tpu.memory_space<vmem_shared>> -> memref<10240x64xf32, #tpu.memory_space<vmem_shared>>
      %dma_start3A_265 = tpu.memref_slice %arg11[%dma_start3A_254] : memref<5x!tpu.dma_semaphore, #tpu.memory_space<semaphore_mem>> -> memref<1x!tpu.dma_semaphore, #tpu.memory_space<semaphore_mem>>
      %dma_start3A_266 = tpu.memref_squeeze %dma_start3A_265 : memref<1x!tpu.dma_semaphore, #tpu.memory_space<semaphore_mem>> -> memref<!tpu.dma_semaphore, #tpu.memory_space<semaphore_mem>>
      tpu.enqueue_indirect_dma source(%dma_start3A_258 : memref<200x64xf32, #tpu.memory_space<vmem>>) target(%dma_start3A_264 : memref<10240x64xf32, #tpu.memory_space<vmem_shared>>) offsets(%dma_start3A_261 : memref<200xi32, #tpu.memory_space<vmem>>) semaphore(%dma_start3A_266 : memref<!tpu.dma_semaphore, #tpu.memory_space<semaphore_mem>>) {add = true}
      %mul3A_267 = arith.constant 5 : i32
      %mul3A_268 = arith.muli %mul3A_267, %scan3A_97 : i32
      %add3A_269 = arith.constant 0 : i32
      %add3A_270 = arith.addi %mul3A_268, %add3A_269 : i32
      %add3A_271 = arith.constant 5 : i32
      %add3A_272 = arith.addi %add3A_270, %add3A_271 : i32
      %dma_wait3A_273 = arith.constant 0 : i32
      %dma_wait3A_274 = arith.constant 0 : i32
      %dma_wait3A_275 = arith.constant 0 : i32
      %dma_wait3A_276 = arith.constant 0 : i32
      %dma_wait3A_277 = arith.constant 0 : i32
      %dma_wait3A_278 = tpu.memref_slice %arg8[%dma_wait3A_273, %dma_wait3A_276, %dma_wait3A_277] : memref<5x200x64xf32, #tpu.memory_space<vmem>> -> memref<1x200x64xf32, #tpu.memory_space<vmem>>
      %dma_wait3A_279 = tpu.memref_squeeze %dma_wait3A_278 : memref<1x200x64xf32, #tpu.memory_space<vmem>> -> memref<200x64xf32, #tpu.memory_space<vmem>>
      %dma_wait3A_280 = arith.constant 0 : i32
      %dma_wait3A_281 = tpu.memref_slice %arg7[%add3A_270, %dma_wait3A_274, %dma_wait3A_280] : memref<50x1x200xi32, #tpu.memory_space<vmem>> -> memref<1x1x200xi32, #tpu.memory_space<vmem>>
      %dma_wait3A_282 = tpu.memref_squeeze %dma_wait3A_281 : memref<1x1x200xi32, #tpu.memory_space<vmem>> -> memref<200xi32, #tpu.memory_space<vmem>>
      %dma_wait3A_283 = arith.constant 0 : i32
      %dma_wait3A_284 = arith.constant 0 : i32
      %dma_wait3A_285 = tpu.memref_slice %arg9[%dma_wait3A_283, %dma_wait3A_284] : memref<10240x64xf32, #tpu.memory_space<vmem_shared>> -> memref<10240x64xf32, #tpu.memory_space<vmem_shared>>
      %dma_wait3A_286 = tpu.memref_slice %arg11[%dma_wait3A_275] : memref<5x!tpu.dma_semaphore, #tpu.memory_space<semaphore_mem>> -> memref<1x!tpu.dma_semaphore, #tpu.memory_space<semaphore_mem>>
      %dma_wait3A_287 = tpu.memref_squeeze %dma_wait3A_286 : memref<1x!tpu.dma_semaphore, #tpu.memory_space<semaphore_mem>> -> memref<!tpu.dma_semaphore, #tpu.memory_space<semaphore_mem>>
      tpu.wait_indirect_dma semaphore(%dma_wait3A_287 : memref<!tpu.dma_semaphore, #tpu.memory_space<semaphore_mem>>) src(%dma_wait3A_279 : memref<200x64xf32, #tpu.memory_space<vmem>>) dst(%dma_wait3A_285 : memref<10240x64xf32, #tpu.memory_space<vmem_shared>>)
      %lt3A = arith.constant 50 : i32
      %lt3A_288 = arith.cmpi slt, %add3A_272, %lt3A : i32
      %convert_element_type3A_289 = arith.extui %lt3A_288 : i1 to i32
      %cond3A_290 = arith.constant 0 : i32
      %cond3A_291 = arith.cmpi ne, %convert_element_type3A_289, %cond3A_290 : i32
      scf.if %cond3A_291 {
        %dma_start3A_396 = arith.constant 0 : i32
        %dma_start3A_397 = arith.constant 0 : i32
        %dma_start3A_398 = arith.constant 0 : i32
        %dma_start3A_399 = arith.constant 0 : i32
        %dma_start3A_400 = arith.constant 0 : i32
        %dma_start3A_401 = tpu.memref_slice %arg8[%dma_start3A_397, %dma_start3A_399, %dma_start3A_400] : memref<5x200x64xf32, #tpu.memory_space<vmem>> -> memref<1x200x64xf32, #tpu.memory_space<vmem>>
        %dma_start3A_402 = tpu.memref_squeeze %dma_start3A_401 : memref<1x200x64xf32, #tpu.memory_space<vmem>> -> memref<200x64xf32, #tpu.memory_space<vmem>>
        %dma_start3A_403 = arith.constant 0 : i32
        %dma_start3A_404 = tpu.memref_slice %arg6[%add3A_272, %dma_start3A_396, %dma_start3A_403] : memref<50x1x200xi32, #tpu.memory_space<vmem>> -> memref<1x1x200xi32, #tpu.memory_space<vmem>>
        %dma_start3A_405 = tpu.memref_squeeze %dma_start3A_404 : memref<1x1x200xi32, #tpu.memory_space<vmem>> -> memref<200xi32, #tpu.memory_space<vmem>>
        %dma_start3A_406 = arith.constant 0 : i32
        %dma_start3A_407 = arith.constant 0 : i32
        %dma_start3A_408 = tpu.memref_slice %arg2[%dma_start3A_406, %dma_start3A_407] : memref<10240x64xf32, #tpu.memory_space<hbm>> -> memref<10240x64xf32, #tpu.memory_space<hbm>>
        %dma_start3A_409 = tpu.memref_slice %arg10[%dma_start3A_398] : memref<5x!tpu.dma_semaphore, #tpu.memory_space<semaphore_mem>> -> memref<1x!tpu.dma_semaphore, #tpu.memory_space<semaphore_mem>>
        %dma_start3A_410 = tpu.memref_squeeze %dma_start3A_409 : memref<1x!tpu.dma_semaphore, #tpu.memory_space<semaphore_mem>> -> memref<!tpu.dma_semaphore, #tpu.memory_space<semaphore_mem>>
        tpu.enqueue_indirect_dma source(%dma_start3A_408 : memref<10240x64xf32, #tpu.memory_space<hbm>>) target(%dma_start3A_402 : memref<200x64xf32, #tpu.memory_space<vmem>>) offsets(%dma_start3A_405 : memref<200xi32, #tpu.memory_space<vmem>>) semaphore(%dma_start3A_410 : memref<!tpu.dma_semaphore, #tpu.memory_space<semaphore_mem>>)
      } else {
      }
      %mul3A_292 = arith.constant 5 : i32
      %mul3A_293 = arith.muli %mul3A_292, %scan3A_97 : i32
      %add3A_294 = arith.constant 1 : i32
      %add3A_295 = arith.addi %mul3A_293, %add3A_294 : i32
      %add3A_296 = arith.constant 5 : i32
      %add3A_297 = arith.addi %add3A_295, %add3A_296 : i32
      %dma_wait3A_298 = arith.constant 1 : i32
      %dma_wait3A_299 = arith.constant 0 : i32
      %dma_wait3A_300 = arith.constant 1 : i32
      %dma_wait3A_301 = arith.constant 0 : i32
      %dma_wait3A_302 = arith.constant 0 : i32
      %dma_wait3A_303 = tpu.memref_slice %arg8[%dma_wait3A_298, %dma_wait3A_301, %dma_wait3A_302] : memref<5x200x64xf32, #tpu.memory_space<vmem>> -> memref<1x200x64xf32, #tpu.memory_space<vmem>>
      %dma_wait3A_304 = tpu.memref_squeeze %dma_wait3A_303 : memref<1x200x64xf32, #tpu.memory_space<vmem>> -> memref<200x64xf32, #tpu.memory_space<vmem>>
      %dma_wait3A_305 = arith.constant 0 : i32
      %dma_wait3A_306 = tpu.memref_slice %arg7[%add3A_295, %dma_wait3A_299, %dma_wait3A_305] : memref<50x1x200xi32, #tpu.memory_space<vmem>> -> memref<1x1x200xi32, #tpu.memory_space<vmem>>
      %dma_wait3A_307 = tpu.memref_squeeze %dma_wait3A_306 : memref<1x1x200xi32, #tpu.memory_space<vmem>> -> memref<200xi32, #tpu.memory_space<vmem>>
      %dma_wait3A_308 = arith.constant 0 : i32
      %dma_wait3A_309 = arith.constant 0 : i32
      %dma_wait3A_310 = tpu.memref_slice %arg9[%dma_wait3A_308, %dma_wait3A_309] : memref<10240x64xf32, #tpu.memory_space<vmem_shared>> -> memref<10240x64xf32, #tpu.memory_space<vmem_shared>>
      %dma_wait3A_311 = tpu.memref_slice %arg11[%dma_wait3A_300] : memref<5x!tpu.dma_semaphore, #tpu.memory_space<semaphore_mem>> -> memref<1x!tpu.dma_semaphore, #tpu.memory_space<semaphore_mem>>
      %dma_wait3A_312 = tpu.memref_squeeze %dma_wait3A_311 : memref<1x!tpu.dma_semaphore, #tpu.memory_space<semaphore_mem>> -> memref<!tpu.dma_semaphore, #tpu.memory_space<semaphore_mem>>
      tpu.wait_indirect_dma semaphore(%dma_wait3A_312 : memref<!tpu.dma_semaphore, #tpu.memory_space<semaphore_mem>>) src(%dma_wait3A_304 : memref<200x64xf32, #tpu.memory_space<vmem>>) dst(%dma_wait3A_310 : memref<10240x64xf32, #tpu.memory_space<vmem_shared>>)
      %lt3A_313 = arith.constant 50 : i32
      %lt3A_314 = arith.cmpi slt, %add3A_297, %lt3A_313 : i32
      %convert_element_type3A_315 = arith.extui %lt3A_314 : i1 to i32
      %cond3A_316 = arith.constant 0 : i32
      %cond3A_317 = arith.cmpi ne, %convert_element_type3A_315, %cond3A_316 : i32
      scf.if %cond3A_317 {
        %dma_start3A_396 = arith.constant 0 : i32
        %dma_start3A_397 = arith.constant 1 : i32
        %dma_start3A_398 = arith.constant 1 : i32
        %dma_start3A_399 = arith.constant 0 : i32
        %dma_start3A_400 = arith.constant 0 : i32
        %dma_start3A_401 = tpu.memref_slice %arg8[%dma_start3A_397, %dma_start3A_399, %dma_start3A_400] : memref<5x200x64xf32, #tpu.memory_space<vmem>> -> memref<1x200x64xf32, #tpu.memory_space<vmem>>
        %dma_start3A_402 = tpu.memref_squeeze %dma_start3A_401 : memref<1x200x64xf32, #tpu.memory_space<vmem>> -> memref<200x64xf32, #tpu.memory_space<vmem>>
        %dma_start3A_403 = arith.constant 0 : i32
        %dma_start3A_404 = tpu.memref_slice %arg6[%add3A_297, %dma_start3A_396, %dma_start3A_403] : memref<50x1x200xi32, #tpu.memory_space<vmem>> -> memref<1x1x200xi32, #tpu.memory_space<vmem>>
        %dma_start3A_405 = tpu.memref_squeeze %dma_start3A_404 : memref<1x1x200xi32, #tpu.memory_space<vmem>> -> memref<200xi32, #tpu.memory_space<vmem>>
        %dma_start3A_406 = arith.constant 0 : i32
        %dma_start3A_407 = arith.constant 0 : i32
        %dma_start3A_408 = tpu.memref_slice %arg2[%dma_start3A_406, %dma_start3A_407] : memref<10240x64xf32, #tpu.memory_space<hbm>> -> memref<10240x64xf32, #tpu.memory_space<hbm>>
        %dma_start3A_409 = tpu.memref_slice %arg10[%dma_start3A_398] : memref<5x!tpu.dma_semaphore, #tpu.memory_space<semaphore_mem>> -> memref<1x!tpu.dma_semaphore, #tpu.memory_space<semaphore_mem>>
        %dma_start3A_410 = tpu.memref_squeeze %dma_start3A_409 : memref<1x!tpu.dma_semaphore, #tpu.memory_space<semaphore_mem>> -> memref<!tpu.dma_semaphore, #tpu.memory_space<semaphore_mem>>
        tpu.enqueue_indirect_dma source(%dma_start3A_408 : memref<10240x64xf32, #tpu.memory_space<hbm>>) target(%dma_start3A_402 : memref<200x64xf32, #tpu.memory_space<vmem>>) offsets(%dma_start3A_405 : memref<200xi32, #tpu.memory_space<vmem>>) semaphore(%dma_start3A_410 : memref<!tpu.dma_semaphore, #tpu.memory_space<semaphore_mem>>)
      } else {
      }
      %mul3A_318 = arith.constant 5 : i32
      %mul3A_319 = arith.muli %mul3A_318, %scan3A_97 : i32
      %add3A_320 = arith.constant 2 : i32
      %add3A_321 = arith.addi %mul3A_319, %add3A_320 : i32
      %add3A_322 = arith.constant 5 : i32
      %add3A_323 = arith.addi %add3A_321, %add3A_322 : i32
      %dma_wait3A_324 = arith.constant 2 : i32
      %dma_wait3A_325 = arith.constant 0 : i32
      %dma_wait3A_326 = arith.constant 2 : i32
      %dma_wait3A_327 = arith.constant 0 : i32
      %dma_wait3A_328 = arith.constant 0 : i32
      %dma_wait3A_329 = tpu.memref_slice %arg8[%dma_wait3A_324, %dma_wait3A_327, %dma_wait3A_328] : memref<5x200x64xf32, #tpu.memory_space<vmem>> -> memref<1x200x64xf32, #tpu.memory_space<vmem>>
      %dma_wait3A_330 = tpu.memref_squeeze %dma_wait3A_329 : memref<1x200x64xf32, #tpu.memory_space<vmem>> -> memref<200x64xf32, #tpu.memory_space<vmem>>
      %dma_wait3A_331 = arith.constant 0 : i32
      %dma_wait3A_332 = tpu.memref_slice %arg7[%add3A_321, %dma_wait3A_325, %dma_wait3A_331] : memref<50x1x200xi32, #tpu.memory_space<vmem>> -> memref<1x1x200xi32, #tpu.memory_space<vmem>>
      %dma_wait3A_333 = tpu.memref_squeeze %dma_wait3A_332 : memref<1x1x200xi32, #tpu.memory_space<vmem>> -> memref<200xi32, #tpu.memory_space<vmem>>
      %dma_wait3A_334 = arith.constant 0 : i32
      %dma_wait3A_335 = arith.constant 0 : i32
      %dma_wait3A_336 = tpu.memref_slice %arg9[%dma_wait3A_334, %dma_wait3A_335] : memref<10240x64xf32, #tpu.memory_space<vmem_shared>> -> memref<10240x64xf32, #tpu.memory_space<vmem_shared>>
      %dma_wait3A_337 = tpu.memref_slice %arg11[%dma_wait3A_326] : memref<5x!tpu.dma_semaphore, #tpu.memory_space<semaphore_mem>> -> memref<1x!tpu.dma_semaphore, #tpu.memory_space<semaphore_mem>>
      %dma_wait3A_338 = tpu.memref_squeeze %dma_wait3A_337 : memref<1x!tpu.dma_semaphore, #tpu.memory_space<semaphore_mem>> -> memref<!tpu.dma_semaphore, #tpu.memory_space<semaphore_mem>>
      tpu.wait_indirect_dma semaphore(%dma_wait3A_338 : memref<!tpu.dma_semaphore, #tpu.memory_space<semaphore_mem>>) src(%dma_wait3A_330 : memref<200x64xf32, #tpu.memory_space<vmem>>) dst(%dma_wait3A_336 : memref<10240x64xf32, #tpu.memory_space<vmem_shared>>)
      %lt3A_339 = arith.constant 50 : i32
      %lt3A_340 = arith.cmpi slt, %add3A_323, %lt3A_339 : i32
      %convert_element_type3A_341 = arith.extui %lt3A_340 : i1 to i32
      %cond3A_342 = arith.constant 0 : i32
      %cond3A_343 = arith.cmpi ne, %convert_element_type3A_341, %cond3A_342 : i32
      scf.if %cond3A_343 {
        %dma_start3A_396 = arith.constant 0 : i32
        %dma_start3A_397 = arith.constant 2 : i32
        %dma_start3A_398 = arith.constant 2 : i32
        %dma_start3A_399 = arith.constant 0 : i32
        %dma_start3A_400 = arith.constant 0 : i32
        %dma_start3A_401 = tpu.memref_slice %arg8[%dma_start3A_397, %dma_start3A_399, %dma_start3A_400] : memref<5x200x64xf32, #tpu.memory_space<vmem>> -> memref<1x200x64xf32, #tpu.memory_space<vmem>>
        %dma_start3A_402 = tpu.memref_squeeze %dma_start3A_401 : memref<1x200x64xf32, #tpu.memory_space<vmem>> -> memref<200x64xf32, #tpu.memory_space<vmem>>
        %dma_start3A_403 = arith.constant 0 : i32
        %dma_start3A_404 = tpu.memref_slice %arg6[%add3A_323, %dma_start3A_396, %dma_start3A_403] : memref<50x1x200xi32, #tpu.memory_space<vmem>> -> memref<1x1x200xi32, #tpu.memory_space<vmem>>
        %dma_start3A_405 = tpu.memref_squeeze %dma_start3A_404 : memref<1x1x200xi32, #tpu.memory_space<vmem>> -> memref<200xi32, #tpu.memory_space<vmem>>
        %dma_start3A_406 = arith.constant 0 : i32
        %dma_start3A_407 = arith.constant 0 : i32
        %dma_start3A_408 = tpu.memref_slice %arg2[%dma_start3A_406, %dma_start3A_407] : memref<10240x64xf32, #tpu.memory_space<hbm>> -> memref<10240x64xf32, #tpu.memory_space<hbm>>
        %dma_start3A_409 = tpu.memref_slice %arg10[%dma_start3A_398] : memref<5x!tpu.dma_semaphore, #tpu.memory_space<semaphore_mem>> -> memref<1x!tpu.dma_semaphore, #tpu.memory_space<semaphore_mem>>
        %dma_start3A_410 = tpu.memref_squeeze %dma_start3A_409 : memref<1x!tpu.dma_semaphore, #tpu.memory_space<semaphore_mem>> -> memref<!tpu.dma_semaphore, #tpu.memory_space<semaphore_mem>>
        tpu.enqueue_indirect_dma source(%dma_start3A_408 : memref<10240x64xf32, #tpu.memory_space<hbm>>) target(%dma_start3A_402 : memref<200x64xf32, #tpu.memory_space<vmem>>) offsets(%dma_start3A_405 : memref<200xi32, #tpu.memory_space<vmem>>) semaphore(%dma_start3A_410 : memref<!tpu.dma_semaphore, #tpu.memory_space<semaphore_mem>>)
      } else {
      }
      %mul3A_344 = arith.constant 5 : i32
      %mul3A_345 = arith.muli %mul3A_344, %scan3A_97 : i32
      %add3A_346 = arith.constant 3 : i32
      %add3A_347 = arith.addi %mul3A_345, %add3A_346 : i32
      %add3A_348 = arith.constant 5 : i32
      %add3A_349 = arith.addi %add3A_347, %add3A_348 : i32
      %dma_wait3A_350 = arith.constant 3 : i32
      %dma_wait3A_351 = arith.constant 0 : i32
      %dma_wait3A_352 = arith.constant 3 : i32
      %dma_wait3A_353 = arith.constant 0 : i32
      %dma_wait3A_354 = arith.constant 0 : i32
      %dma_wait3A_355 = tpu.memref_slice %arg8[%dma_wait3A_350, %dma_wait3A_353, %dma_wait3A_354] : memref<5x200x64xf32, #tpu.memory_space<vmem>> -> memref<1x200x64xf32, #tpu.memory_space<vmem>>
      %dma_wait3A_356 = tpu.memref_squeeze %dma_wait3A_355 : memref<1x200x64xf32, #tpu.memory_space<vmem>> -> memref<200x64xf32, #tpu.memory_space<vmem>>
      %dma_wait3A_357 = arith.constant 0 : i32
      %dma_wait3A_358 = tpu.memref_slice %arg7[%add3A_347, %dma_wait3A_351, %dma_wait3A_357] : memref<50x1x200xi32, #tpu.memory_space<vmem>> -> memref<1x1x200xi32, #tpu.memory_space<vmem>>
      %dma_wait3A_359 = tpu.memref_squeeze %dma_wait3A_358 : memref<1x1x200xi32, #tpu.memory_space<vmem>> -> memref<200xi32, #tpu.memory_space<vmem>>
      %dma_wait3A_360 = arith.constant 0 : i32
      %dma_wait3A_361 = arith.constant 0 : i32
      %dma_wait3A_362 = tpu.memref_slice %arg9[%dma_wait3A_360, %dma_wait3A_361] : memref<10240x64xf32, #tpu.memory_space<vmem_shared>> -> memref<10240x64xf32, #tpu.memory_space<vmem_shared>>
      %dma_wait3A_363 = tpu.memref_slice %arg11[%dma_wait3A_352] : memref<5x!tpu.dma_semaphore, #tpu.memory_space<semaphore_mem>> -> memref<1x!tpu.dma_semaphore, #tpu.memory_space<semaphore_mem>>
      %dma_wait3A_364 = tpu.memref_squeeze %dma_wait3A_363 : memref<1x!tpu.dma_semaphore, #tpu.memory_space<semaphore_mem>> -> memref<!tpu.dma_semaphore, #tpu.memory_space<semaphore_mem>>
      tpu.wait_indirect_dma semaphore(%dma_wait3A_364 : memref<!tpu.dma_semaphore, #tpu.memory_space<semaphore_mem>>) src(%dma_wait3A_356 : memref<200x64xf32, #tpu.memory_space<vmem>>) dst(%dma_wait3A_362 : memref<10240x64xf32, #tpu.memory_space<vmem_shared>>)
      %lt3A_365 = arith.constant 50 : i32
      %lt3A_366 = arith.cmpi slt, %add3A_349, %lt3A_365 : i32
      %convert_element_type3A_367 = arith.extui %lt3A_366 : i1 to i32
      %cond3A_368 = arith.constant 0 : i32
      %cond3A_369 = arith.cmpi ne, %convert_element_type3A_367, %cond3A_368 : i32
      scf.if %cond3A_369 {
        %dma_start3A_396 = arith.constant 0 : i32
        %dma_start3A_397 = arith.constant 3 : i32
        %dma_start3A_398 = arith.constant 3 : i32
        %dma_start3A_399 = arith.constant 0 : i32
        %dma_start3A_400 = arith.constant 0 : i32
        %dma_start3A_401 = tpu.memref_slice %arg8[%dma_start3A_397, %dma_start3A_399, %dma_start3A_400] : memref<5x200x64xf32, #tpu.memory_space<vmem>> -> memref<1x200x64xf32, #tpu.memory_space<vmem>>
        %dma_start3A_402 = tpu.memref_squeeze %dma_start3A_401 : memref<1x200x64xf32, #tpu.memory_space<vmem>> -> memref<200x64xf32, #tpu.memory_space<vmem>>
        %dma_start3A_403 = arith.constant 0 : i32
        %dma_start3A_404 = tpu.memref_slice %arg6[%add3A_349, %dma_start3A_396, %dma_start3A_403] : memref<50x1x200xi32, #tpu.memory_space<vmem>> -> memref<1x1x200xi32, #tpu.memory_space<vmem>>
        %dma_start3A_405 = tpu.memref_squeeze %dma_start3A_404 : memref<1x1x200xi32, #tpu.memory_space<vmem>> -> memref<200xi32, #tpu.memory_space<vmem>>
        %dma_start3A_406 = arith.constant 0 : i32
        %dma_start3A_407 = arith.constant 0 : i32
        %dma_start3A_408 = tpu.memref_slice %arg2[%dma_start3A_406, %dma_start3A_407] : memref<10240x64xf32, #tpu.memory_space<hbm>> -> memref<10240x64xf32, #tpu.memory_space<hbm>>
        %dma_start3A_409 = tpu.memref_slice %arg10[%dma_start3A_398] : memref<5x!tpu.dma_semaphore, #tpu.memory_space<semaphore_mem>> -> memref<1x!tpu.dma_semaphore, #tpu.memory_space<semaphore_mem>>
        %dma_start3A_410 = tpu.memref_squeeze %dma_start3A_409 : memref<1x!tpu.dma_semaphore, #tpu.memory_space<semaphore_mem>> -> memref<!tpu.dma_semaphore, #tpu.memory_space<semaphore_mem>>
        tpu.enqueue_indirect_dma source(%dma_start3A_408 : memref<10240x64xf32, #tpu.memory_space<hbm>>) target(%dma_start3A_402 : memref<200x64xf32, #tpu.memory_space<vmem>>) offsets(%dma_start3A_405 : memref<200xi32, #tpu.memory_space<vmem>>) semaphore(%dma_start3A_410 : memref<!tpu.dma_semaphore, #tpu.memory_space<semaphore_mem>>)
      } else {
      }
      %mul3A_370 = arith.constant 5 : i32
      %mul3A_371 = arith.muli %mul3A_370, %scan3A_97 : i32
      %add3A_372 = arith.constant 4 : i32
      %add3A_373 = arith.addi %mul3A_371, %add3A_372 : i32
      %add3A_374 = arith.constant 5 : i32
      %add3A_375 = arith.addi %add3A_373, %add3A_374 : i32
      %dma_wait3A_376 = arith.constant 4 : i32
      %dma_wait3A_377 = arith.constant 0 : i32
      %dma_wait3A_378 = arith.constant 4 : i32
      %dma_wait3A_379 = arith.constant 0 : i32
      %dma_wait3A_380 = arith.constant 0 : i32
      %dma_wait3A_381 = tpu.memref_slice %arg8[%dma_wait3A_376, %dma_wait3A_379, %dma_wait3A_380] : memref<5x200x64xf32, #tpu.memory_space<vmem>> -> memref<1x200x64xf32, #tpu.memory_space<vmem>>
      %dma_wait3A_382 = tpu.memref_squeeze %dma_wait3A_381 : memref<1x200x64xf32, #tpu.memory_space<vmem>> -> memref<200x64xf32, #tpu.memory_space<vmem>>
      %dma_wait3A_383 = arith.constant 0 : i32
      %dma_wait3A_384 = tpu.memref_slice %arg7[%add3A_373, %dma_wait3A_377, %dma_wait3A_383] : memref<50x1x200xi32, #tpu.memory_space<vmem>> -> memref<1x1x200xi32, #tpu.memory_space<vmem>>
      %dma_wait3A_385 = tpu.memref_squeeze %dma_wait3A_384 : memref<1x1x200xi32, #tpu.memory_space<vmem>> -> memref<200xi32, #tpu.memory_space<vmem>>
      %dma_wait3A_386 = arith.constant 0 : i32
      %dma_wait3A_387 = arith.constant 0 : i32
      %dma_wait3A_388 = tpu.memref_slice %arg9[%dma_wait3A_386, %dma_wait3A_387] : memref<10240x64xf32, #tpu.memory_space<vmem_shared>> -> memref<10240x64xf32, #tpu.memory_space<vmem_shared>>
      %dma_wait3A_389 = tpu.memref_slice %arg11[%dma_wait3A_378] : memref<5x!tpu.dma_semaphore, #tpu.memory_space<semaphore_mem>> -> memref<1x!tpu.dma_semaphore, #tpu.memory_space<semaphore_mem>>
      %dma_wait3A_390 = tpu.memref_squeeze %dma_wait3A_389 : memref<1x!tpu.dma_semaphore, #tpu.memory_space<semaphore_mem>> -> memref<!tpu.dma_semaphore, #tpu.memory_space<semaphore_mem>>
      tpu.wait_indirect_dma semaphore(%dma_wait3A_390 : memref<!tpu.dma_semaphore, #tpu.memory_space<semaphore_mem>>) src(%dma_wait3A_382 : memref<200x64xf32, #tpu.memory_space<vmem>>) dst(%dma_wait3A_388 : memref<10240x64xf32, #tpu.memory_space<vmem_shared>>)
      %lt3A_391 = arith.constant 50 : i32
      %lt3A_392 = arith.cmpi slt, %add3A_375, %lt3A_391 : i32
      %convert_element_type3A_393 = arith.extui %lt3A_392 : i1 to i32
      %cond3A_394 = arith.constant 0 : i32
      %cond3A_395 = arith.cmpi ne, %convert_element_type3A_393, %cond3A_394 : i32
      scf.if %cond3A_395 {
        %dma_start3A_396 = arith.constant 0 : i32
        %dma_start3A_397 = arith.constant 4 : i32
        %dma_start3A_398 = arith.constant 4 : i32
        %dma_start3A_399 = arith.constant 0 : i32
        %dma_start3A_400 = arith.constant 0 : i32
        %dma_start3A_401 = tpu.memref_slice %arg8[%dma_start3A_397, %dma_start3A_399, %dma_start3A_400] : memref<5x200x64xf32, #tpu.memory_space<vmem>> -> memref<1x200x64xf32, #tpu.memory_space<vmem>>
        %dma_start3A_402 = tpu.memref_squeeze %dma_start3A_401 : memref<1x200x64xf32, #tpu.memory_space<vmem>> -> memref<200x64xf32, #tpu.memory_space<vmem>>
        %dma_start3A_403 = arith.constant 0 : i32
        %dma_start3A_404 = tpu.memref_slice %arg6[%add3A_375, %dma_start3A_396, %dma_start3A_403] : memref<50x1x200xi32, #tpu.memory_space<vmem>> -> memref<1x1x200xi32, #tpu.memory_space<vmem>>
        %dma_start3A_405 = tpu.memref_squeeze %dma_start3A_404 : memref<1x1x200xi32, #tpu.memory_space<vmem>> -> memref<200xi32, #tpu.memory_space<vmem>>
        %dma_start3A_406 = arith.constant 0 : i32
        %dma_start3A_407 = arith.constant 0 : i32
        %dma_start3A_408 = tpu.memref_slice %arg2[%dma_start3A_406, %dma_start3A_407] : memref<10240x64xf32, #tpu.memory_space<hbm>> -> memref<10240x64xf32, #tpu.memory_space<hbm>>
        %dma_start3A_409 = tpu.memref_slice %arg10[%dma_start3A_398] : memref<5x!tpu.dma_semaphore, #tpu.memory_space<semaphore_mem>> -> memref<1x!tpu.dma_semaphore, #tpu.memory_space<semaphore_mem>>
        %dma_start3A_410 = tpu.memref_squeeze %dma_start3A_409 : memref<1x!tpu.dma_semaphore, #tpu.memory_space<semaphore_mem>> -> memref<!tpu.dma_semaphore, #tpu.memory_space<semaphore_mem>>
        tpu.enqueue_indirect_dma source(%dma_start3A_408 : memref<10240x64xf32, #tpu.memory_space<hbm>>) target(%dma_start3A_402 : memref<200x64xf32, #tpu.memory_space<vmem>>) offsets(%dma_start3A_405 : memref<200xi32, #tpu.memory_space<vmem>>) semaphore(%dma_start3A_410 : memref<!tpu.dma_semaphore, #tpu.memory_space<semaphore_mem>>)
      } else {
      }
    }
    %scan3A_91 = arith.constant 10 : i32
    %barrier3A_92 = arith.constant 0 : index
    tpu.barrier barrier_id(%barrier3A_92)
    %mul3A_93 = arith.constant 640 : i32
    %mul3A_94 = arith.muli %arg1, %mul3A_93 : i32
    %mul3A_95 = arith.constant 640 : i32
    %mul3A_96 = arith.muli %arg1, %mul3A_95 : i32
    "tpu.region"() ({
      %run_scoped3A_97 = tpu.sem_alloc : memref<!tpu.dma_semaphore, #tpu.memory_space<semaphore_mem>>
      %dma_start3A_98 = arith.constant 0 : i32
      %dma_start3A_99 = tpu.memref_slice %arg5[%arg0, %mul3A_96, %dma_start3A_98] : memref<2x10240x64xf32, #tpu.memory_space<hbm>> -> memref<1x640x64xf32, #tpu.memory_space<hbm>>
      %dma_start3A_100 = tpu.memref_squeeze %dma_start3A_99 : memref<1x640x64xf32, #tpu.memory_space<hbm>> -> memref<640x64xf32, #tpu.memory_space<hbm>>
      %dma_start3A_101 = arith.constant 0 : i32
      %dma_start3A_102 = tpu.memref_slice %arg9[%mul3A_94, %dma_start3A_101] : memref<10240x64xf32, #tpu.memory_space<vmem_shared>> -> memref<640x64xf32, #tpu.memory_space<vmem_shared>>
      tpu.enqueue_dma source(%dma_start3A_102 : memref<640x64xf32, #tpu.memory_space<vmem_shared>>) target(%dma_start3A_100 : memref<640x64xf32, #tpu.memory_space<hbm>>) target_semaphore(%run_scoped3A_97 : memref<!tpu.dma_semaphore, #tpu.memory_space<semaphore_mem>>)
      %dma_wait3A = arith.constant 0 : i32
      %dma_wait3A_103 = tpu.memref_slice %arg5[%arg0, %mul3A_96, %dma_wait3A] : memref<2x10240x64xf32, #tpu.memory_space<hbm>> -> memref<1x640x64xf32, #tpu.memory_space<hbm>>
      %dma_wait3A_104 = tpu.memref_squeeze %dma_wait3A_103 : memref<1x640x64xf32, #tpu.memory_space<hbm>> -> memref<640x64xf32, #tpu.memory_space<hbm>>
      %dma_wait3A_105 = arith.constant 0 : i32
      %dma_wait3A_106 = tpu.memref_slice %arg9[%mul3A_94, %dma_wait3A_105] : memref<10240x64xf32, #tpu.memory_space<vmem_shared>> -> memref<640x64xf32, #tpu.memory_space<vmem_shared>>
      tpu.wait_dma2 semaphore(%run_scoped3A_97 : memref<!tpu.dma_semaphore, #tpu.memory_space<semaphore_mem>>) src(%dma_wait3A_106 : memref<640x64xf32, #tpu.memory_space<vmem_shared>>) dst(%dma_wait3A_104 : memref<640x64xf32, #tpu.memory_space<hbm>>)
      tpu.yield
    }) : () -> ()
    return
  }
}

#map = affine_map<(d0, d1) -> (0, 0, 0, 0, 0)>
#map1 = affine_map<(d0, d1) -> (0)>
#map2 = affine_map<(d0, d1) -> (0, 0, 0)>
module attributes {stable_mosaic.version = 14 : i64} {
  func.func @_sc_degree(%arg0: i32, %arg1: i32, %arg2: memref<2x32x50x1x200xi32, #tpu.memory_space<hbm>>, %arg3: memref<10240xf32, #tpu.memory_space<hbm>>, %arg4: memref<200xf32, #tpu.memory_space<hbm>>, %arg5: memref<2x1x10240xf32, #tpu.memory_space<hbm>>, %arg6: memref<50x1x200xi32, #tpu.memory_space<vmem>>, %arg7: memref<50x1x200xi32, #tpu.memory_space<vmem>>, %arg8: memref<200xf32, #tpu.memory_space<vmem>>, %arg9: memref<10240xf32, #tpu.memory_space<vmem_shared>>, %arg10: memref<!tpu.dma_semaphore, #tpu.memory_space<semaphore_mem>>) attributes {dimension_semantics = [#tpu.dimension_semantics<core_parallel>, #tpu.dimension_semantics<subcore_parallel>], iteration_bounds = array<i64: 2, 16>, scalar_prefetch = 0 : i64, scratch_operands = 5 : i64, tpu.core_type = #tpu.core_type<sc_vector_subcore>, window_params = [{transform_indices = #map}, {transform_indices = #map1}, {transform_indices = #map1}, {transform_indices = #map2}]} {
    %mul3A = arith.constant 16 : i32
    %mul3A_0 = arith.muli %arg0, %mul3A : i32
    %add3A = arith.addi %mul3A_0, %arg1 : i32
    %run_scoped3A = arith.constant 1 : i32
    "tpu.region"() ({
      %run_scoped3A_28 = tpu.sem_alloc : memref<!tpu.dma_semaphore, #tpu.memory_space<semaphore_mem>>
      %dma_start3A = arith.constant 0 : i32
      %dma_start3A_29 = arith.constant 0 : i32
      %dma_start3A_30 = arith.constant 0 : i32
      %dma_start3A_31 = tpu.memref_slice %arg2[%run_scoped3A, %add3A, %dma_start3A, %dma_start3A_29, %dma_start3A_30] : memref<2x32x50x1x200xi32, #tpu.memory_space<hbm>> -> memref<1x1x50x1x200xi32, #tpu.memory_space<hbm>>
      %dma_start3A_32 = tpu.memref_squeeze %dma_start3A_31 : memref<1x1x50x1x200xi32, #tpu.memory_space<hbm>> -> memref<50x1x200xi32, #tpu.memory_space<hbm>>
      %dma_start3A_33 = arith.constant 0 : i32
      %dma_start3A_34 = arith.constant 0 : i32
      %dma_start3A_35 = arith.constant 0 : i32
      %dma_start3A_36 = tpu.memref_slice %arg2[%run_scoped3A, %add3A, %dma_start3A_33, %dma_start3A_34, %dma_start3A_35] : memref<2x32x50x1x200xi32, #tpu.memory_space<hbm>> -> memref<1x1x50x1x200xi32, #tpu.memory_space<hbm>>
      %dma_start3A_37 = tpu.memref_squeeze %dma_start3A_36 : memref<1x1x50x1x200xi32, #tpu.memory_space<hbm>> -> memref<50x1x200xi32, #tpu.memory_space<hbm>>
      tpu.enqueue_dma source(%dma_start3A_37 : memref<50x1x200xi32, #tpu.memory_space<hbm>>) target(%arg6 : memref<50x1x200xi32, #tpu.memory_space<vmem>>) target_semaphore(%run_scoped3A_28 : memref<!tpu.dma_semaphore, #tpu.memory_space<semaphore_mem>>)
      %dma_wait3A = arith.constant 0 : i32
      %dma_wait3A_38 = arith.constant 0 : i32
      %dma_wait3A_39 = arith.constant 0 : i32
      %dma_wait3A_40 = tpu.memref_slice %arg2[%run_scoped3A, %add3A, %dma_wait3A, %dma_wait3A_38, %dma_wait3A_39] : memref<2x32x50x1x200xi32, #tpu.memory_space<hbm>> -> memref<1x1x50x1x200xi32, #tpu.memory_space<hbm>>
      %dma_wait3A_41 = tpu.memref_squeeze %dma_wait3A_40 : memref<1x1x50x1x200xi32, #tpu.memory_space<hbm>> -> memref<50x1x200xi32, #tpu.memory_space<hbm>>
      %dma_wait3A_42 = arith.constant 0 : i32
      %dma_wait3A_43 = arith.constant 0 : i32
      %dma_wait3A_44 = arith.constant 0 : i32
      %dma_wait3A_45 = tpu.memref_slice %arg2[%run_scoped3A, %add3A, %dma_wait3A_42, %dma_wait3A_43, %dma_wait3A_44] : memref<2x32x50x1x200xi32, #tpu.memory_space<hbm>> -> memref<1x1x50x1x200xi32, #tpu.memory_space<hbm>>
      %dma_wait3A_46 = tpu.memref_squeeze %dma_wait3A_45 : memref<1x1x50x1x200xi32, #tpu.memory_space<hbm>> -> memref<50x1x200xi32, #tpu.memory_space<hbm>>
      tpu.wait_dma2 semaphore(%run_scoped3A_28 : memref<!tpu.dma_semaphore, #tpu.memory_space<semaphore_mem>>) src(%dma_wait3A_46 : memref<50x1x200xi32, #tpu.memory_space<hbm>>) dst(%arg6 : memref<50x1x200xi32, #tpu.memory_space<vmem>>)
      tpu.yield
    }) : () -> ()
    "tpu.region"() ({
      %run_scoped3A_28 = tpu.sem_alloc : memref<!tpu.dma_semaphore, #tpu.memory_space<semaphore_mem>>
      tpu.enqueue_dma source(%arg4 : memref<200xf32, #tpu.memory_space<hbm>>) target(%arg8 : memref<200xf32, #tpu.memory_space<vmem>>) target_semaphore(%run_scoped3A_28 : memref<!tpu.dma_semaphore, #tpu.memory_space<semaphore_mem>>)
      tpu.wait_dma2 semaphore(%run_scoped3A_28 : memref<!tpu.dma_semaphore, #tpu.memory_space<semaphore_mem>>) src(%arg4 : memref<200xf32, #tpu.memory_space<hbm>>) dst(%arg8 : memref<200xf32, #tpu.memory_space<vmem>>)
      tpu.yield
    }) : () -> ()
    %mul3A_1 = arith.constant 640 : i32
    %mul3A_2 = arith.muli %arg1, %mul3A_1 : i32
    %mul3A_3 = arith.constant 640 : i32
    %mul3A_4 = arith.muli %arg1, %mul3A_3 : i32
    "tpu.region"() ({
      %run_scoped3A_28 = tpu.sem_alloc : memref<!tpu.dma_semaphore, #tpu.memory_space<semaphore_mem>>
      %dma_start3A = tpu.memref_slice %arg9[%mul3A_4] : memref<10240xf32, #tpu.memory_space<vmem_shared>> -> memref<640xf32, #tpu.memory_space<vmem_shared>>
      %dma_start3A_29 = tpu.memref_slice %arg3[%mul3A_2] : memref<10240xf32, #tpu.memory_space<hbm>> -> memref<640xf32, #tpu.memory_space<hbm>>
      tpu.enqueue_dma source(%dma_start3A_29 : memref<640xf32, #tpu.memory_space<hbm>>) target(%dma_start3A : memref<640xf32, #tpu.memory_space<vmem_shared>>) target_semaphore(%run_scoped3A_28 : memref<!tpu.dma_semaphore, #tpu.memory_space<semaphore_mem>>)
      %dma_wait3A = tpu.memref_slice %arg9[%mul3A_4] : memref<10240xf32, #tpu.memory_space<vmem_shared>> -> memref<640xf32, #tpu.memory_space<vmem_shared>>
      %dma_wait3A_30 = tpu.memref_slice %arg3[%mul3A_2] : memref<10240xf32, #tpu.memory_space<hbm>> -> memref<640xf32, #tpu.memory_space<hbm>>
      tpu.wait_dma2 semaphore(%run_scoped3A_28 : memref<!tpu.dma_semaphore, #tpu.memory_space<semaphore_mem>>) src(%dma_wait3A_30 : memref<640xf32, #tpu.memory_space<hbm>>) dst(%dma_wait3A : memref<640xf32, #tpu.memory_space<vmem_shared>>)
      tpu.yield
    }) : () -> ()
    %scan3A = arith.constant 0 : i32
    %scan3A_5 = arith.constant 0 : i32
    %scan3A_6 = arith.constant 50 : i32
    %scan3A_7 = arith.addi %scan3A_5, %scan3A_6 : i32
    %scan3A_8 = arith.constant 1 : i32
    scf.for %scan3A_28 = %scan3A_5 to %scan3A_7 step %scan3A_8  : i32 {
      %get3A = arith.constant 0 : i32
      %get3A_29 = arith.index_cast %scan3A_28 : i32 to index
      %get3A_30 = arith.index_cast %get3A : i32 to index
      %get3A_31 = arith.constant 0 : index
      %get3A_32 = tpu.vector_load %arg6[%get3A_29, %get3A_30, %get3A_31] {strides = array<i32>} : memref<50x1x200xi32, #tpu.memory_space<vmem>>, vector<1x1x16xi32>,
      %get3A_33 = vector.shape_cast %get3A_32 : vector<1x1x16xi32> to vector<16xi32>
      %and3A = arith.constant 1 : i32
      %and3A_34 = vector.broadcast %and3A : i32 to vector<16xi32>
      %and3A_35 = arith.andi %get3A_33, %and3A_34 : vector<16xi32>
      %mul3A_36 = arith.constant 5120 : i32
      %mul3A_37 = vector.broadcast %mul3A_36 : i32 to vector<16xi32>
      %mul3A_38 = arith.muli %and3A_35, %mul3A_37 : vector<16xi32>
      %shift_right_arithmetic3A = arith.constant 1 : i32
      %shift_right_arithmetic3A_39 = vector.broadcast %shift_right_arithmetic3A : i32 to vector<16xi32>
      %shift_right_arithmetic3A_40 = arith.shrsi %get3A_33, %shift_right_arithmetic3A_39 : vector<16xi32>
      %add3A_41 = arith.addi %mul3A_38, %shift_right_arithmetic3A_40 : vector<16xi32>
      %swap3A = arith.constant 0 : i32
      %swap3A_42 = arith.index_cast %scan3A_28 : i32 to index
      %swap3A_43 = arith.index_cast %swap3A : i32 to index
      %swap3A_44 = arith.constant 0 : index
      %swap3A_45 = tpu.vector_load %arg7[%swap3A_42, %swap3A_43, %swap3A_44] {strides = array<i32>} : memref<50x1x200xi32, #tpu.memory_space<vmem>>, vector<1x1x16xi32>,
      %swap3A_46 = vector.shape_cast %swap3A_45 : vector<1x1x16xi32> to vector<16xi32>
      %swap3A_47 = vector.shape_cast %add3A_41 : vector<16xi32> to vector<1x1x16xi32>
      tpu.vector_store %arg7[%swap3A_42, %swap3A_43, %swap3A_44], %swap3A_47 {strides = array<i32>} : memref<50x1x200xi32, #tpu.memory_space<vmem>>, vector<1x1x16xi32>,
      %get3A_48 = arith.constant 0 : i32
      %get3A_49 = arith.index_cast %scan3A_28 : i32 to index
      %get3A_50 = arith.index_cast %get3A_48 : i32 to index
      %get3A_51 = arith.constant 16 : index
      %get3A_52 = tpu.vector_load %arg6[%get3A_49, %get3A_50, %get3A_51] {strides = array<i32>} : memref<50x1x200xi32, #tpu.memory_space<vmem>>, vector<1x1x16xi32>,
      %get3A_53 = vector.shape_cast %get3A_52 : vector<1x1x16xi32> to vector<16xi32>
      %and3A_54 = arith.constant 1 : i32
      %and3A_55 = vector.broadcast %and3A_54 : i32 to vector<16xi32>
      %and3A_56 = arith.andi %get3A_53, %and3A_55 : vector<16xi32>
      %mul3A_57 = arith.constant 5120 : i32
      %mul3A_58 = vector.broadcast %mul3A_57 : i32 to vector<16xi32>
      %mul3A_59 = arith.muli %and3A_56, %mul3A_58 : vector<16xi32>
      %shift_right_arithmetic3A_60 = arith.constant 1 : i32
      %shift_right_arithmetic3A_61 = vector.broadcast %shift_right_arithmetic3A_60 : i32 to vector<16xi32>
      %shift_right_arithmetic3A_62 = arith.shrsi %get3A_53, %shift_right_arithmetic3A_61 : vector<16xi32>
      %add3A_63 = arith.addi %mul3A_59, %shift_right_arithmetic3A_62 : vector<16xi32>
      %swap3A_64 = arith.constant 0 : i32
      %swap3A_65 = arith.index_cast %scan3A_28 : i32 to index
      %swap3A_66 = arith.index_cast %swap3A_64 : i32 to index
      %swap3A_67 = arith.constant 16 : index
      %swap3A_68 = tpu.vector_load %arg7[%swap3A_65, %swap3A_66, %swap3A_67] {strides = array<i32>} : memref<50x1x200xi32, #tpu.memory_space<vmem>>, vector<1x1x16xi32>,
      %swap3A_69 = vector.shape_cast %swap3A_68 : vector<1x1x16xi32> to vector<16xi32>
      %swap3A_70 = vector.shape_cast %add3A_63 : vector<16xi32> to vector<1x1x16xi32>
      tpu.vector_store %arg7[%swap3A_65, %swap3A_66, %swap3A_67], %swap3A_70 {strides = array<i32>} : memref<50x1x200xi32, #tpu.memory_space<vmem>>, vector<1x1x16xi32>,
      %get3A_71 = arith.constant 0 : i32
      %get3A_72 = arith.index_cast %scan3A_28 : i32 to index
      %get3A_73 = arith.index_cast %get3A_71 : i32 to index
      %get3A_74 = arith.constant 32 : index
      %get3A_75 = tpu.vector_load %arg6[%get3A_72, %get3A_73, %get3A_74] {strides = array<i32>} : memref<50x1x200xi32, #tpu.memory_space<vmem>>, vector<1x1x16xi32>,
      %get3A_76 = vector.shape_cast %get3A_75 : vector<1x1x16xi32> to vector<16xi32>
      %and3A_77 = arith.constant 1 : i32
      %and3A_78 = vector.broadcast %and3A_77 : i32 to vector<16xi32>
      %and3A_79 = arith.andi %get3A_76, %and3A_78 : vector<16xi32>
      %mul3A_80 = arith.constant 5120 : i32
      %mul3A_81 = vector.broadcast %mul3A_80 : i32 to vector<16xi32>
      %mul3A_82 = arith.muli %and3A_79, %mul3A_81 : vector<16xi32>
      %shift_right_arithmetic3A_83 = arith.constant 1 : i32
      %shift_right_arithmetic3A_84 = vector.broadcast %shift_right_arithmetic3A_83 : i32 to vector<16xi32>
      %shift_right_arithmetic3A_85 = arith.shrsi %get3A_76, %shift_right_arithmetic3A_84 : vector<16xi32>
      %add3A_86 = arith.addi %mul3A_82, %shift_right_arithmetic3A_85 : vector<16xi32>
      %swap3A_87 = arith.constant 0 : i32
      %swap3A_88 = arith.index_cast %scan3A_28 : i32 to index
      %swap3A_89 = arith.index_cast %swap3A_87 : i32 to index
      %swap3A_90 = arith.constant 32 : index
      %swap3A_91 = tpu.vector_load %arg7[%swap3A_88, %swap3A_89, %swap3A_90] {strides = array<i32>} : memref<50x1x200xi32, #tpu.memory_space<vmem>>, vector<1x1x16xi32>,
      %swap3A_92 = vector.shape_cast %swap3A_91 : vector<1x1x16xi32> to vector<16xi32>
      %swap3A_93 = vector.shape_cast %add3A_86 : vector<16xi32> to vector<1x1x16xi32>
      tpu.vector_store %arg7[%swap3A_88, %swap3A_89, %swap3A_90], %swap3A_93 {strides = array<i32>} : memref<50x1x200xi32, #tpu.memory_space<vmem>>, vector<1x1x16xi32>,
      %get3A_94 = arith.constant 0 : i32
      %get3A_95 = arith.index_cast %scan3A_28 : i32 to index
      %get3A_96 = arith.index_cast %get3A_94 : i32 to index
      %get3A_97 = arith.constant 48 : index
      %get3A_98 = tpu.vector_load %arg6[%get3A_95, %get3A_96, %get3A_97] {strides = array<i32>} : memref<50x1x200xi32, #tpu.memory_space<vmem>>, vector<1x1x16xi32>,
      %get3A_99 = vector.shape_cast %get3A_98 : vector<1x1x16xi32> to vector<16xi32>
      %and3A_100 = arith.constant 1 : i32
      %and3A_101 = vector.broadcast %and3A_100 : i32 to vector<16xi32>
      %and3A_102 = arith.andi %get3A_99, %and3A_101 : vector<16xi32>
      %mul3A_103 = arith.constant 5120 : i32
      %mul3A_104 = vector.broadcast %mul3A_103 : i32 to vector<16xi32>
      %mul3A_105 = arith.muli %and3A_102, %mul3A_104 : vector<16xi32>
      %shift_right_arithmetic3A_106 = arith.constant 1 : i32
      %shift_right_arithmetic3A_107 = vector.broadcast %shift_right_arithmetic3A_106 : i32 to vector<16xi32>
      %shift_right_arithmetic3A_108 = arith.shrsi %get3A_99, %shift_right_arithmetic3A_107 : vector<16xi32>
      %add3A_109 = arith.addi %mul3A_105, %shift_right_arithmetic3A_108 : vector<16xi32>
      %swap3A_110 = arith.constant 0 : i32
      %swap3A_111 = arith.index_cast %scan3A_28 : i32 to index
      %swap3A_112 = arith.index_cast %swap3A_110 : i32 to index
      %swap3A_113 = arith.constant 48 : index
      %swap3A_114 = tpu.vector_load %arg7[%swap3A_111, %swap3A_112, %swap3A_113] {strides = array<i32>} : memref<50x1x200xi32, #tpu.memory_space<vmem>>, vector<1x1x16xi32>,
      %swap3A_115 = vector.shape_cast %swap3A_114 : vector<1x1x16xi32> to vector<16xi32>
      %swap3A_116 = vector.shape_cast %add3A_109 : vector<16xi32> to vector<1x1x16xi32>
      tpu.vector_store %arg7[%swap3A_111, %swap3A_112, %swap3A_113], %swap3A_116 {strides = array<i32>} : memref<50x1x200xi32, #tpu.memory_space<vmem>>, vector<1x1x16xi32>,
      %get3A_117 = arith.constant 0 : i32
      %get3A_118 = arith.index_cast %scan3A_28 : i32 to index
      %get3A_119 = arith.index_cast %get3A_117 : i32 to index
      %get3A_120 = arith.constant 64 : index
      %get3A_121 = tpu.vector_load %arg6[%get3A_118, %get3A_119, %get3A_120] {strides = array<i32>} : memref<50x1x200xi32, #tpu.memory_space<vmem>>, vector<1x1x16xi32>,
      %get3A_122 = vector.shape_cast %get3A_121 : vector<1x1x16xi32> to vector<16xi32>
      %and3A_123 = arith.constant 1 : i32
      %and3A_124 = vector.broadcast %and3A_123 : i32 to vector<16xi32>
      %and3A_125 = arith.andi %get3A_122, %and3A_124 : vector<16xi32>
      %mul3A_126 = arith.constant 5120 : i32
      %mul3A_127 = vector.broadcast %mul3A_126 : i32 to vector<16xi32>
      %mul3A_128 = arith.muli %and3A_125, %mul3A_127 : vector<16xi32>
      %shift_right_arithmetic3A_129 = arith.constant 1 : i32
      %shift_right_arithmetic3A_130 = vector.broadcast %shift_right_arithmetic3A_129 : i32 to vector<16xi32>
      %shift_right_arithmetic3A_131 = arith.shrsi %get3A_122, %shift_right_arithmetic3A_130 : vector<16xi32>
      %add3A_132 = arith.addi %mul3A_128, %shift_right_arithmetic3A_131 : vector<16xi32>
      %swap3A_133 = arith.constant 0 : i32
      %swap3A_134 = arith.index_cast %scan3A_28 : i32 to index
      %swap3A_135 = arith.index_cast %swap3A_133 : i32 to index
      %swap3A_136 = arith.constant 64 : index
      %swap3A_137 = tpu.vector_load %arg7[%swap3A_134, %swap3A_135, %swap3A_136] {strides = array<i32>} : memref<50x1x200xi32, #tpu.memory_space<vmem>>, vector<1x1x16xi32>,
      %swap3A_138 = vector.shape_cast %swap3A_137 : vector<1x1x16xi32> to vector<16xi32>
      %swap3A_139 = vector.shape_cast %add3A_132 : vector<16xi32> to vector<1x1x16xi32>
      tpu.vector_store %arg7[%swap3A_134, %swap3A_135, %swap3A_136], %swap3A_139 {strides = array<i32>} : memref<50x1x200xi32, #tpu.memory_space<vmem>>, vector<1x1x16xi32>,
      %get3A_140 = arith.constant 0 : i32
      %get3A_141 = arith.index_cast %scan3A_28 : i32 to index
      %get3A_142 = arith.index_cast %get3A_140 : i32 to index
      %get3A_143 = arith.constant 80 : index
      %get3A_144 = tpu.vector_load %arg6[%get3A_141, %get3A_142, %get3A_143] {strides = array<i32>} : memref<50x1x200xi32, #tpu.memory_space<vmem>>, vector<1x1x16xi32>,
      %get3A_145 = vector.shape_cast %get3A_144 : vector<1x1x16xi32> to vector<16xi32>
      %and3A_146 = arith.constant 1 : i32
      %and3A_147 = vector.broadcast %and3A_146 : i32 to vector<16xi32>
      %and3A_148 = arith.andi %get3A_145, %and3A_147 : vector<16xi32>
      %mul3A_149 = arith.constant 5120 : i32
      %mul3A_150 = vector.broadcast %mul3A_149 : i32 to vector<16xi32>
      %mul3A_151 = arith.muli %and3A_148, %mul3A_150 : vector<16xi32>
      %shift_right_arithmetic3A_152 = arith.constant 1 : i32
      %shift_right_arithmetic3A_153 = vector.broadcast %shift_right_arithmetic3A_152 : i32 to vector<16xi32>
      %shift_right_arithmetic3A_154 = arith.shrsi %get3A_145, %shift_right_arithmetic3A_153 : vector<16xi32>
      %add3A_155 = arith.addi %mul3A_151, %shift_right_arithmetic3A_154 : vector<16xi32>
      %swap3A_156 = arith.constant 0 : i32
      %swap3A_157 = arith.index_cast %scan3A_28 : i32 to index
      %swap3A_158 = arith.index_cast %swap3A_156 : i32 to index
      %swap3A_159 = arith.constant 80 : index
      %swap3A_160 = tpu.vector_load %arg7[%swap3A_157, %swap3A_158, %swap3A_159] {strides = array<i32>} : memref<50x1x200xi32, #tpu.memory_space<vmem>>, vector<1x1x16xi32>,
      %swap3A_161 = vector.shape_cast %swap3A_160 : vector<1x1x16xi32> to vector<16xi32>
      %swap3A_162 = vector.shape_cast %add3A_155 : vector<16xi32> to vector<1x1x16xi32>
      tpu.vector_store %arg7[%swap3A_157, %swap3A_158, %swap3A_159], %swap3A_162 {strides = array<i32>} : memref<50x1x200xi32, #tpu.memory_space<vmem>>, vector<1x1x16xi32>,
      %get3A_163 = arith.constant 0 : i32
      %get3A_164 = arith.index_cast %scan3A_28 : i32 to index
      %get3A_165 = arith.index_cast %get3A_163 : i32 to index
      %get3A_166 = arith.constant 96 : index
      %get3A_167 = tpu.vector_load %arg6[%get3A_164, %get3A_165, %get3A_166] {strides = array<i32>} : memref<50x1x200xi32, #tpu.memory_space<vmem>>, vector<1x1x16xi32>,
      %get3A_168 = vector.shape_cast %get3A_167 : vector<1x1x16xi32> to vector<16xi32>
      %and3A_169 = arith.constant 1 : i32
      %and3A_170 = vector.broadcast %and3A_169 : i32 to vector<16xi32>
      %and3A_171 = arith.andi %get3A_168, %and3A_170 : vector<16xi32>
      %mul3A_172 = arith.constant 5120 : i32
      %mul3A_173 = vector.broadcast %mul3A_172 : i32 to vector<16xi32>
      %mul3A_174 = arith.muli %and3A_171, %mul3A_173 : vector<16xi32>
      %shift_right_arithmetic3A_175 = arith.constant 1 : i32
      %shift_right_arithmetic3A_176 = vector.broadcast %shift_right_arithmetic3A_175 : i32 to vector<16xi32>
      %shift_right_arithmetic3A_177 = arith.shrsi %get3A_168, %shift_right_arithmetic3A_176 : vector<16xi32>
      %add3A_178 = arith.addi %mul3A_174, %shift_right_arithmetic3A_177 : vector<16xi32>
      %swap3A_179 = arith.constant 0 : i32
      %swap3A_180 = arith.index_cast %scan3A_28 : i32 to index
      %swap3A_181 = arith.index_cast %swap3A_179 : i32 to index
      %swap3A_182 = arith.constant 96 : index
      %swap3A_183 = tpu.vector_load %arg7[%swap3A_180, %swap3A_181, %swap3A_182] {strides = array<i32>} : memref<50x1x200xi32, #tpu.memory_space<vmem>>, vector<1x1x16xi32>,
      %swap3A_184 = vector.shape_cast %swap3A_183 : vector<1x1x16xi32> to vector<16xi32>
      %swap3A_185 = vector.shape_cast %add3A_178 : vector<16xi32> to vector<1x1x16xi32>
      tpu.vector_store %arg7[%swap3A_180, %swap3A_181, %swap3A_182], %swap3A_185 {strides = array<i32>} : memref<50x1x200xi32, #tpu.memory_space<vmem>>, vector<1x1x16xi32>,
      %get3A_186 = arith.constant 0 : i32
      %get3A_187 = arith.index_cast %scan3A_28 : i32 to index
      %get3A_188 = arith.index_cast %get3A_186 : i32 to index
      %get3A_189 = arith.constant 112 : index
      %get3A_190 = tpu.vector_load %arg6[%get3A_187, %get3A_188, %get3A_189] {strides = array<i32>} : memref<50x1x200xi32, #tpu.memory_space<vmem>>, vector<1x1x16xi32>,
      %get3A_191 = vector.shape_cast %get3A_190 : vector<1x1x16xi32> to vector<16xi32>
      %and3A_192 = arith.constant 1 : i32
      %and3A_193 = vector.broadcast %and3A_192 : i32 to vector<16xi32>
      %and3A_194 = arith.andi %get3A_191, %and3A_193 : vector<16xi32>
      %mul3A_195 = arith.constant 5120 : i32
      %mul3A_196 = vector.broadcast %mul3A_195 : i32 to vector<16xi32>
      %mul3A_197 = arith.muli %and3A_194, %mul3A_196 : vector<16xi32>
      %shift_right_arithmetic3A_198 = arith.constant 1 : i32
      %shift_right_arithmetic3A_199 = vector.broadcast %shift_right_arithmetic3A_198 : i32 to vector<16xi32>
      %shift_right_arithmetic3A_200 = arith.shrsi %get3A_191, %shift_right_arithmetic3A_199 : vector<16xi32>
      %add3A_201 = arith.addi %mul3A_197, %shift_right_arithmetic3A_200 : vector<16xi32>
      %swap3A_202 = arith.constant 0 : i32
      %swap3A_203 = arith.index_cast %scan3A_28 : i32 to index
      %swap3A_204 = arith.index_cast %swap3A_202 : i32 to index
      %swap3A_205 = arith.constant 112 : index
      %swap3A_206 = tpu.vector_load %arg7[%swap3A_203, %swap3A_204, %swap3A_205] {strides = array<i32>} : memref<50x1x200xi32, #tpu.memory_space<vmem>>, vector<1x1x16xi32>,
      %swap3A_207 = vector.shape_cast %swap3A_206 : vector<1x1x16xi32> to vector<16xi32>
      %swap3A_208 = vector.shape_cast %add3A_201 : vector<16xi32> to vector<1x1x16xi32>
      tpu.vector_store %arg7[%swap3A_203, %swap3A_204, %swap3A_205], %swap3A_208 {strides = array<i32>} : memref<50x1x200xi32, #tpu.memory_space<vmem>>, vector<1x1x16xi32>,
      %get3A_209 = arith.constant 0 : i32
      %get3A_210 = arith.index_cast %scan3A_28 : i32 to index
      %get3A_211 = arith.index_cast %get3A_209 : i32 to index
      %get3A_212 = arith.constant 128 : index
      %get3A_213 = tpu.vector_load %arg6[%get3A_210, %get3A_211, %get3A_212] {strides = array<i32>} : memref<50x1x200xi32, #tpu.memory_space<vmem>>, vector<1x1x16xi32>,
      %get3A_214 = vector.shape_cast %get3A_213 : vector<1x1x16xi32> to vector<16xi32>
      %and3A_215 = arith.constant 1 : i32
      %and3A_216 = vector.broadcast %and3A_215 : i32 to vector<16xi32>
      %and3A_217 = arith.andi %get3A_214, %and3A_216 : vector<16xi32>
      %mul3A_218 = arith.constant 5120 : i32
      %mul3A_219 = vector.broadcast %mul3A_218 : i32 to vector<16xi32>
      %mul3A_220 = arith.muli %and3A_217, %mul3A_219 : vector<16xi32>
      %shift_right_arithmetic3A_221 = arith.constant 1 : i32
      %shift_right_arithmetic3A_222 = vector.broadcast %shift_right_arithmetic3A_221 : i32 to vector<16xi32>
      %shift_right_arithmetic3A_223 = arith.shrsi %get3A_214, %shift_right_arithmetic3A_222 : vector<16xi32>
      %add3A_224 = arith.addi %mul3A_220, %shift_right_arithmetic3A_223 : vector<16xi32>
      %swap3A_225 = arith.constant 0 : i32
      %swap3A_226 = arith.index_cast %scan3A_28 : i32 to index
      %swap3A_227 = arith.index_cast %swap3A_225 : i32 to index
      %swap3A_228 = arith.constant 128 : index
      %swap3A_229 = tpu.vector_load %arg7[%swap3A_226, %swap3A_227, %swap3A_228] {strides = array<i32>} : memref<50x1x200xi32, #tpu.memory_space<vmem>>, vector<1x1x16xi32>,
      %swap3A_230 = vector.shape_cast %swap3A_229 : vector<1x1x16xi32> to vector<16xi32>
      %swap3A_231 = vector.shape_cast %add3A_224 : vector<16xi32> to vector<1x1x16xi32>
      tpu.vector_store %arg7[%swap3A_226, %swap3A_227, %swap3A_228], %swap3A_231 {strides = array<i32>} : memref<50x1x200xi32, #tpu.memory_space<vmem>>, vector<1x1x16xi32>,
      %get3A_232 = arith.constant 0 : i32
      %get3A_233 = arith.index_cast %scan3A_28 : i32 to index
      %get3A_234 = arith.index_cast %get3A_232 : i32 to index
      %get3A_235 = arith.constant 144 : index
      %get3A_236 = tpu.vector_load %arg6[%get3A_233, %get3A_234, %get3A_235] {strides = array<i32>} : memref<50x1x200xi32, #tpu.memory_space<vmem>>, vector<1x1x16xi32>,
      %get3A_237 = vector.shape_cast %get3A_236 : vector<1x1x16xi32> to vector<16xi32>
      %and3A_238 = arith.constant 1 : i32
      %and3A_239 = vector.broadcast %and3A_238 : i32 to vector<16xi32>
      %and3A_240 = arith.andi %get3A_237, %and3A_239 : vector<16xi32>
      %mul3A_241 = arith.constant 5120 : i32
      %mul3A_242 = vector.broadcast %mul3A_241 : i32 to vector<16xi32>
      %mul3A_243 = arith.muli %and3A_240, %mul3A_242 : vector<16xi32>
      %shift_right_arithmetic3A_244 = arith.constant 1 : i32
      %shift_right_arithmetic3A_245 = vector.broadcast %shift_right_arithmetic3A_244 : i32 to vector<16xi32>
      %shift_right_arithmetic3A_246 = arith.shrsi %get3A_237, %shift_right_arithmetic3A_245 : vector<16xi32>
      %add3A_247 = arith.addi %mul3A_243, %shift_right_arithmetic3A_246 : vector<16xi32>
      %swap3A_248 = arith.constant 0 : i32
      %swap3A_249 = arith.index_cast %scan3A_28 : i32 to index
      %swap3A_250 = arith.index_cast %swap3A_248 : i32 to index
      %swap3A_251 = arith.constant 144 : index
      %swap3A_252 = tpu.vector_load %arg7[%swap3A_249, %swap3A_250, %swap3A_251] {strides = array<i32>} : memref<50x1x200xi32, #tpu.memory_space<vmem>>, vector<1x1x16xi32>,
      %swap3A_253 = vector.shape_cast %swap3A_252 : vector<1x1x16xi32> to vector<16xi32>
      %swap3A_254 = vector.shape_cast %add3A_247 : vector<16xi32> to vector<1x1x16xi32>
      tpu.vector_store %arg7[%swap3A_249, %swap3A_250, %swap3A_251], %swap3A_254 {strides = array<i32>} : memref<50x1x200xi32, #tpu.memory_space<vmem>>, vector<1x1x16xi32>,
      %get3A_255 = arith.constant 0 : i32
      %get3A_256 = arith.index_cast %scan3A_28 : i32 to index
      %get3A_257 = arith.index_cast %get3A_255 : i32 to index
      %get3A_258 = arith.constant 160 : index
      %get3A_259 = tpu.vector_load %arg6[%get3A_256, %get3A_257, %get3A_258] {strides = array<i32>} : memref<50x1x200xi32, #tpu.memory_space<vmem>>, vector<1x1x16xi32>,
      %get3A_260 = vector.shape_cast %get3A_259 : vector<1x1x16xi32> to vector<16xi32>
      %and3A_261 = arith.constant 1 : i32
      %and3A_262 = vector.broadcast %and3A_261 : i32 to vector<16xi32>
      %and3A_263 = arith.andi %get3A_260, %and3A_262 : vector<16xi32>
      %mul3A_264 = arith.constant 5120 : i32
      %mul3A_265 = vector.broadcast %mul3A_264 : i32 to vector<16xi32>
      %mul3A_266 = arith.muli %and3A_263, %mul3A_265 : vector<16xi32>
      %shift_right_arithmetic3A_267 = arith.constant 1 : i32
      %shift_right_arithmetic3A_268 = vector.broadcast %shift_right_arithmetic3A_267 : i32 to vector<16xi32>
      %shift_right_arithmetic3A_269 = arith.shrsi %get3A_260, %shift_right_arithmetic3A_268 : vector<16xi32>
      %add3A_270 = arith.addi %mul3A_266, %shift_right_arithmetic3A_269 : vector<16xi32>
      %swap3A_271 = arith.constant 0 : i32
      %swap3A_272 = arith.index_cast %scan3A_28 : i32 to index
      %swap3A_273 = arith.index_cast %swap3A_271 : i32 to index
      %swap3A_274 = arith.constant 160 : index
      %swap3A_275 = tpu.vector_load %arg7[%swap3A_272, %swap3A_273, %swap3A_274] {strides = array<i32>} : memref<50x1x200xi32, #tpu.memory_space<vmem>>, vector<1x1x16xi32>,
      %swap3A_276 = vector.shape_cast %swap3A_275 : vector<1x1x16xi32> to vector<16xi32>
      %swap3A_277 = vector.shape_cast %add3A_270 : vector<16xi32> to vector<1x1x16xi32>
      tpu.vector_store %arg7[%swap3A_272, %swap3A_273, %swap3A_274], %swap3A_277 {strides = array<i32>} : memref<50x1x200xi32, #tpu.memory_space<vmem>>, vector<1x1x16xi32>,
      %get3A_278 = arith.constant 0 : i32
      %get3A_279 = arith.index_cast %scan3A_28 : i32 to index
      %get3A_280 = arith.index_cast %get3A_278 : i32 to index
      %get3A_281 = arith.constant 176 : index
      %get3A_282 = tpu.vector_load %arg6[%get3A_279, %get3A_280, %get3A_281] {strides = array<i32>} : memref<50x1x200xi32, #tpu.memory_space<vmem>>, vector<1x1x16xi32>,
      %get3A_283 = vector.shape_cast %get3A_282 : vector<1x1x16xi32> to vector<16xi32>
      %and3A_284 = arith.constant 1 : i32
      %and3A_285 = vector.broadcast %and3A_284 : i32 to vector<16xi32>
      %and3A_286 = arith.andi %get3A_283, %and3A_285 : vector<16xi32>
      %mul3A_287 = arith.constant 5120 : i32
      %mul3A_288 = vector.broadcast %mul3A_287 : i32 to vector<16xi32>
      %mul3A_289 = arith.muli %and3A_286, %mul3A_288 : vector<16xi32>
      %shift_right_arithmetic3A_290 = arith.constant 1 : i32
      %shift_right_arithmetic3A_291 = vector.broadcast %shift_right_arithmetic3A_290 : i32 to vector<16xi32>
      %shift_right_arithmetic3A_292 = arith.shrsi %get3A_283, %shift_right_arithmetic3A_291 : vector<16xi32>
      %add3A_293 = arith.addi %mul3A_289, %shift_right_arithmetic3A_292 : vector<16xi32>
      %swap3A_294 = arith.constant 0 : i32
      %swap3A_295 = arith.index_cast %scan3A_28 : i32 to index
      %swap3A_296 = arith.index_cast %swap3A_294 : i32 to index
      %swap3A_297 = arith.constant 176 : index
      %swap3A_298 = tpu.vector_load %arg7[%swap3A_295, %swap3A_296, %swap3A_297] {strides = array<i32>} : memref<50x1x200xi32, #tpu.memory_space<vmem>>, vector<1x1x16xi32>,
      %swap3A_299 = vector.shape_cast %swap3A_298 : vector<1x1x16xi32> to vector<16xi32>
      %swap3A_300 = vector.shape_cast %add3A_293 : vector<16xi32> to vector<1x1x16xi32>
      tpu.vector_store %arg7[%swap3A_295, %swap3A_296, %swap3A_297], %swap3A_300 {strides = array<i32>} : memref<50x1x200xi32, #tpu.memory_space<vmem>>, vector<1x1x16xi32>,
      %get3A_301 = arith.constant 0 : i32
      %get3A_302 = arith.index_cast %scan3A_28 : i32 to index
      %get3A_303 = arith.index_cast %get3A_301 : i32 to index
      %get3A_304 = arith.constant 184 : index
      %get3A_305 = tpu.vector_load %arg6[%get3A_302, %get3A_303, %get3A_304] {strides = array<i32>} : memref<50x1x200xi32, #tpu.memory_space<vmem>>, vector<1x1x16xi32>,
      %get3A_306 = vector.shape_cast %get3A_305 : vector<1x1x16xi32> to vector<16xi32>
      %and3A_307 = arith.constant 1 : i32
      %and3A_308 = vector.broadcast %and3A_307 : i32 to vector<16xi32>
      %and3A_309 = arith.andi %get3A_306, %and3A_308 : vector<16xi32>
      %mul3A_310 = arith.constant 5120 : i32
      %mul3A_311 = vector.broadcast %mul3A_310 : i32 to vector<16xi32>
      %mul3A_312 = arith.muli %and3A_309, %mul3A_311 : vector<16xi32>
      %shift_right_arithmetic3A_313 = arith.constant 1 : i32
      %shift_right_arithmetic3A_314 = vector.broadcast %shift_right_arithmetic3A_313 : i32 to vector<16xi32>
      %shift_right_arithmetic3A_315 = arith.shrsi %get3A_306, %shift_right_arithmetic3A_314 : vector<16xi32>
      %add3A_316 = arith.addi %mul3A_312, %shift_right_arithmetic3A_315 : vector<16xi32>
      %swap3A_317 = arith.constant 0 : i32
      %swap3A_318 = arith.index_cast %scan3A_28 : i32 to index
      %swap3A_319 = arith.index_cast %swap3A_317 : i32 to index
      %swap3A_320 = arith.constant 184 : index
      %swap3A_321 = tpu.vector_load %arg7[%swap3A_318, %swap3A_319, %swap3A_320] {strides = array<i32>} : memref<50x1x200xi32, #tpu.memory_space<vmem>>, vector<1x1x16xi32>,
      %swap3A_322 = vector.shape_cast %swap3A_321 : vector<1x1x16xi32> to vector<16xi32>
      %swap3A_323 = vector.shape_cast %add3A_316 : vector<16xi32> to vector<1x1x16xi32>
      tpu.vector_store %arg7[%swap3A_318, %swap3A_319, %swap3A_320], %swap3A_323 {strides = array<i32>} : memref<50x1x200xi32, #tpu.memory_space<vmem>>, vector<1x1x16xi32>,
    }
    %scan3A_9 = arith.constant 50 : i32
    %barrier3A = arith.constant 0 : index
    tpu.barrier barrier_id(%barrier3A)
    %scan3A_10 = arith.constant 0 : i32
    %scan3A_11 = arith.constant 0 : i32
    %scan3A_12 = arith.constant 50 : i32
    %scan3A_13 = arith.addi %scan3A_11, %scan3A_12 : i32
    %scan3A_14 = arith.constant 1 : i32
    scf.for %scan3A_28 = %scan3A_11 to %scan3A_13 step %scan3A_14  : i32 {
      %dma_start3A = arith.constant 0 : i32
      %dma_start3A_29 = arith.constant 0 : i32
      %dma_start3A_30 = tpu.memref_slice %arg7[%scan3A_28, %dma_start3A, %dma_start3A_29] : memref<50x1x200xi32, #tpu.memory_space<vmem>> -> memref<1x1x200xi32, #tpu.memory_space<vmem>>
      %dma_start3A_31 = tpu.memref_squeeze %dma_start3A_30 : memref<1x1x200xi32, #tpu.memory_space<vmem>> -> memref<200xi32, #tpu.memory_space<vmem>>
      %dma_start3A_32 = arith.constant 0 : i32
      %dma_start3A_33 = tpu.memref_slice %arg9[%dma_start3A_32] : memref<10240xf32, #tpu.memory_space<vmem_shared>> -> memref<10240xf32, #tpu.memory_space<vmem_shared>>
      tpu.enqueue_indirect_dma source(%arg8 : memref<200xf32, #tpu.memory_space<vmem>>) target(%dma_start3A_33 : memref<10240xf32, #tpu.memory_space<vmem_shared>>) offsets(%dma_start3A_31 : memref<200xi32, #tpu.memory_space<vmem>>) semaphore(%arg10 : memref<!tpu.dma_semaphore, #tpu.memory_space<semaphore_mem>>) {add = true}
    }
    %scan3A_15 = arith.constant 50 : i32
    %scan3A_16 = arith.constant 0 : i32
    %scan3A_17 = arith.constant 0 : i32
    %scan3A_18 = arith.constant 50 : i32
    %scan3A_19 = arith.addi %scan3A_17, %scan3A_18 : i32
    %scan3A_20 = arith.constant 1 : i32
    scf.for %scan3A_28 = %scan3A_17 to %scan3A_19 step %scan3A_20  : i32 {
      %dma_wait3A = arith.constant 0 : i32
      %dma_wait3A_29 = arith.constant 0 : i32
      %dma_wait3A_30 = arith.constant 0 : i32
      %dma_wait3A_31 = tpu.memref_slice %arg7[%dma_wait3A, %dma_wait3A_29, %dma_wait3A_30] : memref<50x1x200xi32, #tpu.memory_space<vmem>> -> memref<1x1x200xi32, #tpu.memory_space<vmem>>
      %dma_wait3A_32 = tpu.memref_squeeze %dma_wait3A_31 : memref<1x1x200xi32, #tpu.memory_space<vmem>> -> memref<200xi32, #tpu.memory_space<vmem>>
      %dma_wait3A_33 = arith.constant 0 : i32
      %dma_wait3A_34 = tpu.memref_slice %arg9[%dma_wait3A_33] : memref<10240xf32, #tpu.memory_space<vmem_shared>> -> memref<10240xf32, #tpu.memory_space<vmem_shared>>
      tpu.wait_indirect_dma semaphore(%arg10 : memref<!tpu.dma_semaphore, #tpu.memory_space<semaphore_mem>>) src(%arg8 : memref<200xf32, #tpu.memory_space<vmem>>) dst(%dma_wait3A_34 : memref<10240xf32, #tpu.memory_space<vmem_shared>>)
    }
    %scan3A_21 = arith.constant 50 : i32
    %barrier3A_22 = arith.constant 0 : index
    tpu.barrier barrier_id(%barrier3A_22)
    %mul3A_23 = arith.constant 640 : i32
    %mul3A_24 = arith.muli %arg1, %mul3A_23 : i32
    %mul3A_25 = arith.constant 640 : i32
    %mul3A_26 = arith.muli %arg1, %mul3A_25 : i32
    %run_scoped3A_27 = arith.constant 0 : i32
    "tpu.region"() ({
      %run_scoped3A_28 = tpu.sem_alloc : memref<!tpu.dma_semaphore, #tpu.memory_space<semaphore_mem>>
      %dma_start3A = tpu.memref_slice %arg5[%arg0, %run_scoped3A_27, %mul3A_26] : memref<2x1x10240xf32, #tpu.memory_space<hbm>> -> memref<1x1x640xf32, #tpu.memory_space<hbm>>
      %dma_start3A_29 = tpu.memref_squeeze %dma_start3A : memref<1x1x640xf32, #tpu.memory_space<hbm>> -> memref<640xf32, #tpu.memory_space<hbm>>
      %dma_start3A_30 = tpu.memref_slice %arg9[%mul3A_24] : memref<10240xf32, #tpu.memory_space<vmem_shared>> -> memref<640xf32, #tpu.memory_space<vmem_shared>>
      tpu.enqueue_dma source(%dma_start3A_30 : memref<640xf32, #tpu.memory_space<vmem_shared>>) target(%dma_start3A_29 : memref<640xf32, #tpu.memory_space<hbm>>) target_semaphore(%run_scoped3A_28 : memref<!tpu.dma_semaphore, #tpu.memory_space<semaphore_mem>>)
      %dma_wait3A = tpu.memref_slice %arg5[%arg0, %run_scoped3A_27, %mul3A_26] : memref<2x1x10240xf32, #tpu.memory_space<hbm>> -> memref<1x1x640xf32, #tpu.memory_space<hbm>>
      %dma_wait3A_31 = tpu.memref_squeeze %dma_wait3A : memref<1x1x640xf32, #tpu.memory_space<hbm>> -> memref<640xf32, #tpu.memory_space<hbm>>
      %dma_wait3A_32 = tpu.memref_slice %arg9[%mul3A_24] : memref<10240xf32, #tpu.memory_space<vmem_shared>> -> memref<640xf32, #tpu.memory_space<vmem_shared>>
      tpu.wait_dma2 semaphore(%run_scoped3A_28 : memref<!tpu.dma_semaphore, #tpu.memory_space<semaphore_mem>>) src(%dma_wait3A_32 : memref<640xf32, #tpu.memory_space<vmem_shared>>) dst(%dma_wait3A_31 : memref<640xf32, #tpu.memory_space<hbm>>)
      tpu.yield
    }) : () -> ()
    return
  }
}

#map = affine_map<(d0, d1) -> (0, 0)>
#map1 = affine_map<(d0, d1) -> (0, 0, 0, 0, 0)>
#map2 = affine_map<(d0, d1) -> (0, 0, 0)>
module attributes {stable_mosaic.version = 14 : i64} {
  func.func @_sc_propagate(%arg0: i32, %arg1: i32, %arg2: memref<10240x64xf32, #tpu.memory_space<hbm>>, %arg3: memref<2x32x50x1x200xi32, #tpu.memory_space<hbm>>, %arg4: memref<10240x64xf32, #tpu.memory_space<hbm>>, %arg5: memref<2x10240x64xf32, #tpu.memory_space<hbm>>, %arg6: memref<50x1x200xi32, #tpu.memory_space<vmem>>, %arg7: memref<50x1x200xi32, #tpu.memory_space<vmem>>, %arg8: memref<5x200x64xf32, #tpu.memory_space<vmem>>, %arg9: memref<10240x64xf32, #tpu.memory_space<vmem_shared>>, %arg10: memref<5x!tpu.dma_semaphore, #tpu.memory_space<semaphore_mem>>, %arg11: memref<5x!tpu.dma_semaphore, #tpu.memory_space<semaphore_mem>>) attributes {dimension_semantics = [#tpu.dimension_semantics<core_parallel>, #tpu.dimension_semantics<subcore_parallel>], iteration_bounds = array<i64: 2, 16>, scalar_prefetch = 0 : i64, scratch_operands = 6 : i64, tpu.core_type = #tpu.core_type<sc_vector_subcore>, window_params = [{transform_indices = #map}, {transform_indices = #map1}, {transform_indices = #map}, {transform_indices = #map2}]} {
    %mul3A = arith.constant 16 : i32
    %mul3A_0 = arith.muli %arg0, %mul3A : i32
    %add3A = arith.addi %mul3A_0, %arg1 : i32
    %run_scoped3A = arith.constant 0 : i32
    "tpu.region"() ({
      %run_scoped3A_97 = tpu.sem_alloc : memref<!tpu.dma_semaphore, #tpu.memory_space<semaphore_mem>>
      %dma_start3A_98 = arith.constant 0 : i32
      %dma_start3A_99 = arith.constant 0 : i32
      %dma_start3A_100 = arith.constant 0 : i32
      %dma_start3A_101 = tpu.memref_slice %arg3[%run_scoped3A, %add3A, %dma_start3A_98, %dma_start3A_99, %dma_start3A_100] : memref<2x32x50x1x200xi32, #tpu.memory_space<hbm>> -> memref<1x1x50x1x200xi32, #tpu.memory_space<hbm>>
      %dma_start3A_102 = tpu.memref_squeeze %dma_start3A_101 : memref<1x1x50x1x200xi32, #tpu.memory_space<hbm>> -> memref<50x1x200xi32, #tpu.memory_space<hbm>>
      %dma_start3A_103 = arith.constant 0 : i32
      %dma_start3A_104 = arith.constant 0 : i32
      %dma_start3A_105 = arith.constant 0 : i32
      %dma_start3A_106 = tpu.memref_slice %arg3[%run_scoped3A, %add3A, %dma_start3A_103, %dma_start3A_104, %dma_start3A_105] : memref<2x32x50x1x200xi32, #tpu.memory_space<hbm>> -> memref<1x1x50x1x200xi32, #tpu.memory_space<hbm>>
      %dma_start3A_107 = tpu.memref_squeeze %dma_start3A_106 : memref<1x1x50x1x200xi32, #tpu.memory_space<hbm>> -> memref<50x1x200xi32, #tpu.memory_space<hbm>>
      tpu.enqueue_dma source(%dma_start3A_107 : memref<50x1x200xi32, #tpu.memory_space<hbm>>) target(%arg6 : memref<50x1x200xi32, #tpu.memory_space<vmem>>) target_semaphore(%run_scoped3A_97 : memref<!tpu.dma_semaphore, #tpu.memory_space<semaphore_mem>>)
      %dma_wait3A = arith.constant 0 : i32
      %dma_wait3A_108 = arith.constant 0 : i32
      %dma_wait3A_109 = arith.constant 0 : i32
      %dma_wait3A_110 = tpu.memref_slice %arg3[%run_scoped3A, %add3A, %dma_wait3A, %dma_wait3A_108, %dma_wait3A_109] : memref<2x32x50x1x200xi32, #tpu.memory_space<hbm>> -> memref<1x1x50x1x200xi32, #tpu.memory_space<hbm>>
      %dma_wait3A_111 = tpu.memref_squeeze %dma_wait3A_110 : memref<1x1x50x1x200xi32, #tpu.memory_space<hbm>> -> memref<50x1x200xi32, #tpu.memory_space<hbm>>
      %dma_wait3A_112 = arith.constant 0 : i32
      %dma_wait3A_113 = arith.constant 0 : i32
      %dma_wait3A_114 = arith.constant 0 : i32
      %dma_wait3A_115 = tpu.memref_slice %arg3[%run_scoped3A, %add3A, %dma_wait3A_112, %dma_wait3A_113, %dma_wait3A_114] : memref<2x32x50x1x200xi32, #tpu.memory_space<hbm>> -> memref<1x1x50x1x200xi32, #tpu.memory_space<hbm>>
      %dma_wait3A_116 = tpu.memref_squeeze %dma_wait3A_115 : memref<1x1x50x1x200xi32, #tpu.memory_space<hbm>> -> memref<50x1x200xi32, #tpu.memory_space<hbm>>
      tpu.wait_dma2 semaphore(%run_scoped3A_97 : memref<!tpu.dma_semaphore, #tpu.memory_space<semaphore_mem>>) src(%dma_wait3A_116 : memref<50x1x200xi32, #tpu.memory_space<hbm>>) dst(%arg6 : memref<50x1x200xi32, #tpu.memory_space<vmem>>)
      tpu.yield
    }) : () -> ()
    %run_scoped3A_1 = arith.constant 1 : i32
    "tpu.region"() ({
      %run_scoped3A_97 = tpu.sem_alloc : memref<!tpu.dma_semaphore, #tpu.memory_space<semaphore_mem>>
      %dma_start3A_98 = arith.constant 0 : i32
      %dma_start3A_99 = arith.constant 0 : i32
      %dma_start3A_100 = arith.constant 0 : i32
      %dma_start3A_101 = tpu.memref_slice %arg3[%run_scoped3A_1, %add3A, %dma_start3A_98, %dma_start3A_99, %dma_start3A_100] : memref<2x32x50x1x200xi32, #tpu.memory_space<hbm>> -> memref<1x1x50x1x200xi32, #tpu.memory_space<hbm>>
      %dma_start3A_102 = tpu.memref_squeeze %dma_start3A_101 : memref<1x1x50x1x200xi32, #tpu.memory_space<hbm>> -> memref<50x1x200xi32, #tpu.memory_space<hbm>>
      %dma_start3A_103 = arith.constant 0 : i32
      %dma_start3A_104 = arith.constant 0 : i32
      %dma_start3A_105 = arith.constant 0 : i32
      %dma_start3A_106 = tpu.memref_slice %arg3[%run_scoped3A_1, %add3A, %dma_start3A_103, %dma_start3A_104, %dma_start3A_105] : memref<2x32x50x1x200xi32, #tpu.memory_space<hbm>> -> memref<1x1x50x1x200xi32, #tpu.memory_space<hbm>>
      %dma_start3A_107 = tpu.memref_squeeze %dma_start3A_106 : memref<1x1x50x1x200xi32, #tpu.memory_space<hbm>> -> memref<50x1x200xi32, #tpu.memory_space<hbm>>
      tpu.enqueue_dma source(%dma_start3A_107 : memref<50x1x200xi32, #tpu.memory_space<hbm>>) target(%arg7 : memref<50x1x200xi32, #tpu.memory_space<vmem>>) target_semaphore(%run_scoped3A_97 : memref<!tpu.dma_semaphore, #tpu.memory_space<semaphore_mem>>)
      %dma_wait3A = arith.constant 0 : i32
      %dma_wait3A_108 = arith.constant 0 : i32
      %dma_wait3A_109 = arith.constant 0 : i32
      %dma_wait3A_110 = tpu.memref_slice %arg3[%run_scoped3A_1, %add3A, %dma_wait3A, %dma_wait3A_108, %dma_wait3A_109] : memref<2x32x50x1x200xi32, #tpu.memory_space<hbm>> -> memref<1x1x50x1x200xi32, #tpu.memory_space<hbm>>
      %dma_wait3A_111 = tpu.memref_squeeze %dma_wait3A_110 : memref<1x1x50x1x200xi32, #tpu.memory_space<hbm>> -> memref<50x1x200xi32, #tpu.memory_space<hbm>>
      %dma_wait3A_112 = arith.constant 0 : i32
      %dma_wait3A_113 = arith.constant 0 : i32
      %dma_wait3A_114 = arith.constant 0 : i32
      %dma_wait3A_115 = tpu.memref_slice %arg3[%run_scoped3A_1, %add3A, %dma_wait3A_112, %dma_wait3A_113, %dma_wait3A_114] : memref<2x32x50x1x200xi32, #tpu.memory_space<hbm>> -> memref<1x1x50x1x200xi32, #tpu.memory_space<hbm>>
      %dma_wait3A_116 = tpu.memref_squeeze %dma_wait3A_115 : memref<1x1x50x1x200xi32, #tpu.memory_space<hbm>> -> memref<50x1x200xi32, #tpu.memory_space<hbm>>
      tpu.wait_dma2 semaphore(%run_scoped3A_97 : memref<!tpu.dma_semaphore, #tpu.memory_space<semaphore_mem>>) src(%dma_wait3A_116 : memref<50x1x200xi32, #tpu.memory_space<hbm>>) dst(%arg7 : memref<50x1x200xi32, #tpu.memory_space<vmem>>)
      tpu.yield
    }) : () -> ()
    %eq3A = arith.constant 0 : i32
    %eq3A_2 = arith.cmpi eq, %arg0, %eq3A : i32
    %convert_element_type3A = arith.extui %eq3A_2 : i1 to i32
    %cond3A = arith.constant 0 : i32
    %cond3A_3 = arith.cmpi ne, %convert_element_type3A, %cond3A : i32
    scf.if %cond3A_3 {
      %mul3A_97 = arith.constant 640 : i32
      %mul3A_98 = arith.muli %arg1, %mul3A_97 : i32
      %mul3A_99 = arith.constant 640 : i32
      %mul3A_100 = arith.muli %arg1, %mul3A_99 : i32
      "tpu.region"() ({
        %run_scoped3A_101 = tpu.sem_alloc : memref<!tpu.dma_semaphore, #tpu.memory_space<semaphore_mem>>
        %dma_start3A_102 = arith.constant 0 : i32
        %dma_start3A_103 = tpu.memref_slice %arg9[%mul3A_100, %dma_start3A_102] : memref<10240x64xf32, #tpu.memory_space<vmem_shared>> -> memref<640x64xf32, #tpu.memory_space<vmem_shared>>
        %dma_start3A_104 = arith.constant 0 : i32
        %dma_start3A_105 = tpu.memref_slice %arg2[%mul3A_98, %dma_start3A_104] : memref<10240x64xf32, #tpu.memory_space<hbm>> -> memref<640x64xf32, #tpu.memory_space<hbm>>
        tpu.enqueue_dma source(%dma_start3A_105 : memref<640x64xf32, #tpu.memory_space<hbm>>) target(%dma_start3A_103 : memref<640x64xf32, #tpu.memory_space<vmem_shared>>) target_semaphore(%run_scoped3A_101 : memref<!tpu.dma_semaphore, #tpu.memory_space<semaphore_mem>>)
        %dma_wait3A = arith.constant 0 : i32
        %dma_wait3A_106 = tpu.memref_slice %arg9[%mul3A_100, %dma_wait3A] : memref<10240x64xf32, #tpu.memory_space<vmem_shared>> -> memref<640x64xf32, #tpu.memory_space<vmem_shared>>
        %dma_wait3A_107 = arith.constant 0 : i32
        %dma_wait3A_108 = tpu.memref_slice %arg2[%mul3A_98, %dma_wait3A_107] : memref<10240x64xf32, #tpu.memory_space<hbm>> -> memref<640x64xf32, #tpu.memory_space<hbm>>
        tpu.wait_dma2 semaphore(%run_scoped3A_101 : memref<!tpu.dma_semaphore, #tpu.memory_space<semaphore_mem>>) src(%dma_wait3A_108 : memref<640x64xf32, #tpu.memory_space<hbm>>) dst(%dma_wait3A_106 : memref<640x64xf32, #tpu.memory_space<vmem_shared>>)
        tpu.yield
      }) : () -> ()
    } else {
    }
    %ne3A = arith.constant 0 : i32
    %ne3A_4 = arith.cmpi ne, %arg0, %ne3A : i32
    %convert_element_type3A_5 = arith.extui %ne3A_4 : i1 to i32
    %cond3A_6 = arith.constant 0 : i32
    %cond3A_7 = arith.cmpi ne, %convert_element_type3A_5, %cond3A_6 : i32
    scf.if %cond3A_7 {
      %mul3A_97 = arith.constant 640 : i32
      %mul3A_98 = arith.muli %arg1, %mul3A_97 : i32
      %mul3A_99 = arith.constant 640 : i32
      %mul3A_100 = arith.muli %arg1, %mul3A_99 : i32
      "tpu.region"() ({
        %run_scoped3A_101 = tpu.sem_alloc : memref<!tpu.dma_semaphore, #tpu.memory_space<semaphore_mem>>
        %dma_start3A_102 = arith.constant 0 : i32
        %dma_start3A_103 = tpu.memref_slice %arg9[%mul3A_100, %dma_start3A_102] : memref<10240x64xf32, #tpu.memory_space<vmem_shared>> -> memref<640x64xf32, #tpu.memory_space<vmem_shared>>
        %dma_start3A_104 = arith.constant 0 : i32
        %dma_start3A_105 = tpu.memref_slice %arg4[%mul3A_98, %dma_start3A_104] : memref<10240x64xf32, #tpu.memory_space<hbm>> -> memref<640x64xf32, #tpu.memory_space<hbm>>
        tpu.enqueue_dma source(%dma_start3A_105 : memref<640x64xf32, #tpu.memory_space<hbm>>) target(%dma_start3A_103 : memref<640x64xf32, #tpu.memory_space<vmem_shared>>) target_semaphore(%run_scoped3A_101 : memref<!tpu.dma_semaphore, #tpu.memory_space<semaphore_mem>>)
        %dma_wait3A = arith.constant 0 : i32
        %dma_wait3A_106 = tpu.memref_slice %arg9[%mul3A_100, %dma_wait3A] : memref<10240x64xf32, #tpu.memory_space<vmem_shared>> -> memref<640x64xf32, #tpu.memory_space<vmem_shared>>
        %dma_wait3A_107 = arith.constant 0 : i32
        %dma_wait3A_108 = tpu.memref_slice %arg4[%mul3A_98, %dma_wait3A_107] : memref<10240x64xf32, #tpu.memory_space<hbm>> -> memref<640x64xf32, #tpu.memory_space<hbm>>
        tpu.wait_dma2 semaphore(%run_scoped3A_101 : memref<!tpu.dma_semaphore, #tpu.memory_space<semaphore_mem>>) src(%dma_wait3A_108 : memref<640x64xf32, #tpu.memory_space<hbm>>) dst(%dma_wait3A_106 : memref<640x64xf32, #tpu.memory_space<vmem_shared>>)
        tpu.yield
      }) : () -> ()
    } else {
    }
    %barrier3A = arith.constant 0 : index
    tpu.barrier barrier_id(%barrier3A)
    %dma_start3A = arith.constant 0 : i32
    %dma_start3A_8 = arith.constant 0 : i32
    %dma_start3A_9 = arith.constant 0 : i32
    %dma_start3A_10 = arith.constant 0 : i32
    %dma_start3A_11 = arith.constant 0 : i32
    %dma_start3A_12 = arith.constant 0 : i32
    %dma_start3A_13 = tpu.memref_slice %arg8[%dma_start3A_9, %dma_start3A_11, %dma_start3A_12] : memref<5x200x64xf32, #tpu.memory_space<vmem>> -> memref<1x200x64xf32, #tpu.memory_space<vmem>>
    %dma_start3A_14 = tpu.memref_squeeze %dma_start3A_13 : memref<1x200x64xf32, #tpu.memory_space<vmem>> -> memref<200x64xf32, #tpu.memory_space<vmem>>
    %dma_start3A_15 = arith.constant 0 : i32
    %dma_start3A_16 = tpu.memref_slice %arg6[%dma_start3A, %dma_start3A_8, %dma_start3A_15] : memref<50x1x200xi32, #tpu.memory_space<vmem>> -> memref<1x1x200xi32, #tpu.memory_space<vmem>>
    %dma_start3A_17 = tpu.memref_squeeze %dma_start3A_16 : memref<1x1x200xi32, #tpu.memory_space<vmem>> -> memref<200xi32, #tpu.memory_space<vmem>>
    %dma_start3A_18 = arith.constant 0 : i32
    %dma_start3A_19 = arith.constant 0 : i32
    %dma_start3A_20 = tpu.memref_slice %arg2[%dma_start3A_18, %dma_start3A_19] : memref<10240x64xf32, #tpu.memory_space<hbm>> -> memref<10240x64xf32, #tpu.memory_space<hbm>>
    %dma_start3A_21 = tpu.memref_slice %arg10[%dma_start3A_10] : memref<5x!tpu.dma_semaphore, #tpu.memory_space<semaphore_mem>> -> memref<1x!tpu.dma_semaphore, #tpu.memory_space<semaphore_mem>>
    %dma_start3A_22 = tpu.memref_squeeze %dma_start3A_21 : memref<1x!tpu.dma_semaphore, #tpu.memory_space<semaphore_mem>> -> memref<!tpu.dma_semaphore, #tpu.memory_space<semaphore_mem>>
    tpu.enqueue_indirect_dma source(%dma_start3A_20 : memref<10240x64xf32, #tpu.memory_space<hbm>>) target(%dma_start3A_14 : memref<200x64xf32, #tpu.memory_space<vmem>>) offsets(%dma_start3A_17 : memref<200xi32, #tpu.memory_space<vmem>>) semaphore(%dma_start3A_22 : memref<!tpu.dma_semaphore, #tpu.memory_space<semaphore_mem>>)
    %dma_start3A_23 = arith.constant 1 : i32
    %dma_start3A_24 = arith.constant 0 : i32
    %dma_start3A_25 = arith.constant 1 : i32
    %dma_start3A_26 = arith.constant 1 : i32
    %dma_start3A_27 = arith.constant 0 : i32
    %dma_start3A_28 = arith.constant 0 : i32
    %dma_start3A_29 = tpu.memref_slice %arg8[%dma_start3A_25, %dma_start3A_27, %dma_start3A_28] : memref<5x200x64xf32, #tpu.memory_space<vmem>> -> memref<1x200x64xf32, #tpu.memory_space<vmem>>
    %dma_start3A_30 = tpu.memref_squeeze %dma_start3A_29 : memref<1x200x64xf32, #tpu.memory_space<vmem>> -> memref<200x64xf32, #tpu.memory_space<vmem>>
    %dma_start3A_31 = arith.constant 0 : i32
    %dma_start3A_32 = tpu.memref_slice %arg6[%dma_start3A_23, %dma_start3A_24, %dma_start3A_31] : memref<50x1x200xi32, #tpu.memory_space<vmem>> -> memref<1x1x200xi32, #tpu.memory_space<vmem>>
    %dma_start3A_33 = tpu.memref_squeeze %dma_start3A_32 : memref<1x1x200xi32, #tpu.memory_space<vmem>> -> memref<200xi32, #tpu.memory_space<vmem>>
    %dma_start3A_34 = arith.constant 0 : i32
    %dma_start3A_35 = arith.constant 0 : i32
    %dma_start3A_36 = tpu.memref_slice %arg2[%dma_start3A_34, %dma_start3A_35] : memref<10240x64xf32, #tpu.memory_space<hbm>> -> memref<10240x64xf32, #tpu.memory_space<hbm>>
    %dma_start3A_37 = tpu.memref_slice %arg10[%dma_start3A_26] : memref<5x!tpu.dma_semaphore, #tpu.memory_space<semaphore_mem>> -> memref<1x!tpu.dma_semaphore, #tpu.memory_space<semaphore_mem>>
    %dma_start3A_38 = tpu.memref_squeeze %dma_start3A_37 : memref<1x!tpu.dma_semaphore, #tpu.memory_space<semaphore_mem>> -> memref<!tpu.dma_semaphore, #tpu.memory_space<semaphore_mem>>
    tpu.enqueue_indirect_dma source(%dma_start3A_36 : memref<10240x64xf32, #tpu.memory_space<hbm>>) target(%dma_start3A_30 : memref<200x64xf32, #tpu.memory_space<vmem>>) offsets(%dma_start3A_33 : memref<200xi32, #tpu.memory_space<vmem>>) semaphore(%dma_start3A_38 : memref<!tpu.dma_semaphore, #tpu.memory_space<semaphore_mem>>)
    %dma_start3A_39 = arith.constant 2 : i32
    %dma_start3A_40 = arith.constant 0 : i32
    %dma_start3A_41 = arith.constant 2 : i32
    %dma_start3A_42 = arith.constant 2 : i32
    %dma_start3A_43 = arith.constant 0 : i32
    %dma_start3A_44 = arith.constant 0 : i32
    %dma_start3A_45 = tpu.memref_slice %arg8[%dma_start3A_41, %dma_start3A_43, %dma_start3A_44] : memref<5x200x64xf32, #tpu.memory_space<vmem>> -> memref<1x200x64xf32, #tpu.memory_space<vmem>>
    %dma_start3A_46 = tpu.memref_squeeze %dma_start3A_45 : memref<1x200x64xf32, #tpu.memory_space<vmem>> -> memref<200x64xf32, #tpu.memory_space<vmem>>
    %dma_start3A_47 = arith.constant 0 : i32
    %dma_start3A_48 = tpu.memref_slice %arg6[%dma_start3A_39, %dma_start3A_40, %dma_start3A_47] : memref<50x1x200xi32, #tpu.memory_space<vmem>> -> memref<1x1x200xi32, #tpu.memory_space<vmem>>
    %dma_start3A_49 = tpu.memref_squeeze %dma_start3A_48 : memref<1x1x200xi32, #tpu.memory_space<vmem>> -> memref<200xi32, #tpu.memory_space<vmem>>
    %dma_start3A_50 = arith.constant 0 : i32
    %dma_start3A_51 = arith.constant 0 : i32
    %dma_start3A_52 = tpu.memref_slice %arg2[%dma_start3A_50, %dma_start3A_51] : memref<10240x64xf32, #tpu.memory_space<hbm>> -> memref<10240x64xf32, #tpu.memory_space<hbm>>
    %dma_start3A_53 = tpu.memref_slice %arg10[%dma_start3A_42] : memref<5x!tpu.dma_semaphore, #tpu.memory_space<semaphore_mem>> -> memref<1x!tpu.dma_semaphore, #tpu.memory_space<semaphore_mem>>
    %dma_start3A_54 = tpu.memref_squeeze %dma_start3A_53 : memref<1x!tpu.dma_semaphore, #tpu.memory_space<semaphore_mem>> -> memref<!tpu.dma_semaphore, #tpu.memory_space<semaphore_mem>>
    tpu.enqueue_indirect_dma source(%dma_start3A_52 : memref<10240x64xf32, #tpu.memory_space<hbm>>) target(%dma_start3A_46 : memref<200x64xf32, #tpu.memory_space<vmem>>) offsets(%dma_start3A_49 : memref<200xi32, #tpu.memory_space<vmem>>) semaphore(%dma_start3A_54 : memref<!tpu.dma_semaphore, #tpu.memory_space<semaphore_mem>>)
    %dma_start3A_55 = arith.constant 3 : i32
    %dma_start3A_56 = arith.constant 0 : i32
    %dma_start3A_57 = arith.constant 3 : i32
    %dma_start3A_58 = arith.constant 3 : i32
    %dma_start3A_59 = arith.constant 0 : i32
    %dma_start3A_60 = arith.constant 0 : i32
    %dma_start3A_61 = tpu.memref_slice %arg8[%dma_start3A_57, %dma_start3A_59, %dma_start3A_60] : memref<5x200x64xf32, #tpu.memory_space<vmem>> -> memref<1x200x64xf32, #tpu.memory_space<vmem>>
    %dma_start3A_62 = tpu.memref_squeeze %dma_start3A_61 : memref<1x200x64xf32, #tpu.memory_space<vmem>> -> memref<200x64xf32, #tpu.memory_space<vmem>>
    %dma_start3A_63 = arith.constant 0 : i32
    %dma_start3A_64 = tpu.memref_slice %arg6[%dma_start3A_55, %dma_start3A_56, %dma_start3A_63] : memref<50x1x200xi32, #tpu.memory_space<vmem>> -> memref<1x1x200xi32, #tpu.memory_space<vmem>>
    %dma_start3A_65 = tpu.memref_squeeze %dma_start3A_64 : memref<1x1x200xi32, #tpu.memory_space<vmem>> -> memref<200xi32, #tpu.memory_space<vmem>>
    %dma_start3A_66 = arith.constant 0 : i32
    %dma_start3A_67 = arith.constant 0 : i32
    %dma_start3A_68 = tpu.memref_slice %arg2[%dma_start3A_66, %dma_start3A_67] : memref<10240x64xf32, #tpu.memory_space<hbm>> -> memref<10240x64xf32, #tpu.memory_space<hbm>>
    %dma_start3A_69 = tpu.memref_slice %arg10[%dma_start3A_58] : memref<5x!tpu.dma_semaphore, #tpu.memory_space<semaphore_mem>> -> memref<1x!tpu.dma_semaphore, #tpu.memory_space<semaphore_mem>>
    %dma_start3A_70 = tpu.memref_squeeze %dma_start3A_69 : memref<1x!tpu.dma_semaphore, #tpu.memory_space<semaphore_mem>> -> memref<!tpu.dma_semaphore, #tpu.memory_space<semaphore_mem>>
    tpu.enqueue_indirect_dma source(%dma_start3A_68 : memref<10240x64xf32, #tpu.memory_space<hbm>>) target(%dma_start3A_62 : memref<200x64xf32, #tpu.memory_space<vmem>>) offsets(%dma_start3A_65 : memref<200xi32, #tpu.memory_space<vmem>>) semaphore(%dma_start3A_70 : memref<!tpu.dma_semaphore, #tpu.memory_space<semaphore_mem>>)
    %dma_start3A_71 = arith.constant 4 : i32
    %dma_start3A_72 = arith.constant 0 : i32
    %dma_start3A_73 = arith.constant 4 : i32
    %dma_start3A_74 = arith.constant 4 : i32
    %dma_start3A_75 = arith.constant 0 : i32
    %dma_start3A_76 = arith.constant 0 : i32
    %dma_start3A_77 = tpu.memref_slice %arg8[%dma_start3A_73, %dma_start3A_75, %dma_start3A_76] : memref<5x200x64xf32, #tpu.memory_space<vmem>> -> memref<1x200x64xf32, #tpu.memory_space<vmem>>
    %dma_start3A_78 = tpu.memref_squeeze %dma_start3A_77 : memref<1x200x64xf32, #tpu.memory_space<vmem>> -> memref<200x64xf32, #tpu.memory_space<vmem>>
    %dma_start3A_79 = arith.constant 0 : i32
    %dma_start3A_80 = tpu.memref_slice %arg6[%dma_start3A_71, %dma_start3A_72, %dma_start3A_79] : memref<50x1x200xi32, #tpu.memory_space<vmem>> -> memref<1x1x200xi32, #tpu.memory_space<vmem>>
    %dma_start3A_81 = tpu.memref_squeeze %dma_start3A_80 : memref<1x1x200xi32, #tpu.memory_space<vmem>> -> memref<200xi32, #tpu.memory_space<vmem>>
    %dma_start3A_82 = arith.constant 0 : i32
    %dma_start3A_83 = arith.constant 0 : i32
    %dma_start3A_84 = tpu.memref_slice %arg2[%dma_start3A_82, %dma_start3A_83] : memref<10240x64xf32, #tpu.memory_space<hbm>> -> memref<10240x64xf32, #tpu.memory_space<hbm>>
    %dma_start3A_85 = tpu.memref_slice %arg10[%dma_start3A_74] : memref<5x!tpu.dma_semaphore, #tpu.memory_space<semaphore_mem>> -> memref<1x!tpu.dma_semaphore, #tpu.memory_space<semaphore_mem>>
    %dma_start3A_86 = tpu.memref_squeeze %dma_start3A_85 : memref<1x!tpu.dma_semaphore, #tpu.memory_space<semaphore_mem>> -> memref<!tpu.dma_semaphore, #tpu.memory_space<semaphore_mem>>
    tpu.enqueue_indirect_dma source(%dma_start3A_84 : memref<10240x64xf32, #tpu.memory_space<hbm>>) target(%dma_start3A_78 : memref<200x64xf32, #tpu.memory_space<vmem>>) offsets(%dma_start3A_81 : memref<200xi32, #tpu.memory_space<vmem>>) semaphore(%dma_start3A_86 : memref<!tpu.dma_semaphore, #tpu.memory_space<semaphore_mem>>)
    %scan3A = arith.constant 0 : i32
    %scan3A_87 = arith.constant 0 : i32
    %scan3A_88 = arith.constant 10 : i32
    %scan3A_89 = arith.addi %scan3A_87, %scan3A_88 : i32
    %scan3A_90 = arith.constant 1 : i32
    scf.for %scan3A_97 = %scan3A_87 to %scan3A_89 step %scan3A_90  : i32 {
      %mul3A_98 = arith.constant 5 : i32
      %mul3A_99 = arith.muli %mul3A_98, %scan3A_97 : i32
      %add3A_100 = arith.constant 0 : i32
      %add3A_101 = arith.addi %mul3A_99, %add3A_100 : i32
      %dma_wait3A = arith.constant 0 : i32
      %dma_wait3A_102 = arith.constant 0 : i32
      %dma_wait3A_103 = arith.constant 0 : i32
      %dma_wait3A_104 = arith.constant 0 : i32
      %dma_wait3A_105 = arith.constant 0 : i32
      %dma_wait3A_106 = tpu.memref_slice %arg8[%dma_wait3A_102, %dma_wait3A_104, %dma_wait3A_105] : memref<5x200x64xf32, #tpu.memory_space<vmem>> -> memref<1x200x64xf32, #tpu.memory_space<vmem>>
      %dma_wait3A_107 = tpu.memref_squeeze %dma_wait3A_106 : memref<1x200x64xf32, #tpu.memory_space<vmem>> -> memref<200x64xf32, #tpu.memory_space<vmem>>
      %dma_wait3A_108 = arith.constant 0 : i32
      %dma_wait3A_109 = tpu.memref_slice %arg6[%add3A_101, %dma_wait3A, %dma_wait3A_108] : memref<50x1x200xi32, #tpu.memory_space<vmem>> -> memref<1x1x200xi32, #tpu.memory_space<vmem>>
      %dma_wait3A_110 = tpu.memref_squeeze %dma_wait3A_109 : memref<1x1x200xi32, #tpu.memory_space<vmem>> -> memref<200xi32, #tpu.memory_space<vmem>>
      %dma_wait3A_111 = arith.constant 0 : i32
      %dma_wait3A_112 = arith.constant 0 : i32
      %dma_wait3A_113 = tpu.memref_slice %arg2[%dma_wait3A_111, %dma_wait3A_112] : memref<10240x64xf32, #tpu.memory_space<hbm>> -> memref<10240x64xf32, #tpu.memory_space<hbm>>
      %dma_wait3A_114 = tpu.memref_slice %arg10[%dma_wait3A_103] : memref<5x!tpu.dma_semaphore, #tpu.memory_space<semaphore_mem>> -> memref<1x!tpu.dma_semaphore, #tpu.memory_space<semaphore_mem>>
      %dma_wait3A_115 = tpu.memref_squeeze %dma_wait3A_114 : memref<1x!tpu.dma_semaphore, #tpu.memory_space<semaphore_mem>> -> memref<!tpu.dma_semaphore, #tpu.memory_space<semaphore_mem>>
      tpu.wait_indirect_dma semaphore(%dma_wait3A_115 : memref<!tpu.dma_semaphore, #tpu.memory_space<semaphore_mem>>) src(%dma_wait3A_113 : memref<10240x64xf32, #tpu.memory_space<hbm>>) dst(%dma_wait3A_107 : memref<200x64xf32, #tpu.memory_space<vmem>>)
      %dma_start3A_116 = arith.constant 0 : i32
      %dma_start3A_117 = arith.constant 0 : i32
      %dma_start3A_118 = arith.constant 0 : i32
      %dma_start3A_119 = arith.constant 0 : i32
      %dma_start3A_120 = arith.constant 0 : i32
      %dma_start3A_121 = tpu.memref_slice %arg8[%dma_start3A_116, %dma_start3A_119, %dma_start3A_120] : memref<5x200x64xf32, #tpu.memory_space<vmem>> -> memref<1x200x64xf32, #tpu.memory_space<vmem>>
      %dma_start3A_122 = tpu.memref_squeeze %dma_start3A_121 : memref<1x200x64xf32, #tpu.memory_space<vmem>> -> memref<200x64xf32, #tpu.memory_space<vmem>>
      %dma_start3A_123 = arith.constant 0 : i32
      %dma_start3A_124 = tpu.memref_slice %arg7[%add3A_101, %dma_start3A_117, %dma_start3A_123] : memref<50x1x200xi32, #tpu.memory_space<vmem>> -> memref<1x1x200xi32, #tpu.memory_space<vmem>>
      %dma_start3A_125 = tpu.memref_squeeze %dma_start3A_124 : memref<1x1x200xi32, #tpu.memory_space<vmem>> -> memref<200xi32, #tpu.memory_space<vmem>>
      %dma_start3A_126 = arith.constant 0 : i32
      %dma_start3A_127 = arith.constant 0 : i32
      %dma_start3A_128 = tpu.memref_slice %arg9[%dma_start3A_126, %dma_start3A_127] : memref<10240x64xf32, #tpu.memory_space<vmem_shared>> -> memref<10240x64xf32, #tpu.memory_space<vmem_shared>>
      %dma_start3A_129 = tpu.memref_slice %arg11[%dma_start3A_118] : memref<5x!tpu.dma_semaphore, #tpu.memory_space<semaphore_mem>> -> memref<1x!tpu.dma_semaphore, #tpu.memory_space<semaphore_mem>>
      %dma_start3A_130 = tpu.memref_squeeze %dma_start3A_129 : memref<1x!tpu.dma_semaphore, #tpu.memory_space<semaphore_mem>> -> memref<!tpu.dma_semaphore, #tpu.memory_space<semaphore_mem>>
      tpu.enqueue_indirect_dma source(%dma_start3A_122 : memref<200x64xf32, #tpu.memory_space<vmem>>) target(%dma_start3A_128 : memref<10240x64xf32, #tpu.memory_space<vmem_shared>>) offsets(%dma_start3A_125 : memref<200xi32, #tpu.memory_space<vmem>>) semaphore(%dma_start3A_130 : memref<!tpu.dma_semaphore, #tpu.memory_space<semaphore_mem>>) {add = true}
      %mul3A_131 = arith.constant 5 : i32
      %mul3A_132 = arith.muli %mul3A_131, %scan3A_97 : i32
      %add3A_133 = arith.constant 1 : i32
      %add3A_134 = arith.addi %mul3A_132, %add3A_133 : i32
      %dma_wait3A_135 = arith.constant 0 : i32
      %dma_wait3A_136 = arith.constant 1 : i32
      %dma_wait3A_137 = arith.constant 1 : i32
      %dma_wait3A_138 = arith.constant 0 : i32
      %dma_wait3A_139 = arith.constant 0 : i32
      %dma_wait3A_140 = tpu.memref_slice %arg8[%dma_wait3A_136, %dma_wait3A_138, %dma_wait3A_139] : memref<5x200x64xf32, #tpu.memory_space<vmem>> -> memref<1x200x64xf32, #tpu.memory_space<vmem>>
      %dma_wait3A_141 = tpu.memref_squeeze %dma_wait3A_140 : memref<1x200x64xf32, #tpu.memory_space<vmem>> -> memref<200x64xf32, #tpu.memory_space<vmem>>
      %dma_wait3A_142 = arith.constant 0 : i32
      %dma_wait3A_143 = tpu.memref_slice %arg6[%add3A_134, %dma_wait3A_135, %dma_wait3A_142] : memref<50x1x200xi32, #tpu.memory_space<vmem>> -> memref<1x1x200xi32, #tpu.memory_space<vmem>>
      %dma_wait3A_144 = tpu.memref_squeeze %dma_wait3A_143 : memref<1x1x200xi32, #tpu.memory_space<vmem>> -> memref<200xi32, #tpu.memory_space<vmem>>
      %dma_wait3A_145 = arith.constant 0 : i32
      %dma_wait3A_146 = arith.constant 0 : i32
      %dma_wait3A_147 = tpu.memref_slice %arg2[%dma_wait3A_145, %dma_wait3A_146] : memref<10240x64xf32, #tpu.memory_space<hbm>> -> memref<10240x64xf32, #tpu.memory_space<hbm>>
      %dma_wait3A_148 = tpu.memref_slice %arg10[%dma_wait3A_137] : memref<5x!tpu.dma_semaphore, #tpu.memory_space<semaphore_mem>> -> memref<1x!tpu.dma_semaphore, #tpu.memory_space<semaphore_mem>>
      %dma_wait3A_149 = tpu.memref_squeeze %dma_wait3A_148 : memref<1x!tpu.dma_semaphore, #tpu.memory_space<semaphore_mem>> -> memref<!tpu.dma_semaphore, #tpu.memory_space<semaphore_mem>>
      tpu.wait_indirect_dma semaphore(%dma_wait3A_149 : memref<!tpu.dma_semaphore, #tpu.memory_space<semaphore_mem>>) src(%dma_wait3A_147 : memref<10240x64xf32, #tpu.memory_space<hbm>>) dst(%dma_wait3A_141 : memref<200x64xf32, #tpu.memory_space<vmem>>)
      %dma_start3A_150 = arith.constant 1 : i32
      %dma_start3A_151 = arith.constant 0 : i32
      %dma_start3A_152 = arith.constant 1 : i32
      %dma_start3A_153 = arith.constant 0 : i32
      %dma_start3A_154 = arith.constant 0 : i32
      %dma_start3A_155 = tpu.memref_slice %arg8[%dma_start3A_150, %dma_start3A_153, %dma_start3A_154] : memref<5x200x64xf32, #tpu.memory_space<vmem>> -> memref<1x200x64xf32, #tpu.memory_space<vmem>>
      %dma_start3A_156 = tpu.memref_squeeze %dma_start3A_155 : memref<1x200x64xf32, #tpu.memory_space<vmem>> -> memref<200x64xf32, #tpu.memory_space<vmem>>
      %dma_start3A_157 = arith.constant 0 : i32
      %dma_start3A_158 = tpu.memref_slice %arg7[%add3A_134, %dma_start3A_151, %dma_start3A_157] : memref<50x1x200xi32, #tpu.memory_space<vmem>> -> memref<1x1x200xi32, #tpu.memory_space<vmem>>
      %dma_start3A_159 = tpu.memref_squeeze %dma_start3A_158 : memref<1x1x200xi32, #tpu.memory_space<vmem>> -> memref<200xi32, #tpu.memory_space<vmem>>
      %dma_start3A_160 = arith.constant 0 : i32
      %dma_start3A_161 = arith.constant 0 : i32
      %dma_start3A_162 = tpu.memref_slice %arg9[%dma_start3A_160, %dma_start3A_161] : memref<10240x64xf32, #tpu.memory_space<vmem_shared>> -> memref<10240x64xf32, #tpu.memory_space<vmem_shared>>
      %dma_start3A_163 = tpu.memref_slice %arg11[%dma_start3A_152] : memref<5x!tpu.dma_semaphore, #tpu.memory_space<semaphore_mem>> -> memref<1x!tpu.dma_semaphore, #tpu.memory_space<semaphore_mem>>
      %dma_start3A_164 = tpu.memref_squeeze %dma_start3A_163 : memref<1x!tpu.dma_semaphore, #tpu.memory_space<semaphore_mem>> -> memref<!tpu.dma_semaphore, #tpu.memory_space<semaphore_mem>>
      tpu.enqueue_indirect_dma source(%dma_start3A_156 : memref<200x64xf32, #tpu.memory_space<vmem>>) target(%dma_start3A_162 : memref<10240x64xf32, #tpu.memory_space<vmem_shared>>) offsets(%dma_start3A_159 : memref<200xi32, #tpu.memory_space<vmem>>) semaphore(%dma_start3A_164 : memref<!tpu.dma_semaphore, #tpu.memory_space<semaphore_mem>>) {add = true}
      %mul3A_165 = arith.constant 5 : i32
      %mul3A_166 = arith.muli %mul3A_165, %scan3A_97 : i32
      %add3A_167 = arith.constant 2 : i32
      %add3A_168 = arith.addi %mul3A_166, %add3A_167 : i32
      %dma_wait3A_169 = arith.constant 0 : i32
      %dma_wait3A_170 = arith.constant 2 : i32
      %dma_wait3A_171 = arith.constant 2 : i32
      %dma_wait3A_172 = arith.constant 0 : i32
      %dma_wait3A_173 = arith.constant 0 : i32
      %dma_wait3A_174 = tpu.memref_slice %arg8[%dma_wait3A_170, %dma_wait3A_172, %dma_wait3A_173] : memref<5x200x64xf32, #tpu.memory_space<vmem>> -> memref<1x200x64xf32, #tpu.memory_space<vmem>>
      %dma_wait3A_175 = tpu.memref_squeeze %dma_wait3A_174 : memref<1x200x64xf32, #tpu.memory_space<vmem>> -> memref<200x64xf32, #tpu.memory_space<vmem>>
      %dma_wait3A_176 = arith.constant 0 : i32
      %dma_wait3A_177 = tpu.memref_slice %arg6[%add3A_168, %dma_wait3A_169, %dma_wait3A_176] : memref<50x1x200xi32, #tpu.memory_space<vmem>> -> memref<1x1x200xi32, #tpu.memory_space<vmem>>
      %dma_wait3A_178 = tpu.memref_squeeze %dma_wait3A_177 : memref<1x1x200xi32, #tpu.memory_space<vmem>> -> memref<200xi32, #tpu.memory_space<vmem>>
      %dma_wait3A_179 = arith.constant 0 : i32
      %dma_wait3A_180 = arith.constant 0 : i32
      %dma_wait3A_181 = tpu.memref_slice %arg2[%dma_wait3A_179, %dma_wait3A_180] : memref<10240x64xf32, #tpu.memory_space<hbm>> -> memref<10240x64xf32, #tpu.memory_space<hbm>>
      %dma_wait3A_182 = tpu.memref_slice %arg10[%dma_wait3A_171] : memref<5x!tpu.dma_semaphore, #tpu.memory_space<semaphore_mem>> -> memref<1x!tpu.dma_semaphore, #tpu.memory_space<semaphore_mem>>
      %dma_wait3A_183 = tpu.memref_squeeze %dma_wait3A_182 : memref<1x!tpu.dma_semaphore, #tpu.memory_space<semaphore_mem>> -> memref<!tpu.dma_semaphore, #tpu.memory_space<semaphore_mem>>
      tpu.wait_indirect_dma semaphore(%dma_wait3A_183 : memref<!tpu.dma_semaphore, #tpu.memory_space<semaphore_mem>>) src(%dma_wait3A_181 : memref<10240x64xf32, #tpu.memory_space<hbm>>) dst(%dma_wait3A_175 : memref<200x64xf32, #tpu.memory_space<vmem>>)
      %dma_start3A_184 = arith.constant 2 : i32
      %dma_start3A_185 = arith.constant 0 : i32
      %dma_start3A_186 = arith.constant 2 : i32
      %dma_start3A_187 = arith.constant 0 : i32
      %dma_start3A_188 = arith.constant 0 : i32
      %dma_start3A_189 = tpu.memref_slice %arg8[%dma_start3A_184, %dma_start3A_187, %dma_start3A_188] : memref<5x200x64xf32, #tpu.memory_space<vmem>> -> memref<1x200x64xf32, #tpu.memory_space<vmem>>
      %dma_start3A_190 = tpu.memref_squeeze %dma_start3A_189 : memref<1x200x64xf32, #tpu.memory_space<vmem>> -> memref<200x64xf32, #tpu.memory_space<vmem>>
      %dma_start3A_191 = arith.constant 0 : i32
      %dma_start3A_192 = tpu.memref_slice %arg7[%add3A_168, %dma_start3A_185, %dma_start3A_191] : memref<50x1x200xi32, #tpu.memory_space<vmem>> -> memref<1x1x200xi32, #tpu.memory_space<vmem>>
      %dma_start3A_193 = tpu.memref_squeeze %dma_start3A_192 : memref<1x1x200xi32, #tpu.memory_space<vmem>> -> memref<200xi32, #tpu.memory_space<vmem>>
      %dma_start3A_194 = arith.constant 0 : i32
      %dma_start3A_195 = arith.constant 0 : i32
      %dma_start3A_196 = tpu.memref_slice %arg9[%dma_start3A_194, %dma_start3A_195] : memref<10240x64xf32, #tpu.memory_space<vmem_shared>> -> memref<10240x64xf32, #tpu.memory_space<vmem_shared>>
      %dma_start3A_197 = tpu.memref_slice %arg11[%dma_start3A_186] : memref<5x!tpu.dma_semaphore, #tpu.memory_space<semaphore_mem>> -> memref<1x!tpu.dma_semaphore, #tpu.memory_space<semaphore_mem>>
      %dma_start3A_198 = tpu.memref_squeeze %dma_start3A_197 : memref<1x!tpu.dma_semaphore, #tpu.memory_space<semaphore_mem>> -> memref<!tpu.dma_semaphore, #tpu.memory_space<semaphore_mem>>
      tpu.enqueue_indirect_dma source(%dma_start3A_190 : memref<200x64xf32, #tpu.memory_space<vmem>>) target(%dma_start3A_196 : memref<10240x64xf32, #tpu.memory_space<vmem_shared>>) offsets(%dma_start3A_193 : memref<200xi32, #tpu.memory_space<vmem>>) semaphore(%dma_start3A_198 : memref<!tpu.dma_semaphore, #tpu.memory_space<semaphore_mem>>) {add = true}
      %mul3A_199 = arith.constant 5 : i32
      %mul3A_200 = arith.muli %mul3A_199, %scan3A_97 : i32
      %add3A_201 = arith.constant 3 : i32
      %add3A_202 = arith.addi %mul3A_200, %add3A_201 : i32
      %dma_wait3A_203 = arith.constant 0 : i32
      %dma_wait3A_204 = arith.constant 3 : i32
      %dma_wait3A_205 = arith.constant 3 : i32
      %dma_wait3A_206 = arith.constant 0 : i32
      %dma_wait3A_207 = arith.constant 0 : i32
      %dma_wait3A_208 = tpu.memref_slice %arg8[%dma_wait3A_204, %dma_wait3A_206, %dma_wait3A_207] : memref<5x200x64xf32, #tpu.memory_space<vmem>> -> memref<1x200x64xf32, #tpu.memory_space<vmem>>
      %dma_wait3A_209 = tpu.memref_squeeze %dma_wait3A_208 : memref<1x200x64xf32, #tpu.memory_space<vmem>> -> memref<200x64xf32, #tpu.memory_space<vmem>>
      %dma_wait3A_210 = arith.constant 0 : i32
      %dma_wait3A_211 = tpu.memref_slice %arg6[%add3A_202, %dma_wait3A_203, %dma_wait3A_210] : memref<50x1x200xi32, #tpu.memory_space<vmem>> -> memref<1x1x200xi32, #tpu.memory_space<vmem>>
      %dma_wait3A_212 = tpu.memref_squeeze %dma_wait3A_211 : memref<1x1x200xi32, #tpu.memory_space<vmem>> -> memref<200xi32, #tpu.memory_space<vmem>>
      %dma_wait3A_213 = arith.constant 0 : i32
      %dma_wait3A_214 = arith.constant 0 : i32
      %dma_wait3A_215 = tpu.memref_slice %arg2[%dma_wait3A_213, %dma_wait3A_214] : memref<10240x64xf32, #tpu.memory_space<hbm>> -> memref<10240x64xf32, #tpu.memory_space<hbm>>
      %dma_wait3A_216 = tpu.memref_slice %arg10[%dma_wait3A_205] : memref<5x!tpu.dma_semaphore, #tpu.memory_space<semaphore_mem>> -> memref<1x!tpu.dma_semaphore, #tpu.memory_space<semaphore_mem>>
      %dma_wait3A_217 = tpu.memref_squeeze %dma_wait3A_216 : memref<1x!tpu.dma_semaphore, #tpu.memory_space<semaphore_mem>> -> memref<!tpu.dma_semaphore, #tpu.memory_space<semaphore_mem>>
      tpu.wait_indirect_dma semaphore(%dma_wait3A_217 : memref<!tpu.dma_semaphore, #tpu.memory_space<semaphore_mem>>) src(%dma_wait3A_215 : memref<10240x64xf32, #tpu.memory_space<hbm>>) dst(%dma_wait3A_209 : memref<200x64xf32, #tpu.memory_space<vmem>>)
      %dma_start3A_218 = arith.constant 3 : i32
      %dma_start3A_219 = arith.constant 0 : i32
      %dma_start3A_220 = arith.constant 3 : i32
      %dma_start3A_221 = arith.constant 0 : i32
      %dma_start3A_222 = arith.constant 0 : i32
      %dma_start3A_223 = tpu.memref_slice %arg8[%dma_start3A_218, %dma_start3A_221, %dma_start3A_222] : memref<5x200x64xf32, #tpu.memory_space<vmem>> -> memref<1x200x64xf32, #tpu.memory_space<vmem>>
      %dma_start3A_224 = tpu.memref_squeeze %dma_start3A_223 : memref<1x200x64xf32, #tpu.memory_space<vmem>> -> memref<200x64xf32, #tpu.memory_space<vmem>>
      %dma_start3A_225 = arith.constant 0 : i32
      %dma_start3A_226 = tpu.memref_slice %arg7[%add3A_202, %dma_start3A_219, %dma_start3A_225] : memref<50x1x200xi32, #tpu.memory_space<vmem>> -> memref<1x1x200xi32, #tpu.memory_space<vmem>>
      %dma_start3A_227 = tpu.memref_squeeze %dma_start3A_226 : memref<1x1x200xi32, #tpu.memory_space<vmem>> -> memref<200xi32, #tpu.memory_space<vmem>>
      %dma_start3A_228 = arith.constant 0 : i32
      %dma_start3A_229 = arith.constant 0 : i32
      %dma_start3A_230 = tpu.memref_slice %arg9[%dma_start3A_228, %dma_start3A_229] : memref<10240x64xf32, #tpu.memory_space<vmem_shared>> -> memref<10240x64xf32, #tpu.memory_space<vmem_shared>>
      %dma_start3A_231 = tpu.memref_slice %arg11[%dma_start3A_220] : memref<5x!tpu.dma_semaphore, #tpu.memory_space<semaphore_mem>> -> memref<1x!tpu.dma_semaphore, #tpu.memory_space<semaphore_mem>>
      %dma_start3A_232 = tpu.memref_squeeze %dma_start3A_231 : memref<1x!tpu.dma_semaphore, #tpu.memory_space<semaphore_mem>> -> memref<!tpu.dma_semaphore, #tpu.memory_space<semaphore_mem>>
      tpu.enqueue_indirect_dma source(%dma_start3A_224 : memref<200x64xf32, #tpu.memory_space<vmem>>) target(%dma_start3A_230 : memref<10240x64xf32, #tpu.memory_space<vmem_shared>>) offsets(%dma_start3A_227 : memref<200xi32, #tpu.memory_space<vmem>>) semaphore(%dma_start3A_232 : memref<!tpu.dma_semaphore, #tpu.memory_space<semaphore_mem>>) {add = true}
      %mul3A_233 = arith.constant 5 : i32
      %mul3A_234 = arith.muli %mul3A_233, %scan3A_97 : i32
      %add3A_235 = arith.constant 4 : i32
      %add3A_236 = arith.addi %mul3A_234, %add3A_235 : i32
      %dma_wait3A_237 = arith.constant 0 : i32
      %dma_wait3A_238 = arith.constant 4 : i32
      %dma_wait3A_239 = arith.constant 4 : i32
      %dma_wait3A_240 = arith.constant 0 : i32
      %dma_wait3A_241 = arith.constant 0 : i32
      %dma_wait3A_242 = tpu.memref_slice %arg8[%dma_wait3A_238, %dma_wait3A_240, %dma_wait3A_241] : memref<5x200x64xf32, #tpu.memory_space<vmem>> -> memref<1x200x64xf32, #tpu.memory_space<vmem>>
      %dma_wait3A_243 = tpu.memref_squeeze %dma_wait3A_242 : memref<1x200x64xf32, #tpu.memory_space<vmem>> -> memref<200x64xf32, #tpu.memory_space<vmem>>
      %dma_wait3A_244 = arith.constant 0 : i32
      %dma_wait3A_245 = tpu.memref_slice %arg6[%add3A_236, %dma_wait3A_237, %dma_wait3A_244] : memref<50x1x200xi32, #tpu.memory_space<vmem>> -> memref<1x1x200xi32, #tpu.memory_space<vmem>>
      %dma_wait3A_246 = tpu.memref_squeeze %dma_wait3A_245 : memref<1x1x200xi32, #tpu.memory_space<vmem>> -> memref<200xi32, #tpu.memory_space<vmem>>
      %dma_wait3A_247 = arith.constant 0 : i32
      %dma_wait3A_248 = arith.constant 0 : i32
      %dma_wait3A_249 = tpu.memref_slice %arg2[%dma_wait3A_247, %dma_wait3A_248] : memref<10240x64xf32, #tpu.memory_space<hbm>> -> memref<10240x64xf32, #tpu.memory_space<hbm>>
      %dma_wait3A_250 = tpu.memref_slice %arg10[%dma_wait3A_239] : memref<5x!tpu.dma_semaphore, #tpu.memory_space<semaphore_mem>> -> memref<1x!tpu.dma_semaphore, #tpu.memory_space<semaphore_mem>>
      %dma_wait3A_251 = tpu.memref_squeeze %dma_wait3A_250 : memref<1x!tpu.dma_semaphore, #tpu.memory_space<semaphore_mem>> -> memref<!tpu.dma_semaphore, #tpu.memory_space<semaphore_mem>>
      tpu.wait_indirect_dma semaphore(%dma_wait3A_251 : memref<!tpu.dma_semaphore, #tpu.memory_space<semaphore_mem>>) src(%dma_wait3A_249 : memref<10240x64xf32, #tpu.memory_space<hbm>>) dst(%dma_wait3A_243 : memref<200x64xf32, #tpu.memory_space<vmem>>)
      %dma_start3A_252 = arith.constant 4 : i32
      %dma_start3A_253 = arith.constant 0 : i32
      %dma_start3A_254 = arith.constant 4 : i32
      %dma_start3A_255 = arith.constant 0 : i32
      %dma_start3A_256 = arith.constant 0 : i32
      %dma_start3A_257 = tpu.memref_slice %arg8[%dma_start3A_252, %dma_start3A_255, %dma_start3A_256] : memref<5x200x64xf32, #tpu.memory_space<vmem>> -> memref<1x200x64xf32, #tpu.memory_space<vmem>>
      %dma_start3A_258 = tpu.memref_squeeze %dma_start3A_257 : memref<1x200x64xf32, #tpu.memory_space<vmem>> -> memref<200x64xf32, #tpu.memory_space<vmem>>
      %dma_start3A_259 = arith.constant 0 : i32
      %dma_start3A_260 = tpu.memref_slice %arg7[%add3A_236, %dma_start3A_253, %dma_start3A_259] : memref<50x1x200xi32, #tpu.memory_space<vmem>> -> memref<1x1x200xi32, #tpu.memory_space<vmem>>
      %dma_start3A_261 = tpu.memref_squeeze %dma_start3A_260 : memref<1x1x200xi32, #tpu.memory_space<vmem>> -> memref<200xi32, #tpu.memory_space<vmem>>
      %dma_start3A_262 = arith.constant 0 : i32
      %dma_start3A_263 = arith.constant 0 : i32
      %dma_start3A_264 = tpu.memref_slice %arg9[%dma_start3A_262, %dma_start3A_263] : memref<10240x64xf32, #tpu.memory_space<vmem_shared>> -> memref<10240x64xf32, #tpu.memory_space<vmem_shared>>
      %dma_start3A_265 = tpu.memref_slice %arg11[%dma_start3A_254] : memref<5x!tpu.dma_semaphore, #tpu.memory_space<semaphore_mem>> -> memref<1x!tpu.dma_semaphore, #tpu.memory_space<semaphore_mem>>
      %dma_start3A_266 = tpu.memref_squeeze %dma_start3A_265 : memref<1x!tpu.dma_semaphore, #tpu.memory_space<semaphore_mem>> -> memref<!tpu.dma_semaphore, #tpu.memory_space<semaphore_mem>>
      tpu.enqueue_indirect_dma source(%dma_start3A_258 : memref<200x64xf32, #tpu.memory_space<vmem>>) target(%dma_start3A_264 : memref<10240x64xf32, #tpu.memory_space<vmem_shared>>) offsets(%dma_start3A_261 : memref<200xi32, #tpu.memory_space<vmem>>) semaphore(%dma_start3A_266 : memref<!tpu.dma_semaphore, #tpu.memory_space<semaphore_mem>>) {add = true}
      %mul3A_267 = arith.constant 5 : i32
      %mul3A_268 = arith.muli %mul3A_267, %scan3A_97 : i32
      %add3A_269 = arith.constant 0 : i32
      %add3A_270 = arith.addi %mul3A_268, %add3A_269 : i32
      %add3A_271 = arith.constant 5 : i32
      %add3A_272 = arith.addi %add3A_270, %add3A_271 : i32
      %dma_wait3A_273 = arith.constant 0 : i32
      %dma_wait3A_274 = arith.constant 0 : i32
      %dma_wait3A_275 = arith.constant 0 : i32
      %dma_wait3A_276 = arith.constant 0 : i32
      %dma_wait3A_277 = arith.constant 0 : i32
      %dma_wait3A_278 = tpu.memref_slice %arg8[%dma_wait3A_273, %dma_wait3A_276, %dma_wait3A_277] : memref<5x200x64xf32, #tpu.memory_space<vmem>> -> memref<1x200x64xf32, #tpu.memory_space<vmem>>
      %dma_wait3A_279 = tpu.memref_squeeze %dma_wait3A_278 : memref<1x200x64xf32, #tpu.memory_space<vmem>> -> memref<200x64xf32, #tpu.memory_space<vmem>>
      %dma_wait3A_280 = arith.constant 0 : i32
      %dma_wait3A_281 = tpu.memref_slice %arg7[%add3A_270, %dma_wait3A_274, %dma_wait3A_280] : memref<50x1x200xi32, #tpu.memory_space<vmem>> -> memref<1x1x200xi32, #tpu.memory_space<vmem>>
      %dma_wait3A_282 = tpu.memref_squeeze %dma_wait3A_281 : memref<1x1x200xi32, #tpu.memory_space<vmem>> -> memref<200xi32, #tpu.memory_space<vmem>>
      %dma_wait3A_283 = arith.constant 0 : i32
      %dma_wait3A_284 = arith.constant 0 : i32
      %dma_wait3A_285 = tpu.memref_slice %arg9[%dma_wait3A_283, %dma_wait3A_284] : memref<10240x64xf32, #tpu.memory_space<vmem_shared>> -> memref<10240x64xf32, #tpu.memory_space<vmem_shared>>
      %dma_wait3A_286 = tpu.memref_slice %arg11[%dma_wait3A_275] : memref<5x!tpu.dma_semaphore, #tpu.memory_space<semaphore_mem>> -> memref<1x!tpu.dma_semaphore, #tpu.memory_space<semaphore_mem>>
      %dma_wait3A_287 = tpu.memref_squeeze %dma_wait3A_286 : memref<1x!tpu.dma_semaphore, #tpu.memory_space<semaphore_mem>> -> memref<!tpu.dma_semaphore, #tpu.memory_space<semaphore_mem>>
      tpu.wait_indirect_dma semaphore(%dma_wait3A_287 : memref<!tpu.dma_semaphore, #tpu.memory_space<semaphore_mem>>) src(%dma_wait3A_279 : memref<200x64xf32, #tpu.memory_space<vmem>>) dst(%dma_wait3A_285 : memref<10240x64xf32, #tpu.memory_space<vmem_shared>>)
      %lt3A = arith.constant 50 : i32
      %lt3A_288 = arith.cmpi slt, %add3A_272, %lt3A : i32
      %convert_element_type3A_289 = arith.extui %lt3A_288 : i1 to i32
      %cond3A_290 = arith.constant 0 : i32
      %cond3A_291 = arith.cmpi ne, %convert_element_type3A_289, %cond3A_290 : i32
      scf.if %cond3A_291 {
        %dma_start3A_396 = arith.constant 0 : i32
        %dma_start3A_397 = arith.constant 0 : i32
        %dma_start3A_398 = arith.constant 0 : i32
        %dma_start3A_399 = arith.constant 0 : i32
        %dma_start3A_400 = arith.constant 0 : i32
        %dma_start3A_401 = tpu.memref_slice %arg8[%dma_start3A_397, %dma_start3A_399, %dma_start3A_400] : memref<5x200x64xf32, #tpu.memory_space<vmem>> -> memref<1x200x64xf32, #tpu.memory_space<vmem>>
        %dma_start3A_402 = tpu.memref_squeeze %dma_start3A_401 : memref<1x200x64xf32, #tpu.memory_space<vmem>> -> memref<200x64xf32, #tpu.memory_space<vmem>>
        %dma_start3A_403 = arith.constant 0 : i32
        %dma_start3A_404 = tpu.memref_slice %arg6[%add3A_272, %dma_start3A_396, %dma_start3A_403] : memref<50x1x200xi32, #tpu.memory_space<vmem>> -> memref<1x1x200xi32, #tpu.memory_space<vmem>>
        %dma_start3A_405 = tpu.memref_squeeze %dma_start3A_404 : memref<1x1x200xi32, #tpu.memory_space<vmem>> -> memref<200xi32, #tpu.memory_space<vmem>>
        %dma_start3A_406 = arith.constant 0 : i32
        %dma_start3A_407 = arith.constant 0 : i32
        %dma_start3A_408 = tpu.memref_slice %arg2[%dma_start3A_406, %dma_start3A_407] : memref<10240x64xf32, #tpu.memory_space<hbm>> -> memref<10240x64xf32, #tpu.memory_space<hbm>>
        %dma_start3A_409 = tpu.memref_slice %arg10[%dma_start3A_398] : memref<5x!tpu.dma_semaphore, #tpu.memory_space<semaphore_mem>> -> memref<1x!tpu.dma_semaphore, #tpu.memory_space<semaphore_mem>>
        %dma_start3A_410 = tpu.memref_squeeze %dma_start3A_409 : memref<1x!tpu.dma_semaphore, #tpu.memory_space<semaphore_mem>> -> memref<!tpu.dma_semaphore, #tpu.memory_space<semaphore_mem>>
        tpu.enqueue_indirect_dma source(%dma_start3A_408 : memref<10240x64xf32, #tpu.memory_space<hbm>>) target(%dma_start3A_402 : memref<200x64xf32, #tpu.memory_space<vmem>>) offsets(%dma_start3A_405 : memref<200xi32, #tpu.memory_space<vmem>>) semaphore(%dma_start3A_410 : memref<!tpu.dma_semaphore, #tpu.memory_space<semaphore_mem>>)
      } else {
      }
      %mul3A_292 = arith.constant 5 : i32
      %mul3A_293 = arith.muli %mul3A_292, %scan3A_97 : i32
      %add3A_294 = arith.constant 1 : i32
      %add3A_295 = arith.addi %mul3A_293, %add3A_294 : i32
      %add3A_296 = arith.constant 5 : i32
      %add3A_297 = arith.addi %add3A_295, %add3A_296 : i32
      %dma_wait3A_298 = arith.constant 1 : i32
      %dma_wait3A_299 = arith.constant 0 : i32
      %dma_wait3A_300 = arith.constant 1 : i32
      %dma_wait3A_301 = arith.constant 0 : i32
      %dma_wait3A_302 = arith.constant 0 : i32
      %dma_wait3A_303 = tpu.memref_slice %arg8[%dma_wait3A_298, %dma_wait3A_301, %dma_wait3A_302] : memref<5x200x64xf32, #tpu.memory_space<vmem>> -> memref<1x200x64xf32, #tpu.memory_space<vmem>>
      %dma_wait3A_304 = tpu.memref_squeeze %dma_wait3A_303 : memref<1x200x64xf32, #tpu.memory_space<vmem>> -> memref<200x64xf32, #tpu.memory_space<vmem>>
      %dma_wait3A_305 = arith.constant 0 : i32
      %dma_wait3A_306 = tpu.memref_slice %arg7[%add3A_295, %dma_wait3A_299, %dma_wait3A_305] : memref<50x1x200xi32, #tpu.memory_space<vmem>> -> memref<1x1x200xi32, #tpu.memory_space<vmem>>
      %dma_wait3A_307 = tpu.memref_squeeze %dma_wait3A_306 : memref<1x1x200xi32, #tpu.memory_space<vmem>> -> memref<200xi32, #tpu.memory_space<vmem>>
      %dma_wait3A_308 = arith.constant 0 : i32
      %dma_wait3A_309 = arith.constant 0 : i32
      %dma_wait3A_310 = tpu.memref_slice %arg9[%dma_wait3A_308, %dma_wait3A_309] : memref<10240x64xf32, #tpu.memory_space<vmem_shared>> -> memref<10240x64xf32, #tpu.memory_space<vmem_shared>>
      %dma_wait3A_311 = tpu.memref_slice %arg11[%dma_wait3A_300] : memref<5x!tpu.dma_semaphore, #tpu.memory_space<semaphore_mem>> -> memref<1x!tpu.dma_semaphore, #tpu.memory_space<semaphore_mem>>
      %dma_wait3A_312 = tpu.memref_squeeze %dma_wait3A_311 : memref<1x!tpu.dma_semaphore, #tpu.memory_space<semaphore_mem>> -> memref<!tpu.dma_semaphore, #tpu.memory_space<semaphore_mem>>
      tpu.wait_indirect_dma semaphore(%dma_wait3A_312 : memref<!tpu.dma_semaphore, #tpu.memory_space<semaphore_mem>>) src(%dma_wait3A_304 : memref<200x64xf32, #tpu.memory_space<vmem>>) dst(%dma_wait3A_310 : memref<10240x64xf32, #tpu.memory_space<vmem_shared>>)
      %lt3A_313 = arith.constant 50 : i32
      %lt3A_314 = arith.cmpi slt, %add3A_297, %lt3A_313 : i32
      %convert_element_type3A_315 = arith.extui %lt3A_314 : i1 to i32
      %cond3A_316 = arith.constant 0 : i32
      %cond3A_317 = arith.cmpi ne, %convert_element_type3A_315, %cond3A_316 : i32
      scf.if %cond3A_317 {
        %dma_start3A_396 = arith.constant 0 : i32
        %dma_start3A_397 = arith.constant 1 : i32
        %dma_start3A_398 = arith.constant 1 : i32
        %dma_start3A_399 = arith.constant 0 : i32
        %dma_start3A_400 = arith.constant 0 : i32
        %dma_start3A_401 = tpu.memref_slice %arg8[%dma_start3A_397, %dma_start3A_399, %dma_start3A_400] : memref<5x200x64xf32, #tpu.memory_space<vmem>> -> memref<1x200x64xf32, #tpu.memory_space<vmem>>
        %dma_start3A_402 = tpu.memref_squeeze %dma_start3A_401 : memref<1x200x64xf32, #tpu.memory_space<vmem>> -> memref<200x64xf32, #tpu.memory_space<vmem>>
        %dma_start3A_403 = arith.constant 0 : i32
        %dma_start3A_404 = tpu.memref_slice %arg6[%add3A_297, %dma_start3A_396, %dma_start3A_403] : memref<50x1x200xi32, #tpu.memory_space<vmem>> -> memref<1x1x200xi32, #tpu.memory_space<vmem>>
        %dma_start3A_405 = tpu.memref_squeeze %dma_start3A_404 : memref<1x1x200xi32, #tpu.memory_space<vmem>> -> memref<200xi32, #tpu.memory_space<vmem>>
        %dma_start3A_406 = arith.constant 0 : i32
        %dma_start3A_407 = arith.constant 0 : i32
        %dma_start3A_408 = tpu.memref_slice %arg2[%dma_start3A_406, %dma_start3A_407] : memref<10240x64xf32, #tpu.memory_space<hbm>> -> memref<10240x64xf32, #tpu.memory_space<hbm>>
        %dma_start3A_409 = tpu.memref_slice %arg10[%dma_start3A_398] : memref<5x!tpu.dma_semaphore, #tpu.memory_space<semaphore_mem>> -> memref<1x!tpu.dma_semaphore, #tpu.memory_space<semaphore_mem>>
        %dma_start3A_410 = tpu.memref_squeeze %dma_start3A_409 : memref<1x!tpu.dma_semaphore, #tpu.memory_space<semaphore_mem>> -> memref<!tpu.dma_semaphore, #tpu.memory_space<semaphore_mem>>
        tpu.enqueue_indirect_dma source(%dma_start3A_408 : memref<10240x64xf32, #tpu.memory_space<hbm>>) target(%dma_start3A_402 : memref<200x64xf32, #tpu.memory_space<vmem>>) offsets(%dma_start3A_405 : memref<200xi32, #tpu.memory_space<vmem>>) semaphore(%dma_start3A_410 : memref<!tpu.dma_semaphore, #tpu.memory_space<semaphore_mem>>)
      } else {
      }
      %mul3A_318 = arith.constant 5 : i32
      %mul3A_319 = arith.muli %mul3A_318, %scan3A_97 : i32
      %add3A_320 = arith.constant 2 : i32
      %add3A_321 = arith.addi %mul3A_319, %add3A_320 : i32
      %add3A_322 = arith.constant 5 : i32
      %add3A_323 = arith.addi %add3A_321, %add3A_322 : i32
      %dma_wait3A_324 = arith.constant 2 : i32
      %dma_wait3A_325 = arith.constant 0 : i32
      %dma_wait3A_326 = arith.constant 2 : i32
      %dma_wait3A_327 = arith.constant 0 : i32
      %dma_wait3A_328 = arith.constant 0 : i32
      %dma_wait3A_329 = tpu.memref_slice %arg8[%dma_wait3A_324, %dma_wait3A_327, %dma_wait3A_328] : memref<5x200x64xf32, #tpu.memory_space<vmem>> -> memref<1x200x64xf32, #tpu.memory_space<vmem>>
      %dma_wait3A_330 = tpu.memref_squeeze %dma_wait3A_329 : memref<1x200x64xf32, #tpu.memory_space<vmem>> -> memref<200x64xf32, #tpu.memory_space<vmem>>
      %dma_wait3A_331 = arith.constant 0 : i32
      %dma_wait3A_332 = tpu.memref_slice %arg7[%add3A_321, %dma_wait3A_325, %dma_wait3A_331] : memref<50x1x200xi32, #tpu.memory_space<vmem>> -> memref<1x1x200xi32, #tpu.memory_space<vmem>>
      %dma_wait3A_333 = tpu.memref_squeeze %dma_wait3A_332 : memref<1x1x200xi32, #tpu.memory_space<vmem>> -> memref<200xi32, #tpu.memory_space<vmem>>
      %dma_wait3A_334 = arith.constant 0 : i32
      %dma_wait3A_335 = arith.constant 0 : i32
      %dma_wait3A_336 = tpu.memref_slice %arg9[%dma_wait3A_334, %dma_wait3A_335] : memref<10240x64xf32, #tpu.memory_space<vmem_shared>> -> memref<10240x64xf32, #tpu.memory_space<vmem_shared>>
      %dma_wait3A_337 = tpu.memref_slice %arg11[%dma_wait3A_326] : memref<5x!tpu.dma_semaphore, #tpu.memory_space<semaphore_mem>> -> memref<1x!tpu.dma_semaphore, #tpu.memory_space<semaphore_mem>>
      %dma_wait3A_338 = tpu.memref_squeeze %dma_wait3A_337 : memref<1x!tpu.dma_semaphore, #tpu.memory_space<semaphore_mem>> -> memref<!tpu.dma_semaphore, #tpu.memory_space<semaphore_mem>>
      tpu.wait_indirect_dma semaphore(%dma_wait3A_338 : memref<!tpu.dma_semaphore, #tpu.memory_space<semaphore_mem>>) src(%dma_wait3A_330 : memref<200x64xf32, #tpu.memory_space<vmem>>) dst(%dma_wait3A_336 : memref<10240x64xf32, #tpu.memory_space<vmem_shared>>)
      %lt3A_339 = arith.constant 50 : i32
      %lt3A_340 = arith.cmpi slt, %add3A_323, %lt3A_339 : i32
      %convert_element_type3A_341 = arith.extui %lt3A_340 : i1 to i32
      %cond3A_342 = arith.constant 0 : i32
      %cond3A_343 = arith.cmpi ne, %convert_element_type3A_341, %cond3A_342 : i32
      scf.if %cond3A_343 {
        %dma_start3A_396 = arith.constant 0 : i32
        %dma_start3A_397 = arith.constant 2 : i32
        %dma_start3A_398 = arith.constant 2 : i32
        %dma_start3A_399 = arith.constant 0 : i32
        %dma_start3A_400 = arith.constant 0 : i32
        %dma_start3A_401 = tpu.memref_slice %arg8[%dma_start3A_397, %dma_start3A_399, %dma_start3A_400] : memref<5x200x64xf32, #tpu.memory_space<vmem>> -> memref<1x200x64xf32, #tpu.memory_space<vmem>>
        %dma_start3A_402 = tpu.memref_squeeze %dma_start3A_401 : memref<1x200x64xf32, #tpu.memory_space<vmem>> -> memref<200x64xf32, #tpu.memory_space<vmem>>
        %dma_start3A_403 = arith.constant 0 : i32
        %dma_start3A_404 = tpu.memref_slice %arg6[%add3A_323, %dma_start3A_396, %dma_start3A_403] : memref<50x1x200xi32, #tpu.memory_space<vmem>> -> memref<1x1x200xi32, #tpu.memory_space<vmem>>
        %dma_start3A_405 = tpu.memref_squeeze %dma_start3A_404 : memref<1x1x200xi32, #tpu.memory_space<vmem>> -> memref<200xi32, #tpu.memory_space<vmem>>
        %dma_start3A_406 = arith.constant 0 : i32
        %dma_start3A_407 = arith.constant 0 : i32
        %dma_start3A_408 = tpu.memref_slice %arg2[%dma_start3A_406, %dma_start3A_407] : memref<10240x64xf32, #tpu.memory_space<hbm>> -> memref<10240x64xf32, #tpu.memory_space<hbm>>
        %dma_start3A_409 = tpu.memref_slice %arg10[%dma_start3A_398] : memref<5x!tpu.dma_semaphore, #tpu.memory_space<semaphore_mem>> -> memref<1x!tpu.dma_semaphore, #tpu.memory_space<semaphore_mem>>
        %dma_start3A_410 = tpu.memref_squeeze %dma_start3A_409 : memref<1x!tpu.dma_semaphore, #tpu.memory_space<semaphore_mem>> -> memref<!tpu.dma_semaphore, #tpu.memory_space<semaphore_mem>>
        tpu.enqueue_indirect_dma source(%dma_start3A_408 : memref<10240x64xf32, #tpu.memory_space<hbm>>) target(%dma_start3A_402 : memref<200x64xf32, #tpu.memory_space<vmem>>) offsets(%dma_start3A_405 : memref<200xi32, #tpu.memory_space<vmem>>) semaphore(%dma_start3A_410 : memref<!tpu.dma_semaphore, #tpu.memory_space<semaphore_mem>>)
      } else {
      }
      %mul3A_344 = arith.constant 5 : i32
      %mul3A_345 = arith.muli %mul3A_344, %scan3A_97 : i32
      %add3A_346 = arith.constant 3 : i32
      %add3A_347 = arith.addi %mul3A_345, %add3A_346 : i32
      %add3A_348 = arith.constant 5 : i32
      %add3A_349 = arith.addi %add3A_347, %add3A_348 : i32
      %dma_wait3A_350 = arith.constant 3 : i32
      %dma_wait3A_351 = arith.constant 0 : i32
      %dma_wait3A_352 = arith.constant 3 : i32
      %dma_wait3A_353 = arith.constant 0 : i32
      %dma_wait3A_354 = arith.constant 0 : i32
      %dma_wait3A_355 = tpu.memref_slice %arg8[%dma_wait3A_350, %dma_wait3A_353, %dma_wait3A_354] : memref<5x200x64xf32, #tpu.memory_space<vmem>> -> memref<1x200x64xf32, #tpu.memory_space<vmem>>
      %dma_wait3A_356 = tpu.memref_squeeze %dma_wait3A_355 : memref<1x200x64xf32, #tpu.memory_space<vmem>> -> memref<200x64xf32, #tpu.memory_space<vmem>>
      %dma_wait3A_357 = arith.constant 0 : i32
      %dma_wait3A_358 = tpu.memref_slice %arg7[%add3A_347, %dma_wait3A_351, %dma_wait3A_357] : memref<50x1x200xi32, #tpu.memory_space<vmem>> -> memref<1x1x200xi32, #tpu.memory_space<vmem>>
      %dma_wait3A_359 = tpu.memref_squeeze %dma_wait3A_358 : memref<1x1x200xi32, #tpu.memory_space<vmem>> -> memref<200xi32, #tpu.memory_space<vmem>>
      %dma_wait3A_360 = arith.constant 0 : i32
      %dma_wait3A_361 = arith.constant 0 : i32
      %dma_wait3A_362 = tpu.memref_slice %arg9[%dma_wait3A_360, %dma_wait3A_361] : memref<10240x64xf32, #tpu.memory_space<vmem_shared>> -> memref<10240x64xf32, #tpu.memory_space<vmem_shared>>
      %dma_wait3A_363 = tpu.memref_slice %arg11[%dma_wait3A_352] : memref<5x!tpu.dma_semaphore, #tpu.memory_space<semaphore_mem>> -> memref<1x!tpu.dma_semaphore, #tpu.memory_space<semaphore_mem>>
      %dma_wait3A_364 = tpu.memref_squeeze %dma_wait3A_363 : memref<1x!tpu.dma_semaphore, #tpu.memory_space<semaphore_mem>> -> memref<!tpu.dma_semaphore, #tpu.memory_space<semaphore_mem>>
      tpu.wait_indirect_dma semaphore(%dma_wait3A_364 : memref<!tpu.dma_semaphore, #tpu.memory_space<semaphore_mem>>) src(%dma_wait3A_356 : memref<200x64xf32, #tpu.memory_space<vmem>>) dst(%dma_wait3A_362 : memref<10240x64xf32, #tpu.memory_space<vmem_shared>>)
      %lt3A_365 = arith.constant 50 : i32
      %lt3A_366 = arith.cmpi slt, %add3A_349, %lt3A_365 : i32
      %convert_element_type3A_367 = arith.extui %lt3A_366 : i1 to i32
      %cond3A_368 = arith.constant 0 : i32
      %cond3A_369 = arith.cmpi ne, %convert_element_type3A_367, %cond3A_368 : i32
      scf.if %cond3A_369 {
        %dma_start3A_396 = arith.constant 0 : i32
        %dma_start3A_397 = arith.constant 3 : i32
        %dma_start3A_398 = arith.constant 3 : i32
        %dma_start3A_399 = arith.constant 0 : i32
        %dma_start3A_400 = arith.constant 0 : i32
        %dma_start3A_401 = tpu.memref_slice %arg8[%dma_start3A_397, %dma_start3A_399, %dma_start3A_400] : memref<5x200x64xf32, #tpu.memory_space<vmem>> -> memref<1x200x64xf32, #tpu.memory_space<vmem>>
        %dma_start3A_402 = tpu.memref_squeeze %dma_start3A_401 : memref<1x200x64xf32, #tpu.memory_space<vmem>> -> memref<200x64xf32, #tpu.memory_space<vmem>>
        %dma_start3A_403 = arith.constant 0 : i32
        %dma_start3A_404 = tpu.memref_slice %arg6[%add3A_349, %dma_start3A_396, %dma_start3A_403] : memref<50x1x200xi32, #tpu.memory_space<vmem>> -> memref<1x1x200xi32, #tpu.memory_space<vmem>>
        %dma_start3A_405 = tpu.memref_squeeze %dma_start3A_404 : memref<1x1x200xi32, #tpu.memory_space<vmem>> -> memref<200xi32, #tpu.memory_space<vmem>>
        %dma_start3A_406 = arith.constant 0 : i32
        %dma_start3A_407 = arith.constant 0 : i32
        %dma_start3A_408 = tpu.memref_slice %arg2[%dma_start3A_406, %dma_start3A_407] : memref<10240x64xf32, #tpu.memory_space<hbm>> -> memref<10240x64xf32, #tpu.memory_space<hbm>>
        %dma_start3A_409 = tpu.memref_slice %arg10[%dma_start3A_398] : memref<5x!tpu.dma_semaphore, #tpu.memory_space<semaphore_mem>> -> memref<1x!tpu.dma_semaphore, #tpu.memory_space<semaphore_mem>>
        %dma_start3A_410 = tpu.memref_squeeze %dma_start3A_409 : memref<1x!tpu.dma_semaphore, #tpu.memory_space<semaphore_mem>> -> memref<!tpu.dma_semaphore, #tpu.memory_space<semaphore_mem>>
        tpu.enqueue_indirect_dma source(%dma_start3A_408 : memref<10240x64xf32, #tpu.memory_space<hbm>>) target(%dma_start3A_402 : memref<200x64xf32, #tpu.memory_space<vmem>>) offsets(%dma_start3A_405 : memref<200xi32, #tpu.memory_space<vmem>>) semaphore(%dma_start3A_410 : memref<!tpu.dma_semaphore, #tpu.memory_space<semaphore_mem>>)
      } else {
      }
      %mul3A_370 = arith.constant 5 : i32
      %mul3A_371 = arith.muli %mul3A_370, %scan3A_97 : i32
      %add3A_372 = arith.constant 4 : i32
      %add3A_373 = arith.addi %mul3A_371, %add3A_372 : i32
      %add3A_374 = arith.constant 5 : i32
      %add3A_375 = arith.addi %add3A_373, %add3A_374 : i32
      %dma_wait3A_376 = arith.constant 4 : i32
      %dma_wait3A_377 = arith.constant 0 : i32
      %dma_wait3A_378 = arith.constant 4 : i32
      %dma_wait3A_379 = arith.constant 0 : i32
      %dma_wait3A_380 = arith.constant 0 : i32
      %dma_wait3A_381 = tpu.memref_slice %arg8[%dma_wait3A_376, %dma_wait3A_379, %dma_wait3A_380] : memref<5x200x64xf32, #tpu.memory_space<vmem>> -> memref<1x200x64xf32, #tpu.memory_space<vmem>>
      %dma_wait3A_382 = tpu.memref_squeeze %dma_wait3A_381 : memref<1x200x64xf32, #tpu.memory_space<vmem>> -> memref<200x64xf32, #tpu.memory_space<vmem>>
      %dma_wait3A_383 = arith.constant 0 : i32
      %dma_wait3A_384 = tpu.memref_slice %arg7[%add3A_373, %dma_wait3A_377, %dma_wait3A_383] : memref<50x1x200xi32, #tpu.memory_space<vmem>> -> memref<1x1x200xi32, #tpu.memory_space<vmem>>
      %dma_wait3A_385 = tpu.memref_squeeze %dma_wait3A_384 : memref<1x1x200xi32, #tpu.memory_space<vmem>> -> memref<200xi32, #tpu.memory_space<vmem>>
      %dma_wait3A_386 = arith.constant 0 : i32
      %dma_wait3A_387 = arith.constant 0 : i32
      %dma_wait3A_388 = tpu.memref_slice %arg9[%dma_wait3A_386, %dma_wait3A_387] : memref<10240x64xf32, #tpu.memory_space<vmem_shared>> -> memref<10240x64xf32, #tpu.memory_space<vmem_shared>>
      %dma_wait3A_389 = tpu.memref_slice %arg11[%dma_wait3A_378] : memref<5x!tpu.dma_semaphore, #tpu.memory_space<semaphore_mem>> -> memref<1x!tpu.dma_semaphore, #tpu.memory_space<semaphore_mem>>
      %dma_wait3A_390 = tpu.memref_squeeze %dma_wait3A_389 : memref<1x!tpu.dma_semaphore, #tpu.memory_space<semaphore_mem>> -> memref<!tpu.dma_semaphore, #tpu.memory_space<semaphore_mem>>
      tpu.wait_indirect_dma semaphore(%dma_wait3A_390 : memref<!tpu.dma_semaphore, #tpu.memory_space<semaphore_mem>>) src(%dma_wait3A_382 : memref<200x64xf32, #tpu.memory_space<vmem>>) dst(%dma_wait3A_388 : memref<10240x64xf32, #tpu.memory_space<vmem_shared>>)
      %lt3A_391 = arith.constant 50 : i32
      %lt3A_392 = arith.cmpi slt, %add3A_375, %lt3A_391 : i32
      %convert_element_type3A_393 = arith.extui %lt3A_392 : i1 to i32
      %cond3A_394 = arith.constant 0 : i32
      %cond3A_395 = arith.cmpi ne, %convert_element_type3A_393, %cond3A_394 : i32
      scf.if %cond3A_395 {
        %dma_start3A_396 = arith.constant 0 : i32
        %dma_start3A_397 = arith.constant 4 : i32
        %dma_start3A_398 = arith.constant 4 : i32
        %dma_start3A_399 = arith.constant 0 : i32
        %dma_start3A_400 = arith.constant 0 : i32
        %dma_start3A_401 = tpu.memref_slice %arg8[%dma_start3A_397, %dma_start3A_399, %dma_start3A_400] : memref<5x200x64xf32, #tpu.memory_space<vmem>> -> memref<1x200x64xf32, #tpu.memory_space<vmem>>
        %dma_start3A_402 = tpu.memref_squeeze %dma_start3A_401 : memref<1x200x64xf32, #tpu.memory_space<vmem>> -> memref<200x64xf32, #tpu.memory_space<vmem>>
        %dma_start3A_403 = arith.constant 0 : i32
        %dma_start3A_404 = tpu.memref_slice %arg6[%add3A_375, %dma_start3A_396, %dma_start3A_403] : memref<50x1x200xi32, #tpu.memory_space<vmem>> -> memref<1x1x200xi32, #tpu.memory_space<vmem>>
        %dma_start3A_405 = tpu.memref_squeeze %dma_start3A_404 : memref<1x1x200xi32, #tpu.memory_space<vmem>> -> memref<200xi32, #tpu.memory_space<vmem>>
        %dma_start3A_406 = arith.constant 0 : i32
        %dma_start3A_407 = arith.constant 0 : i32
        %dma_start3A_408 = tpu.memref_slice %arg2[%dma_start3A_406, %dma_start3A_407] : memref<10240x64xf32, #tpu.memory_space<hbm>> -> memref<10240x64xf32, #tpu.memory_space<hbm>>
        %dma_start3A_409 = tpu.memref_slice %arg10[%dma_start3A_398] : memref<5x!tpu.dma_semaphore, #tpu.memory_space<semaphore_mem>> -> memref<1x!tpu.dma_semaphore, #tpu.memory_space<semaphore_mem>>
        %dma_start3A_410 = tpu.memref_squeeze %dma_start3A_409 : memref<1x!tpu.dma_semaphore, #tpu.memory_space<semaphore_mem>> -> memref<!tpu.dma_semaphore, #tpu.memory_space<semaphore_mem>>
        tpu.enqueue_indirect_dma source(%dma_start3A_408 : memref<10240x64xf32, #tpu.memory_space<hbm>>) target(%dma_start3A_402 : memref<200x64xf32, #tpu.memory_space<vmem>>) offsets(%dma_start3A_405 : memref<200xi32, #tpu.memory_space<vmem>>) semaphore(%dma_start3A_410 : memref<!tpu.dma_semaphore, #tpu.memory_space<semaphore_mem>>)
      } else {
      }
    }
    %scan3A_91 = arith.constant 10 : i32
    %barrier3A_92 = arith.constant 0 : index
    tpu.barrier barrier_id(%barrier3A_92)
    %mul3A_93 = arith.constant 640 : i32
    %mul3A_94 = arith.muli %arg1, %mul3A_93 : i32
    %mul3A_95 = arith.constant 640 : i32
    %mul3A_96 = arith.muli %arg1, %mul3A_95 : i32
    "tpu.region"() ({
      %run_scoped3A_97 = tpu.sem_alloc : memref<!tpu.dma_semaphore, #tpu.memory_space<semaphore_mem>>
      %dma_start3A_98 = arith.constant 0 : i32
      %dma_start3A_99 = tpu.memref_slice %arg5[%arg0, %mul3A_96, %dma_start3A_98] : memref<2x10240x64xf32, #tpu.memory_space<hbm>> -> memref<1x640x64xf32, #tpu.memory_space<hbm>>
      %dma_start3A_100 = tpu.memref_squeeze %dma_start3A_99 : memref<1x640x64xf32, #tpu.memory_space<hbm>> -> memref<640x64xf32, #tpu.memory_space<hbm>>
      %dma_start3A_101 = arith.constant 0 : i32
      %dma_start3A_102 = tpu.memref_slice %arg9[%mul3A_94, %dma_start3A_101] : memref<10240x64xf32, #tpu.memory_space<vmem_shared>> -> memref<640x64xf32, #tpu.memory_space<vmem_shared>>
      tpu.enqueue_dma source(%dma_start3A_102 : memref<640x64xf32, #tpu.memory_space<vmem_shared>>) target(%dma_start3A_100 : memref<640x64xf32, #tpu.memory_space<hbm>>) target_semaphore(%run_scoped3A_97 : memref<!tpu.dma_semaphore, #tpu.memory_space<semaphore_mem>>)
      %dma_wait3A = arith.constant 0 : i32
      %dma_wait3A_103 = tpu.memref_slice %arg5[%arg0, %mul3A_96, %dma_wait3A] : memref<2x10240x64xf32, #tpu.memory_space<hbm>> -> memref<1x640x64xf32, #tpu.memory_space<hbm>>
      %dma_wait3A_104 = tpu.memref_squeeze %dma_wait3A_103 : memref<1x640x64xf32, #tpu.memory_space<hbm>> -> memref<640x64xf32, #tpu.memory_space<hbm>>
      %dma_wait3A_105 = arith.constant 0 : i32
      %dma_wait3A_106 = tpu.memref_slice %arg9[%mul3A_94, %dma_wait3A_105] : memref<10240x64xf32, #tpu.memory_space<vmem_shared>> -> memref<640x64xf32, #tpu.memory_space<vmem_shared>>
      tpu.wait_dma2 semaphore(%run_scoped3A_97 : memref<!tpu.dma_semaphore, #tpu.memory_space<semaphore_mem>>) src(%dma_wait3A_106 : memref<640x64xf32, #tpu.memory_space<vmem_shared>>) dst(%dma_wait3A_104 : memref<640x64xf32, #tpu.memory_space<hbm>>)
      tpu.yield
    }) : () -> ()
    return
  }
}

module attributes {stable_mosaic.version = 14 : i64} {
  func.func @_tc1_body(%arg0: memref<2x1x10240xf32, #tpu.memory_space<vmem>>, %arg1: memref<5000x256xf32, #tpu.memory_space<vmem>>, %arg2: memref<128x64xf32, #tpu.memory_space<vmem>>, %arg3: memref<5120x128xf32, #tpu.memory_space<vmem>>) attributes {dimension_semantics = [], scalar_prefetch = 0 : i64, scratch_operands = 0 : i64, tpu.core_type = #tpu.core_type<tc>} {
    %get3A = arith.constant 0 : index
    %get3A_0 = arith.constant 0 : index
    %get3A_1 = arith.constant 0 : index
    %get3A_2 = vector.load %arg0[%get3A, %get3A_0, %get3A_1] : memref<2x1x10240xf32, #tpu.memory_space<vmem>>, vector<1x1x10240xf32>
    %get3A_3 = vector.shape_cast %get3A_2 : vector<1x1x10240xf32> to vector<10240xf32>
    %get3A_4 = arith.constant 1 : index
    %get3A_5 = arith.constant 0 : index
    %get3A_6 = arith.constant 0 : index
    %get3A_7 = vector.load %arg0[%get3A_4, %get3A_5, %get3A_6] : memref<2x1x10240xf32, #tpu.memory_space<vmem>>, vector<1x1x10240xf32>
    %get3A_8 = vector.shape_cast %get3A_7 : vector<1x1x10240xf32> to vector<10240xf32>
    %add3A = arith.addf %get3A_3, %get3A_8 : vector<10240xf32>
    %add3A_9 = arith.constant 1.000000e+00 : f32
    %add3A_10 = vector.broadcast %add3A_9 : f32 to vector<10240xf32>
    %add3A_11 = arith.addf %add3A, %add3A_10 : vector<10240xf32>
    %rsqrt3A = math.rsqrt %add3A_11 : vector<10240xf32>
    %slice3A = vector.extract_strided_slice %rsqrt3A {offsets = [0], sizes = [5120], strides = [1]} : vector<10240xf32> to vector<5120xf32>
    %slice3A_12 = vector.extract_strided_slice %slice3A {offsets = [0], sizes = [5000], strides = [1]} : vector<5120xf32> to vector<5000xf32>
    %broadcast_in_dim3A = vector.shape_cast %slice3A_12 : vector<5000xf32> to vector<5000x1xf32>
    %slice3A_13 = vector.extract_strided_slice %rsqrt3A {offsets = [5120], sizes = [5120], strides = [1]} : vector<10240xf32> to vector<5120xf32>
    %slice3A_14 = vector.extract_strided_slice %slice3A_13 {offsets = [0], sizes = [5000], strides = [1]} : vector<5120xf32> to vector<5000xf32>
    %broadcast_in_dim3A_15 = vector.shape_cast %slice3A_14 : vector<5000xf32> to vector<5000x1xf32>
    %broadcast_in_dim3A_16 = vector.shape_cast %broadcast_in_dim3A : vector<5000x1xf32> to vector<5000x1xf32>
    %broadcast_in_dim3A_17 = vector.broadcast %broadcast_in_dim3A_16 : vector<5000x1xf32> to vector<5000x64xf32>
    %broadcast_in_dim3A_18 = vector.shape_cast %broadcast_in_dim3A_15 : vector<5000x1xf32> to vector<5000x1xf32>
    %broadcast_in_dim3A_19 = vector.broadcast %broadcast_in_dim3A_18 : vector<5000x1xf32> to vector<5000x64xf32>
    %concatenate3A = tpu.concatenate %broadcast_in_dim3A_17, %broadcast_in_dim3A_19 in 1 : vector<5000x64xf32>, vector<5000x64xf32> -> vector<5000x128xf32>
    %get3A_20 = arith.constant 0 : index
    %get3A_21 = arith.constant 0 : index
    %get3A_22 = vector.load %arg1[%get3A_20, %get3A_21] : memref<5000x256xf32, #tpu.memory_space<vmem>>, vector<5000x256xf32>
    %slice3A_23 = vector.extract_strided_slice %get3A_22 {offsets = [0, 0], sizes = [5000, 128], strides = [1, 1]} : vector<5000x256xf32> to vector<5000x128xf32>
    %get3A_24 = arith.constant 0 : index
    %get3A_25 = arith.constant 0 : index
    %get3A_26 = vector.load %arg2[%get3A_24, %get3A_25] : memref<128x64xf32, #tpu.memory_space<vmem>>, vector<128x64xf32>
    %dot_general3A = arith.constant dense<0.000000e+00> : vector<5000x64xf32>
    %dot_general3A_27 = tpu.matmul %slice3A_23, %get3A_26, %dot_general3A {dimension_numbers = #tpu.dot_dimension_numbers<[1], [0], [0], [1], [0, 0, 1, 1], [], []>, transpose_lhs_hint = false} : vector<5000x128xf32>, vector<128x64xf32>, vector<5000x64xf32> -> vector<5000x64xf32>
    %slice3A_28 = vector.extract_strided_slice %get3A_22 {offsets = [0, 128], sizes = [5000, 128], strides = [1, 1]} : vector<5000x256xf32> to vector<5000x128xf32>
    %get3A_29 = arith.constant 0 : index
    %get3A_30 = arith.constant 0 : index
    %get3A_31 = vector.load %arg2[%get3A_29, %get3A_30] : memref<128x64xf32, #tpu.memory_space<vmem>>, vector<128x64xf32>
    %dot_general3A_32 = arith.constant dense<0.000000e+00> : vector<5000x64xf32>
    %dot_general3A_33 = tpu.matmul %slice3A_28, %get3A_31, %dot_general3A_32 {dimension_numbers = #tpu.dot_dimension_numbers<[1], [0], [0], [1], [0, 0, 1, 1], [], []>, transpose_lhs_hint = false} : vector<5000x128xf32>, vector<128x64xf32>, vector<5000x64xf32> -> vector<5000x64xf32>
    %concatenate3A_34 = tpu.concatenate %dot_general3A_27, %dot_general3A_33 in 1 : vector<5000x64xf32>, vector<5000x64xf32> -> vector<5000x128xf32>
    %mul3A = arith.mulf %concatenate3A_34, %concatenate3A : vector<5000x128xf32>
    %swap3A = arith.constant 0 : index
    %swap3A_35 = arith.constant 0 : index
    %swap3A_36 = vector.load %arg3[%swap3A, %swap3A_35] : memref<5120x128xf32, #tpu.memory_space<vmem>>, vector<5000x128xf32>
    tpu.vector_store %arg3[%swap3A, %swap3A_35], %mul3A {strides = array<i32>} : memref<5120x128xf32, #tpu.memory_space<vmem>>, vector<5000x128xf32>,
    return
  }
}

module attributes {stable_mosaic.version = 14 : i64} {
  func.func @_tc2_body(%arg0: memref<2x1x10240xf32, #tpu.memory_space<vmem>>, %arg1: memref<2x5120x128xf32, #tpu.memory_space<vmem>>, %arg2: memref<1x128xf32, #tpu.memory_space<vmem>>, %arg3: memref<1x128xf32, #tpu.memory_space<vmem>>, %arg4: memref<1x128xf32, #tpu.memory_space<vmem>>, %arg5: memref<64x64xf32, #tpu.memory_space<vmem>>, %arg6: memref<5120x128xf32, #tpu.memory_space<vmem>>) attributes {dimension_semantics = [], scalar_prefetch = 0 : i64, scratch_operands = 0 : i64, tpu.core_type = #tpu.core_type<tc>} {
    %get3A = arith.constant 0 : index
    %get3A_0 = arith.constant 0 : index
    %get3A_1 = arith.constant 0 : index
    %get3A_2 = vector.load %arg0[%get3A, %get3A_0, %get3A_1] : memref<2x1x10240xf32, #tpu.memory_space<vmem>>, vector<1x1x10240xf32>
    %get3A_3 = vector.shape_cast %get3A_2 : vector<1x1x10240xf32> to vector<10240xf32>
    %get3A_4 = arith.constant 1 : index
    %get3A_5 = arith.constant 0 : index
    %get3A_6 = arith.constant 0 : index
    %get3A_7 = vector.load %arg0[%get3A_4, %get3A_5, %get3A_6] : memref<2x1x10240xf32, #tpu.memory_space<vmem>>, vector<1x1x10240xf32>
    %get3A_8 = vector.shape_cast %get3A_7 : vector<1x1x10240xf32> to vector<10240xf32>
    %add3A = arith.addf %get3A_3, %get3A_8 : vector<10240xf32>
    %add3A_9 = arith.constant 1.000000e+00 : f32
    %add3A_10 = vector.broadcast %add3A_9 : f32 to vector<10240xf32>
    %add3A_11 = arith.addf %add3A, %add3A_10 : vector<10240xf32>
    %rsqrt3A = math.rsqrt %add3A_11 : vector<10240xf32>
    %slice3A = vector.extract_strided_slice %rsqrt3A {offsets = [0], sizes = [5120], strides = [1]} : vector<10240xf32> to vector<5120xf32>
    %slice3A_12 = vector.extract_strided_slice %slice3A {offsets = [0], sizes = [5000], strides = [1]} : vector<5120xf32> to vector<5000xf32>
    %broadcast_in_dim3A = vector.shape_cast %slice3A_12 : vector<5000xf32> to vector<5000x1xf32>
    %slice3A_13 = vector.extract_strided_slice %rsqrt3A {offsets = [5120], sizes = [5120], strides = [1]} : vector<10240xf32> to vector<5120xf32>
    %slice3A_14 = vector.extract_strided_slice %slice3A_13 {offsets = [0], sizes = [5000], strides = [1]} : vector<5120xf32> to vector<5000xf32>
    %broadcast_in_dim3A_15 = vector.shape_cast %slice3A_14 : vector<5000xf32> to vector<5000x1xf32>
    %broadcast_in_dim3A_16 = vector.shape_cast %broadcast_in_dim3A : vector<5000x1xf32> to vector<5000x1xf32>
    %broadcast_in_dim3A_17 = vector.broadcast %broadcast_in_dim3A_16 : vector<5000x1xf32> to vector<5000x64xf32>
    %broadcast_in_dim3A_18 = vector.shape_cast %broadcast_in_dim3A_15 : vector<5000x1xf32> to vector<5000x1xf32>
    %broadcast_in_dim3A_19 = vector.broadcast %broadcast_in_dim3A_18 : vector<5000x1xf32> to vector<5000x64xf32>
    %concatenate3A = tpu.concatenate %broadcast_in_dim3A_17, %broadcast_in_dim3A_19 in 1 : vector<5000x64xf32>, vector<5000x64xf32> -> vector<5000x128xf32>
    %get3A_20 = arith.constant 0 : index
    %get3A_21 = arith.constant 0 : index
    %get3A_22 = arith.constant 0 : index
    %get3A_23 = vector.load %arg1[%get3A_20, %get3A_21, %get3A_22] : memref<2x5120x128xf32, #tpu.memory_space<vmem>>, vector<1x5000x128xf32>
    %get3A_24 = vector.shape_cast %get3A_23 : vector<1x5000x128xf32> to vector<5000x128xf32>
    %get3A_25 = arith.constant 1 : index
    %get3A_26 = arith.constant 0 : index
    %get3A_27 = arith.constant 0 : index
    %get3A_28 = vector.load %arg1[%get3A_25, %get3A_26, %get3A_27] : memref<2x5120x128xf32, #tpu.memory_space<vmem>>, vector<1x5000x128xf32>
    %get3A_29 = vector.shape_cast %get3A_28 : vector<1x5000x128xf32> to vector<5000x128xf32>
    %add3A_30 = arith.addf %get3A_24, %get3A_29 : vector<5000x128xf32>
    %mul3A = arith.mulf %add3A_30, %concatenate3A : vector<5000x128xf32>
    %get3A_31 = arith.constant 0 : index
    %get3A_32 = arith.constant 0 : index
    %get3A_33 = vector.load %arg2[%get3A_31, %get3A_32] : memref<1x128xf32, #tpu.memory_space<vmem>>, vector<1x128xf32>
    %add3A_34 = vector.broadcast %get3A_33 : vector<1x128xf32> to vector<5000x128xf32>
    %add3A_35 = arith.addf %mul3A, %add3A_34 : vector<5000x128xf32>
    %max3A = arith.constant 0.000000e+00 : f32
    %max3A_36 = vector.broadcast %max3A : f32 to vector<5000x128xf32>
    %max3A_37 = arith.maximumf %add3A_35, %max3A_36 : vector<5000x128xf32>
    %reduce_sum3A = arith.constant dense<0.000000e+00> : vector<128xf32>
    %reduce_sum3A_38 = vector.multi_reduction <add>, %max3A_37, %reduce_sum3A [0] : vector<5000x128xf32> to vector<128xf32>
    %broadcast_in_dim3A_39 = vector.shape_cast %reduce_sum3A_38 : vector<128xf32> to vector<1x128xf32>
    %div3A = arith.constant 5.000000e+03 : f32
    %div3A_40 = vector.broadcast %div3A : f32 to vector<1x128xf32>
    %div3A_41 = arith.divf %broadcast_in_dim3A_39, %div3A_40 : vector<1x128xf32>
    %slice3A_42 = vector.extract_strided_slice %div3A_41 {offsets = [0, 0], sizes = [1, 64], strides = [1, 1]} : vector<1x128xf32> to vector<1x64xf32>
    %slice3A_43 = vector.extract_strided_slice %div3A_41 {offsets = [0, 64], sizes = [1, 64], strides = [1, 1]} : vector<1x128xf32> to vector<1x64xf32>
    %add3A_44 = arith.addf %slice3A_42, %slice3A_43 : vector<1x64xf32>
    %mul3A_45 = arith.constant 5.000000e-01 : f32
    %mul3A_46 = vector.broadcast %mul3A_45 : f32 to vector<1x64xf32>
    %mul3A_47 = arith.mulf %add3A_44, %mul3A_46 : vector<1x64xf32>
    %concatenate3A_48 = tpu.concatenate %mul3A_47, %mul3A_47 in 1 : vector<1x64xf32>, vector<1x64xf32> -> vector<1x128xf32>
    %sub3A = vector.broadcast %concatenate3A_48 : vector<1x128xf32> to vector<5000x128xf32>
    %sub3A_49 = arith.subf %max3A_37, %sub3A : vector<5000x128xf32>
    %mul3A_50 = arith.mulf %sub3A_49, %sub3A_49 : vector<5000x128xf32>
    %reduce_sum3A_51 = arith.constant dense<0.000000e+00> : vector<128xf32>
    %reduce_sum3A_52 = vector.multi_reduction <add>, %mul3A_50, %reduce_sum3A_51 [0] : vector<5000x128xf32> to vector<128xf32>
    %broadcast_in_dim3A_53 = vector.shape_cast %reduce_sum3A_52 : vector<128xf32> to vector<1x128xf32>
    %div3A_54 = arith.constant 5.000000e+03 : f32
    %div3A_55 = vector.broadcast %div3A_54 : f32 to vector<1x128xf32>
    %div3A_56 = arith.divf %broadcast_in_dim3A_53, %div3A_55 : vector<1x128xf32>
    %slice3A_57 = vector.extract_strided_slice %div3A_56 {offsets = [0, 0], sizes = [1, 64], strides = [1, 1]} : vector<1x128xf32> to vector<1x64xf32>
    %slice3A_58 = vector.extract_strided_slice %div3A_56 {offsets = [0, 64], sizes = [1, 64], strides = [1, 1]} : vector<1x128xf32> to vector<1x64xf32>
    %add3A_59 = arith.addf %slice3A_57, %slice3A_58 : vector<1x64xf32>
    %mul3A_60 = arith.constant 5.000000e-01 : f32
    %mul3A_61 = vector.broadcast %mul3A_60 : f32 to vector<1x64xf32>
    %mul3A_62 = arith.mulf %add3A_59, %mul3A_61 : vector<1x64xf32>
    %concatenate3A_63 = tpu.concatenate %mul3A_62, %mul3A_62 in 1 : vector<1x64xf32>, vector<1x64xf32> -> vector<1x128xf32>
    %add3A_64 = arith.constant 9.99999974E-6 : f32
    %add3A_65 = vector.broadcast %add3A_64 : f32 to vector<1x128xf32>
    %add3A_66 = arith.addf %concatenate3A_63, %add3A_65 : vector<1x128xf32>
    %rsqrt3A_67 = math.rsqrt %add3A_66 : vector<1x128xf32>
    %mul3A_68 = vector.broadcast %rsqrt3A_67 : vector<1x128xf32> to vector<5000x128xf32>
    %mul3A_69 = arith.mulf %sub3A_49, %mul3A_68 : vector<5000x128xf32>
    %get3A_70 = arith.constant 0 : index
    %get3A_71 = arith.constant 0 : index
    %get3A_72 = vector.load %arg3[%get3A_70, %get3A_71] : memref<1x128xf32, #tpu.memory_space<vmem>>, vector<1x128xf32>
    %mul3A_73 = vector.broadcast %get3A_72 : vector<1x128xf32> to vector<5000x128xf32>
    %mul3A_74 = arith.mulf %mul3A_69, %mul3A_73 : vector<5000x128xf32>
    %get3A_75 = arith.constant 0 : index
    %get3A_76 = arith.constant 0 : index
    %get3A_77 = vector.load %arg4[%get3A_75, %get3A_76] : memref<1x128xf32, #tpu.memory_space<vmem>>, vector<1x128xf32>
    %add3A_78 = vector.broadcast %get3A_77 : vector<1x128xf32> to vector<5000x128xf32>
    %add3A_79 = arith.addf %mul3A_74, %add3A_78 : vector<5000x128xf32>
    %max3A_80 = arith.constant 0.000000e+00 : f32
    %max3A_81 = vector.broadcast %max3A_80 : f32 to vector<5000x128xf32>
    %max3A_82 = arith.maximumf %add3A_79, %max3A_81 : vector<5000x128xf32>
    %slice3A_83 = vector.extract_strided_slice %max3A_82 {offsets = [0, 0], sizes = [5000, 64], strides = [1, 1]} : vector<5000x128xf32> to vector<5000x64xf32>
    %get3A_84 = arith.constant 0 : index
    %get3A_85 = arith.constant 0 : index
    %get3A_86 = vector.load %arg5[%get3A_84, %get3A_85] : memref<64x64xf32, #tpu.memory_space<vmem>>, vector<64x64xf32>
    %dot_general3A = arith.constant dense<0.000000e+00> : vector<5000x64xf32>
    %dot_general3A_87 = tpu.matmul %slice3A_83, %get3A_86, %dot_general3A {dimension_numbers = #tpu.dot_dimension_numbers<[1], [0], [0], [1], [0, 0, 1, 1], [], []>, transpose_lhs_hint = false} : vector<5000x64xf32>, vector<64x64xf32>, vector<5000x64xf32> -> vector<5000x64xf32>
    %slice3A_88 = vector.extract_strided_slice %max3A_82 {offsets = [0, 64], sizes = [5000, 64], strides = [1, 1]} : vector<5000x128xf32> to vector<5000x64xf32>
    %get3A_89 = arith.constant 0 : index
    %get3A_90 = arith.constant 0 : index
    %get3A_91 = vector.load %arg5[%get3A_89, %get3A_90] : memref<64x64xf32, #tpu.memory_space<vmem>>, vector<64x64xf32>
    %dot_general3A_92 = arith.constant dense<0.000000e+00> : vector<5000x64xf32>
    %dot_general3A_93 = tpu.matmul %slice3A_88, %get3A_91, %dot_general3A_92 {dimension_numbers = #tpu.dot_dimension_numbers<[1], [0], [0], [1], [0, 0, 1, 1], [], []>, transpose_lhs_hint = false} : vector<5000x64xf32>, vector<64x64xf32>, vector<5000x64xf32> -> vector<5000x64xf32>
    %concatenate3A_94 = tpu.concatenate %dot_general3A_87, %dot_general3A_93 in 1 : vector<5000x64xf32>, vector<5000x64xf32> -> vector<5000x128xf32>
    %mul3A_95 = arith.mulf %concatenate3A_94, %concatenate3A : vector<5000x128xf32>
    %swap3A = arith.constant 0 : index
    %swap3A_96 = arith.constant 0 : index
    %swap3A_97 = vector.load %arg6[%swap3A, %swap3A_96] : memref<5120x128xf32, #tpu.memory_space<vmem>>, vector<5000x128xf32>
    tpu.vector_store %arg6[%swap3A, %swap3A_96], %mul3A_95 {strides = array<i32>} : memref<5120x128xf32, #tpu.memory_space<vmem>>, vector<5000x128xf32>,
    return
  }
}

module attributes {stable_mosaic.version = 14 : i64} {
  func.func @_tc3_body(%arg0: memref<2x1x10240xf32, #tpu.memory_space<vmem>>, %arg1: memref<2x5120x128xf32, #tpu.memory_space<vmem>>, %arg2: memref<1x128xf32, #tpu.memory_space<vmem>>, %arg3: memref<1x128xf32, #tpu.memory_space<vmem>>, %arg4: memref<1x128xf32, #tpu.memory_space<vmem>>, %arg5: memref<64x40xf32, #tpu.memory_space<vmem>>, %arg6: memref<1x80xf32, #tpu.memory_space<vmem>>, %arg7: memref<5000x80xf32, #tpu.memory_space<vmem>>) attributes {dimension_semantics = [], scalar_prefetch = 0 : i64, scratch_operands = 0 : i64, tpu.core_type = #tpu.core_type<tc>} {
    %get3A = arith.constant 0 : index
    %get3A_0 = arith.constant 0 : index
    %get3A_1 = arith.constant 0 : index
    %get3A_2 = vector.load %arg0[%get3A, %get3A_0, %get3A_1] : memref<2x1x10240xf32, #tpu.memory_space<vmem>>, vector<1x1x10240xf32>
    %get3A_3 = vector.shape_cast %get3A_2 : vector<1x1x10240xf32> to vector<10240xf32>
    %get3A_4 = arith.constant 1 : index
    %get3A_5 = arith.constant 0 : index
    %get3A_6 = arith.constant 0 : index
    %get3A_7 = vector.load %arg0[%get3A_4, %get3A_5, %get3A_6] : memref<2x1x10240xf32, #tpu.memory_space<vmem>>, vector<1x1x10240xf32>
    %get3A_8 = vector.shape_cast %get3A_7 : vector<1x1x10240xf32> to vector<10240xf32>
    %add3A = arith.addf %get3A_3, %get3A_8 : vector<10240xf32>
    %add3A_9 = arith.constant 1.000000e+00 : f32
    %add3A_10 = vector.broadcast %add3A_9 : f32 to vector<10240xf32>
    %add3A_11 = arith.addf %add3A, %add3A_10 : vector<10240xf32>
    %rsqrt3A = math.rsqrt %add3A_11 : vector<10240xf32>
    %slice3A = vector.extract_strided_slice %rsqrt3A {offsets = [0], sizes = [5120], strides = [1]} : vector<10240xf32> to vector<5120xf32>
    %slice3A_12 = vector.extract_strided_slice %slice3A {offsets = [0], sizes = [5000], strides = [1]} : vector<5120xf32> to vector<5000xf32>
    %broadcast_in_dim3A = vector.shape_cast %slice3A_12 : vector<5000xf32> to vector<5000x1xf32>
    %slice3A_13 = vector.extract_strided_slice %rsqrt3A {offsets = [5120], sizes = [5120], strides = [1]} : vector<10240xf32> to vector<5120xf32>
    %slice3A_14 = vector.extract_strided_slice %slice3A_13 {offsets = [0], sizes = [5000], strides = [1]} : vector<5120xf32> to vector<5000xf32>
    %broadcast_in_dim3A_15 = vector.shape_cast %slice3A_14 : vector<5000xf32> to vector<5000x1xf32>
    %broadcast_in_dim3A_16 = vector.shape_cast %broadcast_in_dim3A : vector<5000x1xf32> to vector<5000x1xf32>
    %broadcast_in_dim3A_17 = vector.broadcast %broadcast_in_dim3A_16 : vector<5000x1xf32> to vector<5000x64xf32>
    %broadcast_in_dim3A_18 = vector.shape_cast %broadcast_in_dim3A_15 : vector<5000x1xf32> to vector<5000x1xf32>
    %broadcast_in_dim3A_19 = vector.broadcast %broadcast_in_dim3A_18 : vector<5000x1xf32> to vector<5000x64xf32>
    %concatenate3A = tpu.concatenate %broadcast_in_dim3A_17, %broadcast_in_dim3A_19 in 1 : vector<5000x64xf32>, vector<5000x64xf32> -> vector<5000x128xf32>
    %get3A_20 = arith.constant 0 : index
    %get3A_21 = arith.constant 0 : index
    %get3A_22 = arith.constant 0 : index
    %get3A_23 = vector.load %arg1[%get3A_20, %get3A_21, %get3A_22] : memref<2x5120x128xf32, #tpu.memory_space<vmem>>, vector<1x5000x128xf32>
    %get3A_24 = vector.shape_cast %get3A_23 : vector<1x5000x128xf32> to vector<5000x128xf32>
    %get3A_25 = arith.constant 1 : index
    %get3A_26 = arith.constant 0 : index
    %get3A_27 = arith.constant 0 : index
    %get3A_28 = vector.load %arg1[%get3A_25, %get3A_26, %get3A_27] : memref<2x5120x128xf32, #tpu.memory_space<vmem>>, vector<1x5000x128xf32>
    %get3A_29 = vector.shape_cast %get3A_28 : vector<1x5000x128xf32> to vector<5000x128xf32>
    %add3A_30 = arith.addf %get3A_24, %get3A_29 : vector<5000x128xf32>
    %mul3A = arith.mulf %add3A_30, %concatenate3A : vector<5000x128xf32>
    %get3A_31 = arith.constant 0 : index
    %get3A_32 = arith.constant 0 : index
    %get3A_33 = vector.load %arg2[%get3A_31, %get3A_32] : memref<1x128xf32, #tpu.memory_space<vmem>>, vector<1x128xf32>
    %add3A_34 = vector.broadcast %get3A_33 : vector<1x128xf32> to vector<5000x128xf32>
    %add3A_35 = arith.addf %mul3A, %add3A_34 : vector<5000x128xf32>
    %max3A = arith.constant 0.000000e+00 : f32
    %max3A_36 = vector.broadcast %max3A : f32 to vector<5000x128xf32>
    %max3A_37 = arith.maximumf %add3A_35, %max3A_36 : vector<5000x128xf32>
    %reduce_sum3A = arith.constant dense<0.000000e+00> : vector<128xf32>
    %reduce_sum3A_38 = vector.multi_reduction <add>, %max3A_37, %reduce_sum3A [0] : vector<5000x128xf32> to vector<128xf32>
    %broadcast_in_dim3A_39 = vector.shape_cast %reduce_sum3A_38 : vector<128xf32> to vector<1x128xf32>
    %div3A = arith.constant 5.000000e+03 : f32
    %div3A_40 = vector.broadcast %div3A : f32 to vector<1x128xf32>
    %div3A_41 = arith.divf %broadcast_in_dim3A_39, %div3A_40 : vector<1x128xf32>
    %slice3A_42 = vector.extract_strided_slice %div3A_41 {offsets = [0, 0], sizes = [1, 64], strides = [1, 1]} : vector<1x128xf32> to vector<1x64xf32>
    %slice3A_43 = vector.extract_strided_slice %div3A_41 {offsets = [0, 64], sizes = [1, 64], strides = [1, 1]} : vector<1x128xf32> to vector<1x64xf32>
    %add3A_44 = arith.addf %slice3A_42, %slice3A_43 : vector<1x64xf32>
    %mul3A_45 = arith.constant 5.000000e-01 : f32
    %mul3A_46 = vector.broadcast %mul3A_45 : f32 to vector<1x64xf32>
    %mul3A_47 = arith.mulf %add3A_44, %mul3A_46 : vector<1x64xf32>
    %concatenate3A_48 = tpu.concatenate %mul3A_47, %mul3A_47 in 1 : vector<1x64xf32>, vector<1x64xf32> -> vector<1x128xf32>
    %sub3A = vector.broadcast %concatenate3A_48 : vector<1x128xf32> to vector<5000x128xf32>
    %sub3A_49 = arith.subf %max3A_37, %sub3A : vector<5000x128xf32>
    %mul3A_50 = arith.mulf %sub3A_49, %sub3A_49 : vector<5000x128xf32>
    %reduce_sum3A_51 = arith.constant dense<0.000000e+00> : vector<128xf32>
    %reduce_sum3A_52 = vector.multi_reduction <add>, %mul3A_50, %reduce_sum3A_51 [0] : vector<5000x128xf32> to vector<128xf32>
    %broadcast_in_dim3A_53 = vector.shape_cast %reduce_sum3A_52 : vector<128xf32> to vector<1x128xf32>
    %div3A_54 = arith.constant 5.000000e+03 : f32
    %div3A_55 = vector.broadcast %div3A_54 : f32 to vector<1x128xf32>
    %div3A_56 = arith.divf %broadcast_in_dim3A_53, %div3A_55 : vector<1x128xf32>
    %slice3A_57 = vector.extract_strided_slice %div3A_56 {offsets = [0, 0], sizes = [1, 64], strides = [1, 1]} : vector<1x128xf32> to vector<1x64xf32>
    %slice3A_58 = vector.extract_strided_slice %div3A_56 {offsets = [0, 64], sizes = [1, 64], strides = [1, 1]} : vector<1x128xf32> to vector<1x64xf32>
    %add3A_59 = arith.addf %slice3A_57, %slice3A_58 : vector<1x64xf32>
    %mul3A_60 = arith.constant 5.000000e-01 : f32
    %mul3A_61 = vector.broadcast %mul3A_60 : f32 to vector<1x64xf32>
    %mul3A_62 = arith.mulf %add3A_59, %mul3A_61 : vector<1x64xf32>
    %concatenate3A_63 = tpu.concatenate %mul3A_62, %mul3A_62 in 1 : vector<1x64xf32>, vector<1x64xf32> -> vector<1x128xf32>
    %add3A_64 = arith.constant 9.99999974E-6 : f32
    %add3A_65 = vector.broadcast %add3A_64 : f32 to vector<1x128xf32>
    %add3A_66 = arith.addf %concatenate3A_63, %add3A_65 : vector<1x128xf32>
    %rsqrt3A_67 = math.rsqrt %add3A_66 : vector<1x128xf32>
    %mul3A_68 = vector.broadcast %rsqrt3A_67 : vector<1x128xf32> to vector<5000x128xf32>
    %mul3A_69 = arith.mulf %sub3A_49, %mul3A_68 : vector<5000x128xf32>
    %get3A_70 = arith.constant 0 : index
    %get3A_71 = arith.constant 0 : index
    %get3A_72 = vector.load %arg3[%get3A_70, %get3A_71] : memref<1x128xf32, #tpu.memory_space<vmem>>, vector<1x128xf32>
    %mul3A_73 = vector.broadcast %get3A_72 : vector<1x128xf32> to vector<5000x128xf32>
    %mul3A_74 = arith.mulf %mul3A_69, %mul3A_73 : vector<5000x128xf32>
    %get3A_75 = arith.constant 0 : index
    %get3A_76 = arith.constant 0 : index
    %get3A_77 = vector.load %arg4[%get3A_75, %get3A_76] : memref<1x128xf32, #tpu.memory_space<vmem>>, vector<1x128xf32>
    %add3A_78 = vector.broadcast %get3A_77 : vector<1x128xf32> to vector<5000x128xf32>
    %add3A_79 = arith.addf %mul3A_74, %add3A_78 : vector<5000x128xf32>
    %slice3A_80 = vector.extract_strided_slice %add3A_79 {offsets = [0, 0], sizes = [5000, 64], strides = [1, 1]} : vector<5000x128xf32> to vector<5000x64xf32>
    %get3A_81 = arith.constant 0 : index
    %get3A_82 = arith.constant 0 : index
    %get3A_83 = vector.load %arg5[%get3A_81, %get3A_82] : memref<64x40xf32, #tpu.memory_space<vmem>>, vector<64x40xf32>
    %dot_general3A = arith.constant dense<0.000000e+00> : vector<5000x40xf32>
    %dot_general3A_84 = tpu.matmul %slice3A_80, %get3A_83, %dot_general3A {dimension_numbers = #tpu.dot_dimension_numbers<[1], [0], [0], [1], [0, 0, 1, 1], [], []>, transpose_lhs_hint = false} : vector<5000x64xf32>, vector<64x40xf32>, vector<5000x40xf32> -> vector<5000x40xf32>
    %slice3A_85 = vector.extract_strided_slice %add3A_79 {offsets = [0, 64], sizes = [5000, 64], strides = [1, 1]} : vector<5000x128xf32> to vector<5000x64xf32>
    %get3A_86 = arith.constant 0 : index
    %get3A_87 = arith.constant 0 : index
    %get3A_88 = vector.load %arg5[%get3A_86, %get3A_87] : memref<64x40xf32, #tpu.memory_space<vmem>>, vector<64x40xf32>
    %dot_general3A_89 = arith.constant dense<0.000000e+00> : vector<5000x40xf32>
    %dot_general3A_90 = tpu.matmul %slice3A_85, %get3A_88, %dot_general3A_89 {dimension_numbers = #tpu.dot_dimension_numbers<[1], [0], [0], [1], [0, 0, 1, 1], [], []>, transpose_lhs_hint = false} : vector<5000x64xf32>, vector<64x40xf32>, vector<5000x40xf32> -> vector<5000x40xf32>
    %concatenate3A_91 = tpu.concatenate %dot_general3A_84, %dot_general3A_90 in 1 : vector<5000x40xf32>, vector<5000x40xf32> -> vector<5000x80xf32>
    %get3A_92 = arith.constant 0 : index
    %get3A_93 = arith.constant 0 : index
    %get3A_94 = vector.load %arg6[%get3A_92, %get3A_93] : memref<1x80xf32, #tpu.memory_space<vmem>>, vector<1x80xf32>
    %add3A_95 = vector.broadcast %get3A_94 : vector<1x80xf32> to vector<5000x80xf32>
    %add3A_96 = arith.addf %concatenate3A_91, %add3A_95 : vector<5000x80xf32>
    %max3A_97 = arith.constant 0.000000e+00 : f32
    %max3A_98 = vector.broadcast %max3A_97 : f32 to vector<5000x80xf32>
    %max3A_99 = arith.maximumf %add3A_96, %max3A_98 : vector<5000x80xf32>
    %swap3A = arith.constant 0 : index
    %swap3A_100 = arith.constant 0 : index
    %swap3A_101 = vector.load %arg7[%swap3A, %swap3A_100] : memref<5000x80xf32, #tpu.memory_space<vmem>>, vector<5000x80xf32>
    tpu.vector_store %arg7[%swap3A, %swap3A_100], %max3A_99 {strides = array<i32>} : memref<5000x80xf32, #tpu.memory_space<vmem>>, vector<5000x80xf32>,
    return
  }
}

</mosaic_0001>

<sc_bundles>
// kernel: kernel.11.cloned.1.call-start
scs
__scs_entry_jumppad:
0x0: {  	(pc) =	sbr.rel $0x88, $3  }
0x1: {  	(tag) =	ssettag $0x0;
	lr =	simm.s32 $0x1  }
0x2: {  	[smem:$0x3F95] =	sst lr;
	_ =	strace $0xD0000000  }
0x3: {  	_ = 	snop  }
0x4: {  	_ = 	snop  }
0x5: {  	_ = 	snop  }
0x6: {  	_ = 	snop  }
0x7: {  	_ = 	snop  }
__scs_overlays_trampoline_lowered:
0x8: {  	[smem:$0x3FA4] =	sst s0  }
0x9: {  	[smem:$0x3FA5] =	sst s1  }
0xa: {  	[smem:$0x3FA6] =	sst s2  }
0xb: {  	[smem:$0x3FA7] =	sst s3  }
0xc: {  	[smem:$0x3FA8] =	sst s4  }
0xd: {  	[smem:$0x3FA9] =	sst s5  }
0xe: {  	[smem:$0x3FAA] =	sst s6  }
0xf: {  	[smem:$0x3FAB] =	sst s7  }
0x10: {  	[smem:$0x3FAC] =	sst s8  }
0x11: {  	[smem:$0x3FAD] =	sst s9;
	s0 =	simm.s32 @!p0 $0x0  }
0x12: {  	s1 =	sld [smem:$0x3F93];
	s0 =	simm.s32 @p0 $0x1  }
0x13: {  	[smem:$0x3FAE] =	sst s0;
	s0 =	simm.s32 @!p1 $0x0  }
0x14: {  	s2 =	sld [smem:$0x3F92];
	s0 =	simm.s32 @p1 $0x1  }
0x15: {  	[smem:$0x3FAF] =	sst s0;
	s0 =	simm.s32 @!p2 $0x0  }
0x16: {  	s3 =	sld [smem:$0x3FDB];
	s0 =	simm.s32 @p2 $0x1  }
0x17: {  	s4 =	simm.s32 $0x1BF5;
	[smem:$0x3FB1] =	sst s0  }
0x18: {  	s0 =	sld [smem:$0x3F94];
	_ =	swait.ge [sflag:s4], $0x0  }
0x19: {  	s7 =	sld [smem:$0x3F95]  }
0x1a: {  	s8 =	sadd.s32 $0xFFFFE003, lr  }
0x1b: {  	s9 =	sadd.s32 $0xFFFFFEF7, lr;
	s5 =	simm.s32 $0xFFFFFFFF;
	p2 =	slt.u32 s8, $0xFFFFF086  }
0x1c: {  	p1 =	slt.u32 s9, $0xF7A;
	s5 =	simm.s32 @!p2 $0x0  }
0x1d: {  	s5 =	simm.s32 @p1 $0x1;
	p0 =	seq.s32 s7, s2  }
0x1e: {  	s7 =	smul.u32 @!p0 $0xF7A, s2;
	p2 =	seq.s32 @!p0 s5, $0x0  }
0x1f: {  	s9 =	smul.u32 $0xF7A, s1;
	s8 =	simm.s32 @!p0 $0x1BF5;
	p2 =	por !p2, p0  }
0x20: {  	[sflag:s8] =	ssyncset.s32 @!p0 $0xFFFFF086;
	s6 =	sadd.s32 @!p0 s3, s7;
	s7 =	simm.s32 @!p0 $0x108  }
0x21: {  	s3 =	sadd.s32 s3, s9;
	s6 =	sadd.s32 @!p0 $0x88, s6;
	s7 =	simm.s32 @p2 $0x1082  }
0x22: {  	[simem:s7], [sflag:s8] =	dma.local @!p0 [hbm:s6], $0xF7A  }
0x23: {  	s9 =	sor.u32 $0xD0000000, s2;
	s6 =	simm.s32 $0x108;
	_ =	swait.ge @!p0 [sflag:s8], $0x0  }
0x24: {  	s3 =	sadd.s32 $0x88, s3;
	s6 =	simm.s32 @!p1 $0x1082;
	[sflag:s4] =	ssyncset.s32 $0xFFFFF086  }
0x25: {  	[simem:s6], [sflag:s4] =	dma.local [hbm:s3], $0xF7A  }
0x26: {  	[smem:$0x3F95] =	sst s1;
	(tag) =	ssettag s2;
	_ =	strace s9  }
0x27: {  	s1 =	sld [smem:$0x3FA5]  }
0x28: {  	s2 =	sld [smem:$0x3FA6]  }
0x29: {  	s4 =	sld [smem:$0x3FA8]  }
0x2a: {  	p0 =	seq.s32 s5, $0x0;
	s5 =	sld [smem:$0x3FA9]  }
0x2b: {  	s6 =	sld [smem:$0x3FAA]  }
0x2c: {  	s7 =	sld [smem:$0x3FAB]  }
0x2d: {  	s3 =	simm.s32 $0x108;
	s8 =	sld [smem:$0x3FAC]  }
0x2e: {  	s3 =	simm.s32 @!p0 $0x1082;
	s9 =	sld [smem:$0x3FAD]  }
0x2f: {  	lr =	sadd.s32 s0, s3;
	s0 =	sld [smem:$0x3FA4]  }
0x30: {  	s3 =	sld [smem:$0x3FA7]  }
0x31: {  	[smem:$0x3FB0] =	sst s10  }
0x32: {  	s10 =	sld [smem:$0x3FAE];
	_ =	sdelay $0x3  }
0x33: {  	p0 =	seq.s32 s10, $0x1;
	s10 =	sld [smem:$0x3FB0];
	_ =	sdelay $0x3  }
0x34: {  	[smem:$0x3FB0] =	sst s10  }
0x35: {  	s10 =	sld [smem:$0x3FAF];
	_ =	sdelay $0x3  }
0x36: {  	p1 =	seq.s32 s10, $0x1;
	s10 =	sld [smem:$0x3FB0];
	_ =	sdelay $0x3  }
0x37: {  	[smem:$0x3FB0] =	sst s10  }
0x38: {  	s10 =	sld [smem:$0x3FB1]  }
0x39: {  	_ = 	snop;
	(pc) =	sbr.ind lr, $3  }
0x3a: {  	_ = 	snop  }
0x3b: {  	_ = 	snop  }
0x3c: {  	p2 =	seq.s32 s10, $0x1;
	s10 =	sld [smem:$0x3FB0]  }
0x3d: {  	_ =	shalt  }
0x3e: {  	_ =	shalt  }
0x3f: {  	_ =	shalt  }
0x40: {  	_ =	shalt  }
0x41: {  	_ =	shalt  }
0x42: {  	_ =	shalt  }
0x43: {  	_ =	shalt  }
0x44: {  	_ =	shalt  }
0x45: {  	_ =	shalt  }
0x46: {  	_ =	shalt  }
0x47: {  	_ =	shalt  }
0x48: {  	_ =	shalt  }
0x49: {  	_ =	shalt  }
0x4a: {  	_ =	shalt  }
0x4b: {  	_ =	shalt  }
0x4c: {  	_ =	shalt  }
0x4d: {  	_ =	shalt  }
0x4e: {  	_ =	shalt  }
0x4f: {  	_ =	shalt  }
0x50: {  	_ =	shalt  }
0x51: {  	_ =	shalt  }
0x52: {  	_ =	shalt  }
0x53: {  	_ =	shalt  }
0x54: {  	_ =	shalt  }
0x55: {  	_ =	shalt  }
0x56: {  	_ =	shalt  }
0x57: {  	_ =	shalt  }
0x58: {  	_ =	shalt  }
0x59: {  	_ =	shalt  }
0x5a: {  	_ =	shalt  }
0x5b: {  	_ =	shalt  }
0x5c: {  	_ =	shalt  }
0x5d: {  	_ =	shalt  }
0x5e: {  	_ =	shalt  }
0x5f: {  	_ =	shalt  }
0x60: {  	_ =	shalt  }
0x61: {  	_ =	shalt  }
0x62: {  	_ =	shalt  }
0x63: {  	_ =	shalt  }
0x64: {  	_ =	shalt  }
0x65: {  	_ =	shalt  }
0x66: {  	_ =	shalt  }
0x67: {  	_ =	shalt  }
0x68: {  	_ =	shalt  }
0x69: {  	_ =	shalt  }
0x6a: {  	_ =	shalt  }
0x6b: {  	_ =	shalt  }
0x6c: {  	_ =	shalt  }
0x6d: {  	_ =	shalt  }
0x6e: {  	_ =	shalt  }
0x6f: {  	_ =	shalt  }
0x70: {  	_ =	shalt  }
0x71: {  	_ =	shalt  }
0x72: {  	_ =	shalt  }
0x73: {  	_ =	shalt  }
0x74: {  	_ =	shalt  }
0x75: {  	_ =	shalt  }
0x76: {  	_ =	shalt  }
0x77: {  	_ =	shalt  }
0x78: {  	_ =	shalt  }
0x79: {  	_ =	shalt  }
0x7a: {  	_ =	shalt  }
0x7b: {  	_ =	shalt  }
0x7c: {  	_ =	shalt  }
0x7d: {  	_ =	shalt  }
0x7e: {  	_ =	shalt  }
0x7f: {  	_ =	shalt  }
0x80: {  	_ =	shalt  }
0x81: {  	_ =	shalt  }
0x82: {  	_ =	shalt  }
0x83: {  	_ =	shalt  }
0x84: {  	_ =	shalt  }
0x85: {  	_ =	shalt  }
0x86: {  	_ =	shalt  }
0x87: {  	_ =	shalt  }
.Lfunc_end0:
.L_simem_size_0:
called_computation.1_lowered:
.L_overlay_start_0:
0x88: {  	s2 =	sld [smem:$0x3FD9]  }
0x89: {  	s3 =	sld [smem:$0x3FFE];
	_ =	sdelay $0x1  }
0x8a: {  	s1 =	srdreg.scid  }
0x8b: {  	s0 =	sand.u32 $0x1, s1  }
0x8c: {  	s16 =	sshll.u32 s0, $0xA;
	s2 =	sadd.s32 s3, s2  }
0x8d: {  	s2 =	sadd.s32 s2, s16  }
0x8e: {  	[smem:$0x3FBC] =	sst s2  }
0x8f: {  	_ = 	snop  }
0x90: {  	(tm) =	ssettm $0x1  }
0x91: {  	s17 =	sld [smem:$0x3FFB];
	_ =	sdelay $0x3  }
0x92: {  	_ =	strace s17  }
0x93: {  	s2 =	sld [smem:$0x3FFC];
	_ =	sdelay $0x3  }
0x94: {  	_ =	strace s2  }
0x95: {  	s2 =	sld [smem:$0x3FFD];
	_ =	sdelay $0x3  }
0x96: {  	_ =	strace s2  }
0x97: {  	_ =	strace $0x8FFFFFFF  }
0x98: {  	s18 =	sld [smem:$0x3FDB];
	_ =	sdelay $0x1  }
0x99: {  	s19 =	simm.s32 $_scs_section_size  }
0x9a: {  	s4 =	simm.s32 $_size__tile_overlayer_lowered;
	s5 =	simm.s32 $_tile_overlayer_lowered  }
0x9b: {  	s22 =	simm.s32 $0x1BFF;
	s21 =	sshll.u32 s5, $0x1;
	s2 =	sadd.s32 s19, s18  }
0x9c: {  	s6 =	simm.s32 $0x0;
	s20 =	sshll.u32 s4, $0x1;
	s4 =	sadd.s32 s21, s2  }
0x9d: {  	[timem:s6], [sflag:s22] =	dma.local [hbm:s4], s20  }
0x9e: {  	_ =	swait.ge [sflag:s22], s20  }
0x9f: {  	s3 =	ssub.s32 $0x0, s20;
	[sflag:s22] =	ssyncset.done $0x0  }
0xa0: {  	[sflag:s22] =	ssyncadd.s32 s3;
	_ =	sdelay $0x1  }
0xa1: {  	s23 =	simm.s32 $0x1B8B  }
0xa2: {  	_ =	swait.ge [sflag:s23], $0x1  }
0xa3: {  	[sflag:s23] =	ssyncset.done $0x0  }
0xa4: {  	s25 =	simm.s32 $0x1B8E;
	s24 =	sld [smem:$0x3FFE];
	[sflag:s23] =	ssyncadd.s32 $0xFFFFFFFF  }
0xa5: {  	s26 =	simm.s32 $execute0_lowered;
	[smem:$0x3FD2] =	sst s25  }
0xa6: {  	s4 =	sshll.u32 s26, $0x1;
	_ =	strace $0x80000049;
	[dreg:$0x1] =	wrdreg $0xFFFFFFFF  }
0xa7: {  	s28 =	simm.s32 $_size_execute0_lowered;
	s2 =	sadd.s32 s2, s4;
	[dreg:$0x0] =	wrdreg $0x0  }
0xa8: {  	s4 =	sshll.u32 s28, $0x1;
	[dreg:$0x2] =	wrdreg s2  }
0xa9: {  	[dreg:$0x3] =	wrdreg s4  }
0xaa: {  	[dreg:$0x4] =	wrdreg $0xC0  }
0xab: {  	_ =	task [dreg:s6], $0x5FFFF  }
0xac: {  	[dreg:$0x1] =	wrdreg $0xFFFFFFFF  }
0xad: {  	[dreg:$0x0] =	wrdreg $0x60  }
0xae: {  	[dreg:$0x2] =	wrdreg s24  }
0xaf: {  	[dreg:$0x3] =	wrdreg $0x148200  }
0xb0: {  	[dreg:$0x4] =	wrdreg $0x9  }
0xb1: {  	_ =	task.clear_ibuf [dreg:s6], $0x5FFFF;
	_ =	strace $0x90000049  }
0xb2: {  	s29 =	simm.s32 $0x9;
	_ =	strace $0x8000004B  }
0xb3: {  	_ =	swait.ge [sflag:s29], $0x1  }
0xb4: {  	[sflag:s29] =	ssyncadd.s32 $0xFFFFFFFF  }
0xb5: {  	_ =	strace $0x9000004B  }
0xb6: {  	_ =	sfence  }
0xb7: {  	s30 =	sld [smem:$0x0];
	_ =	sdelay $0x2  }
0xb8: {  	s31 =	sshll.u32 s1, $0xD;
	s1 =	sshrl.u32 s1, $0x2  }
0xb9: {  	s3 =	sand.u32 $0x4000, s31;
	s1 =	sadd.s32 s1, s30  }
0xba: {  	s0 =	sor.u32 s3, s0;
	s1 =	sshll.u32 s1, $0x11  }
0xbb: {  	s0 =	sor.u32 s1, s0  }
0xbc: {  	s0 =	sadd.s32 $0x8F2B, s0  }
0xbd: {  	[sflag:s0] =	ssyncadd.remote.s32 $0x1  }
0xbe: {  	_ =	sfence.sel $0xFFFF  }
0xbf: {  	[dreg:$0x0] =	wrdreg $0xFFFFFFFF;
	(pc) =	sbr.abs _section_cstart, $3  }
0xc0: {  	[dreg:$0x1] =	wrdreg $0xFFFFFFFF  }
0xc1: {  	_ =	task.clear_ibuf [dreg:s6], $0x2FFFF;
	_ =	strace $0x9FFFFFFF  }
0xc2: {  	(tm) =	ssettm $0x7FFFFFFF  }
0xc3: {  	_ =	shalt  }
tec
execute0_lowered:
.L_overlay_start_1:
0x0: {  	(tag) =	ssettag $0x1  }
0x1: {  	s0 =	srdreg.scid;
	s5 =	rddreg [dreg:$0x0]  }
0x2: {  	s12 =	stileid.u32;
	s2 =	rddreg [dreg:$0x1];
	s3 =	simm.s32 $0x0  }
0x3: {  	s14 =	simm.s32 $0xC8;
	s15 =	simm.s32 $0x4E20;
	s16 =	simm.s32 $0x8020  }
0x4: {  	s18 =	simm.s32 $0xB220;
	s20 =	simm.s32 $0xE420;
	s22 =	simm.s32 $0x11620  }
0x5: {  	s23 =	simm.s32 $0x1;
	s28 =	simm.s32 $0x5;
	s29 =	simm.s32 $0x6  }
0x6: {  	s30 =	simm.s32 $0x7;
	s31 =	simm.s32 $0x8;
	s17 =	simm.s32 $0x0  }
0x7: {  	s0 =	sand.u32 $0x1, s0;
	s7 =	smul.u32 $0xA000, s12;
	[smem:$0x7FF] =	sst s3  }
0x8: {  	s4 =	sadd.s32 $0x17000, s5;
	s10 =	sadd.s32 $0x2B000, s5;
	s26 =	sshll.u32 s12, $0x6  }
0x9: {  	s1 =	sshll.u32 s0, $0x4;
	s6 =	smul.u32 $0xA0000, s0;
	_ =	strace $0x8000004A  }
0xa: {  	s8 =	ssub.s32 $0x2, s0;
	p0 =	seq.s32 s0, $0x0;
	s0 =	simm.s32 $0xA  }
0xb: {  	s1 =	sor.u32 s12, s1;
	s9 =	sshrl.u32 s8, $0x1;
	s24 =	sadd.s32 s7, s2  }
0xc: {  	s25 =	sshrl.u32 s7, $0x3;
	s10 =	smov.u32 @p0 s4;
	s12 =	sor.u32 $0x1C0B, s26  }
0xd: {  	s26 =	simm.s32 $0x4;
	s1 =	smul.u32 $0x2710, s1;
	s6 =	sadd.s32 s7, s6  }
0xe: {  	s8 =	ssub.s32 s8, s9;
	s9 =	sadd.s32 s10, s25;
	s10 =	simm.s32 $0xB  }
0xf: {  	s13 =	sshrl.u32 s24, $0x3;
	s24 =	simm.s32 $0x2;
	s6 =	sshrl.u32 s6, $0x3  }
0x10: {  	s25 =	simm.s32 $0x3;
	s1 =	sshrl.u32 s1, $0x3;
	s11 =	sadd.s32 s6, s5  }
0x11: {  	s8 =	smax.u32 s8, $0x1;
	s1 =	sadd.s32 s1, s5;
	s7 =	sadd.s32 $0x3F000, s11  }
0x12: {  	s5 =	sadd.s32 $0x3600, s1;
	s6 =	sadd.s32 $0xD240, s1;
	s1 =	simm.s32 $0x9  }
.LBB2_1:
0x13: {  	[tilespmem:s3], [sflag:$0xB] =	stream.linear.gather [hbm4b:s5+s3], $0x2710, $0x38;
	[tilespmem:$0x1E820] =	vst v63  }
0x14: {  	_ =	swait.ge [sflag:s10], $0x2710  }
0x15: {  	[sflag:s10] =	ssyncset.done $0x0  }
0x16: {  	s11 =	simm.s32 $0x2710;
	[sflag:s10] =	ssyncadd.s32 $0xFFFFD8F0  }
0x17: {  	[tilespmem:s11], [sflag:$0xB] =	stream.linear.gather [hbm4b:s6+s3], $0x2710, $0x38;
	[tilespmem:$0x1E820] =	vst v63  }
0x18: {  	_ =	swait.ge [sflag:s10], $0x2710  }
0x19: {  	[sflag:s10] =	ssyncset.done $0x0  }
0x1a: {  	[sflag:s10] =	ssyncadd.s32 $0xFFFFD8F0  }
0x1b: {  	[spmem:s13], [sflag:s12] =	dma.local [hbm:s9], $0x1400  }
0x1c: {  	_ =	swait.ge [sflag:s10], $0x1400  }
0x1d: {  	[sflag:s10] =	ssyncset.done $0x0  }
0x1e: {  	[sflag:s10] =	ssyncadd.s32 $0xFFFFEC00  }
0x1f: {  	[bflag:$0x0] =	sbarrier.arrive $0xFFFF  }
0x20: {  	[tilespmem:s15], [sflag:$0x1] =	stream.indirect.gather [hbm4b:s4+s14], $0x40, s3, s14, $0xb8;
	[tilespmem:$0x1E820] =	vst v63  }
0x21: {  	_ = 	snop  }
0x22: {  	[tilespmem:s16], [sflag:$0x2] =	stream.indirect.gather [hbm4b:s4+s14], $0x40, s14, s14, $0xb8;
	[tilespmem:$0x1E820] =	vst v63  }
0x23: {  	s21 =	simm.s32 $0x190  }
0x24: {  	[tilespmem:s18], [sflag:$0x3] =	stream.indirect.gather [hbm4b:s4+s14], $0x40, s21, s14, $0xb8;
	[tilespmem:$0x1E820] =	vst v63  }
0x25: {  	s19 =	simm.s32 $0x258  }
0x26: {  	[tilespmem:s20], [sflag:$0x4] =	stream.indirect.gather [hbm4b:s4+s14], $0x40, s19, s14, $0xb8;
	[tilespmem:$0x1E820] =	vst v63  }
0x27: {  	s21 =	simm.s32 $0x320  }
0x28: {  	[tilespmem:s22], [sflag:$0x5] =	stream.indirect.gather [hbm4b:s4+s14], $0x40, s21, s14, $0xb8;
	[tilespmem:$0x1E820] =	vst v63  }
0x29: {  	_ =	swait.ge [sflag:s23], $0x3200  }
0x2a: {  	[sflag:s23] =	ssyncset.done $0x0  }
0x2b: {  	s19 =	simm.s32 $0x2710;
	[sflag:s23] =	ssyncadd.s32 $0xFFFFCE00  }
0x2c: {  	[spmem:s2] =	stream.indirect.scatter.add.f32 [tilespmem:s15], [sflag:$0x6], $0x40, s19, s14, $0xb8;
	[tilespmem:$0x1E820] =	vst v63  }
0x2d: {  	_ =	swait.ge [sflag:s24], $0x3200  }
0x2e: {  	[sflag:s24] =	ssyncset.done $0x0  }
0x2f: {  	s11 =	simm.s32 $0x27D8;
	[sflag:s24] =	ssyncadd.s32 $0xFFFFCE00  }
0x30: {  	[spmem:s2] =	stream.indirect.scatter.add.f32 [tilespmem:s16], [sflag:$0x7], $0x40, s11, s14, $0xb8;
	[tilespmem:$0x1E820] =	vst v63  }
0x31: {  	_ =	swait.ge [sflag:s25], $0x3200  }
0x32: {  	[sflag:s25] =	ssyncset.done $0x0  }
0x33: {  	s21 =	simm.s32 $0x28A0;
	[sflag:s25] =	ssyncadd.s32 $0xFFFFCE00  }
0x34: {  	[spmem:s2] =	stream.indirect.scatter.add.f32 [tilespmem:s18], [sflag:$0x8], $0x40, s21, s14, $0xb8;
	[tilespmem:$0x1E820] =	vst v63  }
0x35: {  	_ =	swait.ge [sflag:s26], $0x3200  }
0x36: {  	[sflag:s26] =	ssyncset.done $0x0  }
0x37: {  	s11 =	simm.s32 $0x2968;
	[sflag:s26] =	ssyncadd.s32 $0xFFFFCE00  }
0x38: {  	[spmem:s2] =	stream.indirect.scatter.add.f32 [tilespmem:s20], [sflag:$0x9], $0x40, s11, s14, $0xb8;
	[tilespmem:$0x1E820] =	vst v63  }
0x39: {  	_ =	swait.ge [sflag:s28], $0x3200  }
0x3a: {  	[sflag:s28] =	ssyncset.done $0x0  }
0x3b: {  	s21 =	simm.s32 $0x2A30;
	[sflag:s28] =	ssyncadd.s32 $0xFFFFCE00  }
0x3c: {  	[spmem:s2] =	stream.indirect.scatter.add.f32 [tilespmem:s22], [sflag:$0xA], $0x40, s21, s14, $0xb8;
	[tilespmem:$0x1E820] =	vst v63  }
0x3d: {  	_ =	swait.ge [sflag:s29], $0x3200  }
0x3e: {  	[sflag:s29] =	ssyncset.done $0x0  }
0x3f: {  	s11 =	simm.s32 $0x3E8;
	[sflag:s29] =	ssyncadd.s32 $0xFFFFCE00  }
0x40: {  	[tilespmem:s15], [sflag:$0x1] =	stream.indirect.gather [hbm4b:s4+s14], $0x40, s11, s14, $0xb8;
	[tilespmem:$0x1E820] =	vst v63  }
0x41: {  	_ =	swait.ge [sflag:s30], $0x3200  }
0x42: {  	[sflag:s30] =	ssyncset.done $0x0  }
0x43: {  	s21 =	simm.s32 $0x4B0;
	[sflag:s30] =	ssyncadd.s32 $0xFFFFCE00  }
0x44: {  	[tilespmem:s16], [sflag:$0x2] =	stream.indirect.gather [hbm4b:s4+s14], $0x40, s21, s14, $0xb8;
	[tilespmem:$0x1E820] =	vst v63  }
0x45: {  	_ =	swait.ge [sflag:s31], $0x3200  }
0x46: {  	[sflag:s31] =	ssyncset.done $0x0  }
0x47: {  	s11 =	simm.s32 $0x578;
	[sflag:s31] =	ssyncadd.s32 $0xFFFFCE00  }
0x48: {  	[tilespmem:s18], [sflag:$0x3] =	stream.indirect.gather [hbm4b:s4+s14], $0x40, s11, s14, $0xb8;
	[tilespmem:$0x1E820] =	vst v63  }
0x49: {  	_ =	swait.ge [sflag:s1], $0x3200  }
0x4a: {  	[sflag:s1] =	ssyncset.done $0x0  }
0x4b: {  	s21 =	simm.s32 $0x640;
	[sflag:s1] =	ssyncadd.s32 $0xFFFFCE00  }
0x4c: {  	[tilespmem:s20], [sflag:$0x4] =	stream.indirect.gather [hbm4b:s4+s14], $0x40, s21, s14, $0xb8;
	[tilespmem:$0x1E820] =	vst v63  }
0x4d: {  	_ =	swait.ge [sflag:s0], $0x3200  }
0x4e: {  	[sflag:s0] =	ssyncset.done $0x0  }
0x4f: {  	s19 =	simm.s32 $0xFA0;
	s21 =	simm.s32 $0x708;
	[sflag:s0] =	ssyncadd.s32 $0xFFFFCE00  }
.LBB2_2:
0x50: {  	[tilespmem:s22], [sflag:$0x5] =	stream.indirect.gather [hbm4b:s4+s14], $0x40, s21, s14, $0xb8;
	[tilespmem:$0x1E820] =	vst v63  }
0x51: {  	s21 =	smov.u32 s19  }
0x52: {  	p0 =	sne.s32 s19, $0x7D00;
	s19 =	sadd.s32 $0xFA0, s19;
	_ =	swait.ge [sflag:s23], $0x3200  }
0x53: {  	s21 =	sshra.s32 s21, $0x2;
	[sflag:s23] =	ssyncset.done $0x0  }
0x54: {  	s11 =	sadd.s32 $0x2710, s21;
	[sflag:s23] =	ssyncadd.s32 $0xFFFFCE00  }
0x55: {  	[spmem:s2] =	stream.indirect.scatter.add.f32 [tilespmem:s15], [sflag:$0x6], $0x40, s11, s14, $0xb8;
	[tilespmem:$0x1E820] =	vst v63  }
0x56: {  	_ =	swait.ge [sflag:s24], $0x3200  }
0x57: {  	[sflag:s24] =	ssyncset.done $0x0  }
0x58: {  	s11 =	sadd.s32 $0x27D8, s21;
	[sflag:s24] =	ssyncadd.s32 $0xFFFFCE00  }
0x59: {  	[spmem:s2] =	stream.indirect.scatter.add.f32 [tilespmem:s16], [sflag:$0x7], $0x40, s11, s14, $0xb8;
	[tilespmem:$0x1E820] =	vst v63  }
0x5a: {  	_ =	swait.ge [sflag:s25], $0x3200  }
0x5b: {  	[sflag:s25] =	ssyncset.done $0x0  }
0x5c: {  	s11 =	sadd.s32 $0x28A0, s21;
	[sflag:s25] =	ssyncadd.s32 $0xFFFFCE00  }
0x5d: {  	[spmem:s2] =	stream.indirect.scatter.add.f32 [tilespmem:s18], [sflag:$0x8], $0x40, s11, s14, $0xb8;
	[tilespmem:$0x1E820] =	vst v63  }
0x5e: {  	_ =	swait.ge [sflag:s26], $0x3200  }
0x5f: {  	[sflag:s26] =	ssyncset.done $0x0  }
0x60: {  	s11 =	sadd.s32 $0x2968, s21;
	[sflag:s26] =	ssyncadd.s32 $0xFFFFCE00  }
0x61: {  	[spmem:s2] =	stream.indirect.scatter.add.f32 [tilespmem:s20], [sflag:$0x9], $0x40, s11, s14, $0xb8;
	[tilespmem:$0x1E820] =	vst v63  }
0x62: {  	_ =	swait.ge [sflag:s28], $0x3200  }
0x63: {  	[sflag:s28] =	ssyncset.done $0x0  }
0x64: {  	s11 =	sadd.s32 $0x2A30, s21;
	[sflag:s28] =	ssyncadd.s32 $0xFFFFCE00  }
0x65: {  	[spmem:s2] =	stream.indirect.scatter.add.f32 [tilespmem:s22], [sflag:$0xA], $0x40, s11, s14, $0xb8;
	[tilespmem:$0x1E820] =	vst v63  }
0x66: {  	_ =	swait.ge [sflag:s29], $0x3200  }
0x67: {  	[sflag:s29] =	ssyncset.done $0x0  }
0x68: {  	s11 =	sadd.s32 $0x3E8, s21;
	[sflag:s29] =	ssyncadd.s32 $0xFFFFCE00  }
0x69: {  	[tilespmem:s15], [sflag:$0x1] =	stream.indirect.gather [hbm4b:s4+s14], $0x40, s11, s14, $0xb8;
	[tilespmem:$0x1E820] =	vst v63  }
0x6a: {  	_ =	swait.ge [sflag:s30], $0x3200  }
0x6b: {  	[sflag:s30] =	ssyncset.done $0x0  }
0x6c: {  	s11 =	sadd.s32 $0x4B0, s21;
	[sflag:s30] =	ssyncadd.s32 $0xFFFFCE00  }
0x6d: {  	[tilespmem:s16], [sflag:$0x2] =	stream.indirect.gather [hbm4b:s4+s14], $0x40, s11, s14, $0xb8;
	[tilespmem:$0x1E820] =	vst v63  }
0x6e: {  	_ =	swait.ge [sflag:s31], $0x3200  }
0x6f: {  	[sflag:s31] =	ssyncset.done $0x0  }
0x70: {  	s11 =	sadd.s32 $0x578, s21;
	[sflag:s31] =	ssyncadd.s32 $0xFFFFCE00  }
0x71: {  	[tilespmem:s18], [sflag:$0x3] =	stream.indirect.gather [hbm4b:s4+s14], $0x40, s11, s14, $0xb8;
	[tilespmem:$0x1E820] =	vst v63  }
0x72: {  	_ =	swait.ge [sflag:s1], $0x3200  }
0x73: {  	[sflag:s1] =	ssyncset.done $0x0  }
.Ltmp0:
0x74: {  	s11 =	sadd.s32 $0x640, s21;
	[sflag:s1] =	ssyncadd.s32 $0xFFFFCE00;
	(pc) =	sbr.rel @p0 .LBB2_2-.Ltmp0, $4  }
0x75: {  	[tilespmem:s20], [sflag:$0x4] =	stream.indirect.gather [hbm4b:s4+s14], $0x40, s11, s14, $0xb8;
	[tilespmem:$0x1E820] =	vst v63  }
0x76: {  	_ =	swait.ge [sflag:s0], $0x3200  }
0x77: {  	[sflag:s0] =	ssyncset.done $0x0  }
0x78: {  	s21 =	sadd.s32 $0x708, s21;
	[sflag:s0] =	ssyncadd.s32 $0xFFFFCE00  }
0x79: {  	[tilespmem:s22], [sflag:$0x5] =	stream.indirect.gather [hbm4b:s4+s14], $0x40, s21, s14, $0xb8;
	[tilespmem:$0x1E820] =	vst v63  }
0x7a: {  	_ =	swait.ge [sflag:s23], $0x3200  }
0x7b: {  	[sflag:s23] =	ssyncset.done $0x0  }
0x7c: {  	s11 =	simm.s32 $0x4A38;
	[sflag:s23] =	ssyncadd.s32 $0xFFFFCE00  }
0x7d: {  	[spmem:s2] =	stream.indirect.scatter.add.f32 [tilespmem:s15], [sflag:$0x6], $0x40, s11, s14, $0xb8;
	[tilespmem:$0x1E820] =	vst v63  }
0x7e: {  	_ =	swait.ge [sflag:s24], $0x3200  }
0x7f: {  	[sflag:s24] =	ssyncset.done $0x0  }
0x80: {  	s19 =	simm.s32 $0x4B00;
	[sflag:s24] =	ssyncadd.s32 $0xFFFFCE00  }
0x81: {  	[spmem:s2] =	stream.indirect.scatter.add.f32 [tilespmem:s16], [sflag:$0x7], $0x40, s19, s14, $0xb8;
	[tilespmem:$0x1E820] =	vst v63  }
0x82: {  	_ =	swait.ge [sflag:s25], $0x3200  }
0x83: {  	[sflag:s25] =	ssyncset.done $0x0  }
0x84: {  	s21 =	simm.s32 $0x4BC8;
	[sflag:s25] =	ssyncadd.s32 $0xFFFFCE00  }
0x85: {  	[spmem:s2] =	stream.indirect.scatter.add.f32 [tilespmem:s18], [sflag:$0x8], $0x40, s21, s14, $0xb8;
	[tilespmem:$0x1E820] =	vst v63  }
0x86: {  	_ =	swait.ge [sflag:s26], $0x3200  }
0x87: {  	[sflag:s26] =	ssyncset.done $0x0  }
0x88: {  	s19 =	simm.s32 $0x4C90;
	[sflag:s26] =	ssyncadd.s32 $0xFFFFCE00  }
0x89: {  	[spmem:s2] =	stream.indirect.scatter.add.f32 [tilespmem:s20], [sflag:$0x9], $0x40, s19, s14, $0xb8;
	[tilespmem:$0x1E820] =	vst v63  }
0x8a: {  	_ =	swait.ge [sflag:s28], $0x3200  }
0x8b: {  	[sflag:s28] =	ssyncset.done $0x0  }
0x8c: {  	s21 =	simm.s32 $0x4D58;
	[sflag:s28] =	ssyncadd.s32 $0xFFFFCE00  }
0x8d: {  	[spmem:s2] =	stream.indirect.scatter.add.f32 [tilespmem:s22], [sflag:$0xA], $0x40, s21, s14, $0xb8;
	[tilespmem:$0x1E820] =	vst v63  }
0x8e: {  	_ =	swait.ge [sflag:s29], $0x3200  }
0x8f: {  	[sflag:s29] =	ssyncset.done $0x0  }
0x90: {  	[sflag:s29] =	ssyncadd.s32 $0xFFFFCE00  }
0x91: {  	_ =	swait.ge [sflag:s30], $0x3200  }
0x92: {  	[sflag:s30] =	ssyncset.done $0x0  }
0x93: {  	[sflag:s30] =	ssyncadd.s32 $0xFFFFCE00  }
0x94: {  	_ =	swait.ge [sflag:s31], $0x3200  }
0x95: {  	[sflag:s31] =	ssyncset.done $0x0  }
0x96: {  	[sflag:s31] =	ssyncadd.s32 $0xFFFFCE00  }
0x97: {  	_ =	swait.ge [sflag:s1], $0x3200  }
0x98: {  	[sflag:s1] =	ssyncset.done $0x0  }
0x99: {  	[sflag:s1] =	ssyncadd.s32 $0xFFFFCE00  }
0x9a: {  	_ =	swait.ge [sflag:s0], $0x3200  }
0x9b: {  	s17 =	sadd.s32 $0x1, s17;
	[sflag:s0] =	ssyncset.done $0x0  }
0x9c: {  	p0 =	sne.s32 s17, s8;
	[sflag:s0] =	ssyncadd.s32 $0xFFFFCE00  }
.Ltmp1:
0x9d: {  	[bflag:$0x0] =	sbarrier.arrive $0xFFFF;
	(pc) =	sbr.rel @p0 .LBB2_1-.Ltmp1, $4  }
0x9e: {  	[hbm:s7], [sflag:s12] =	dma.local [spmem:s13], $0x1400  }
0x9f: {  	_ =	swait.ge [sflag:s10], $0x1400  }
0xa0: {  	[sflag:s10] =	ssyncset.done $0x0  }
0xa1: {  	[sflag:s10] =	ssyncadd.s32 $0xFFFFEC00  }
0xa2: {  	_ =	sfence.sel $0x180000  }
0xa3: {  	[bflag:$0x0] =	sbarrier.arrive $0xFFFF  }
0xa4: {  	_ =	strace $0x9000004A  }
0xa5: {  	s0 =	stileid.u32;
	[bflag:$0x2] =	sbarrier.arrive $0xFFFF  }
0xa6: {  	p0 =	sne.s32 s0, $0x0;
	s0 =	rddreg [dreg:$0x2]  }
0xa7: {  	s0 =	sadd.s32 @!p0 $0x100000, s0  }
0xa8: {  	[sflag:s0] =	ssyncadd.tile.s32 @!p0 $0x1;
	_ =	shalt  }
.Lfunc_end2:
_tile_overlayer_lowered:
.L_overlay_start_2:
0xa9: {  	(tag) =	ssettag $0x2  }
0xaa: {  	s0 =	rddreg [dreg:$0x0];
	s2 =	stileid.u32  }
0xab: {  	s1 =	rddreg [dreg:$0x1];
	p0 =	sne.s32 s2, $0x0  }
0xac: {  	s3 =	rddreg [dreg:$0x2];
	[bflag:$0x3] =	sbarrier.arrive $0xFFFF;
	s2 =	simm.s32 @!p0 $0x1C0B  }
0xad: {  	[timem:s3], [sflag:s2] =	dma.local @!p0 [hbm:s0], s1  }
0xae: {  	s0 =	simm.s32 @!p0 $0xB  }
0xaf: {  	_ =	swait.ge @!p0 [sflag:s0], s1  }
0xb0: {  	s1 =	ssub.s32 @!p0 $0x0, s1;
	[sflag:s0] =	ssyncset.done @!p0 $0x0  }
0xb1: {  	[sflag:s0] =	ssyncadd.s32 @!p0 s1  }
0xb2: {  	[bflag:$0x3] =	sbarrier.arrive $0xFFFF  }
0xb3: {  	_ =	shalt  }

// kernel: kernel.14.cloned.1.call-start
scs
__scs_entry_jumppad:
0x0: {  	(pc) =	sbr.rel $0x88, $3  }
0x1: {  	(tag) =	ssettag $0x0;
	lr =	simm.s32 $0x1  }
0x2: {  	[smem:$0x3F95] =	sst lr;
	_ =	strace $0xD0000000  }
0x3: {  	_ = 	snop  }
0x4: {  	_ = 	snop  }
0x5: {  	_ = 	snop  }
0x6: {  	_ = 	snop  }
0x7: {  	_ = 	snop  }
__scs_overlays_trampoline_lowered:
0x8: {  	[smem:$0x3FA4] =	sst s0  }
0x9: {  	[smem:$0x3FA5] =	sst s1  }
0xa: {  	[smem:$0x3FA6] =	sst s2  }
0xb: {  	[smem:$0x3FA7] =	sst s3  }
0xc: {  	[smem:$0x3FA8] =	sst s4  }
0xd: {  	[smem:$0x3FA9] =	sst s5  }
0xe: {  	[smem:$0x3FAA] =	sst s6  }
0xf: {  	[smem:$0x3FAB] =	sst s7  }
0x10: {  	[smem:$0x3FAC] =	sst s8  }
0x11: {  	[smem:$0x3FAD] =	sst s9;
	s0 =	simm.s32 @!p0 $0x0  }
0x12: {  	s1 =	sld [smem:$0x3F93];
	s0 =	simm.s32 @p0 $0x1  }
0x13: {  	[smem:$0x3FAE] =	sst s0;
	s0 =	simm.s32 @!p1 $0x0  }
0x14: {  	s2 =	sld [smem:$0x3F92];
	s0 =	simm.s32 @p1 $0x1  }
0x15: {  	[smem:$0x3FAF] =	sst s0;
	s0 =	simm.s32 @!p2 $0x0  }
0x16: {  	s3 =	sld [smem:$0x3FDB];
	s0 =	simm.s32 @p2 $0x1  }
0x17: {  	s4 =	simm.s32 $0x1BF5;
	[smem:$0x3FB1] =	sst s0  }
0x18: {  	s0 =	sld [smem:$0x3F94];
	_ =	swait.ge [sflag:s4], $0x0  }
0x19: {  	s7 =	sld [smem:$0x3F95]  }
0x1a: {  	s8 =	sadd.s32 $0xFFFFE003, lr  }
0x1b: {  	s9 =	sadd.s32 $0xFFFFFEF7, lr;
	s5 =	simm.s32 $0xFFFFFFFF;
	p2 =	slt.u32 s8, $0xFFFFF086  }
0x1c: {  	p1 =	slt.u32 s9, $0xF7A;
	s5 =	simm.s32 @!p2 $0x0  }
0x1d: {  	s5 =	simm.s32 @p1 $0x1;
	p0 =	seq.s32 s7, s2  }
0x1e: {  	s7 =	smul.u32 @!p0 $0xF7A, s2;
	p2 =	seq.s32 @!p0 s5, $0x0  }
0x1f: {  	s9 =	smul.u32 $0xF7A, s1;
	s8 =	simm.s32 @!p0 $0x1BF5;
	p2 =	por !p2, p0  }
0x20: {  	[sflag:s8] =	ssyncset.s32 @!p0 $0xFFFFF086;
	s6 =	sadd.s32 @!p0 s3, s7;
	s7 =	simm.s32 @!p0 $0x108  }
0x21: {  	s3 =	sadd.s32 s3, s9;
	s6 =	sadd.s32 @!p0 $0x88, s6;
	s7 =	simm.s32 @p2 $0x1082  }
0x22: {  	[simem:s7], [sflag:s8] =	dma.local @!p0 [hbm:s6], $0xF7A  }
0x23: {  	s9 =	sor.u32 $0xD0000000, s2;
	s6 =	simm.s32 $0x108;
	_ =	swait.ge @!p0 [sflag:s8], $0x0  }
0x24: {  	s3 =	sadd.s32 $0x88, s3;
	s6 =	simm.s32 @!p1 $0x1082;
	[sflag:s4] =	ssyncset.s32 $0xFFFFF086  }
0x25: {  	[simem:s6], [sflag:s4] =	dma.local [hbm:s3], $0xF7A  }
0x26: {  	[smem:$0x3F95] =	sst s1;
	(tag) =	ssettag s2;
	_ =	strace s9  }
0x27: {  	s1 =	sld [smem:$0x3FA5]  }
0x28: {  	s2 =	sld [smem:$0x3FA6]  }
0x29: {  	s4 =	sld [smem:$0x3FA8]  }
0x2a: {  	p0 =	seq.s32 s5, $0x0;
	s5 =	sld [smem:$0x3FA9]  }
0x2b: {  	s6 =	sld [smem:$0x3FAA]  }
0x2c: {  	s7 =	sld [smem:$0x3FAB]  }
0x2d: {  	s3 =	simm.s32 $0x108;
	s8 =	sld [smem:$0x3FAC]  }
0x2e: {  	s3 =	simm.s32 @!p0 $0x1082;
	s9 =	sld [smem:$0x3FAD]  }
0x2f: {  	lr =	sadd.s32 s0, s3;
	s0 =	sld [smem:$0x3FA4]  }
0x30: {  	s3 =	sld [smem:$0x3FA7]  }
0x31: {  	[smem:$0x3FB0] =	sst s10  }
0x32: {  	s10 =	sld [smem:$0x3FAE];
	_ =	sdelay $0x3  }
0x33: {  	p0 =	seq.s32 s10, $0x1;
	s10 =	sld [smem:$0x3FB0];
	_ =	sdelay $0x3  }
0x34: {  	[smem:$0x3FB0] =	sst s10  }
0x35: {  	s10 =	sld [smem:$0x3FAF];
	_ =	sdelay $0x3  }
0x36: {  	p1 =	seq.s32 s10, $0x1;
	s10 =	sld [smem:$0x3FB0];
	_ =	sdelay $0x3  }
0x37: {  	[smem:$0x3FB0] =	sst s10  }
0x38: {  	s10 =	sld [smem:$0x3FB1]  }
0x39: {  	_ = 	snop;
	(pc) =	sbr.ind lr, $3  }
0x3a: {  	_ = 	snop  }
0x3b: {  	_ = 	snop  }
0x3c: {  	p2 =	seq.s32 s10, $0x1;
	s10 =	sld [smem:$0x3FB0]  }
0x3d: {  	_ =	shalt  }
0x3e: {  	_ =	shalt  }
0x3f: {  	_ =	shalt  }
0x40: {  	_ =	shalt  }
0x41: {  	_ =	shalt  }
0x42: {  	_ =	shalt  }
0x43: {  	_ =	shalt  }
0x44: {  	_ =	shalt  }
0x45: {  	_ =	shalt  }
0x46: {  	_ =	shalt  }
0x47: {  	_ =	shalt  }
0x48: {  	_ =	shalt  }
0x49: {  	_ =	shalt  }
0x4a: {  	_ =	shalt  }
0x4b: {  	_ =	shalt  }
0x4c: {  	_ =	shalt  }
0x4d: {  	_ =	shalt  }
0x4e: {  	_ =	shalt  }
0x4f: {  	_ =	shalt  }
0x50: {  	_ =	shalt  }
0x51: {  	_ =	shalt  }
0x52: {  	_ =	shalt  }
0x53: {  	_ =	shalt  }
0x54: {  	_ =	shalt  }
0x55: {  	_ =	shalt  }
0x56: {  	_ =	shalt  }
0x57: {  	_ =	shalt  }
0x58: {  	_ =	shalt  }
0x59: {  	_ =	shalt  }
0x5a: {  	_ =	shalt  }
0x5b: {  	_ =	shalt  }
0x5c: {  	_ =	shalt  }
0x5d: {  	_ =	shalt  }
0x5e: {  	_ =	shalt  }
0x5f: {  	_ =	shalt  }
0x60: {  	_ =	shalt  }
0x61: {  	_ =	shalt  }
0x62: {  	_ =	shalt  }
0x63: {  	_ =	shalt  }
0x64: {  	_ =	shalt  }
0x65: {  	_ =	shalt  }
0x66: {  	_ =	shalt  }
0x67: {  	_ =	shalt  }
0x68: {  	_ =	shalt  }
0x69: {  	_ =	shalt  }
0x6a: {  	_ =	shalt  }
0x6b: {  	_ =	shalt  }
0x6c: {  	_ =	shalt  }
0x6d: {  	_ =	shalt  }
0x6e: {  	_ =	shalt  }
0x6f: {  	_ =	shalt  }
0x70: {  	_ =	shalt  }
0x71: {  	_ =	shalt  }
0x72: {  	_ =	shalt  }
0x73: {  	_ =	shalt  }
0x74: {  	_ =	shalt  }
0x75: {  	_ =	shalt  }
0x76: {  	_ =	shalt  }
0x77: {  	_ =	shalt  }
0x78: {  	_ =	shalt  }
0x79: {  	_ =	shalt  }
0x7a: {  	_ =	shalt  }
0x7b: {  	_ =	shalt  }
0x7c: {  	_ =	shalt  }
0x7d: {  	_ =	shalt  }
0x7e: {  	_ =	shalt  }
0x7f: {  	_ =	shalt  }
0x80: {  	_ =	shalt  }
0x81: {  	_ =	shalt  }
0x82: {  	_ =	shalt  }
0x83: {  	_ =	shalt  }
0x84: {  	_ =	shalt  }
0x85: {  	_ =	shalt  }
0x86: {  	_ =	shalt  }
0x87: {  	_ =	shalt  }
.Lfunc_end0:
.L_simem_size_0:
called_computation.2_lowered:
.L_overlay_start_0:
0x88: {  	s2 =	sld [smem:$0x3FD9]  }
0x89: {  	s3 =	sld [smem:$0x3FFE];
	_ =	sdelay $0x1  }
0x8a: {  	s1 =	srdreg.scid  }
0x8b: {  	s0 =	sand.u32 $0x1, s1  }
0x8c: {  	s16 =	sshll.u32 s0, $0xA;
	s2 =	sadd.s32 s3, s2  }
0x8d: {  	s2 =	sadd.s32 s2, s16  }
0x8e: {  	[smem:$0x3FBC] =	sst s2  }
0x8f: {  	_ = 	snop  }
0x90: {  	(tm) =	ssettm $0x1  }
0x91: {  	s17 =	sld [smem:$0x3FFB];
	_ =	sdelay $0x3  }
0x92: {  	_ =	strace s17  }
0x93: {  	s2 =	sld [smem:$0x3FFC];
	_ =	sdelay $0x3  }
0x94: {  	_ =	strace s2  }
0x95: {  	s2 =	sld [smem:$0x3FFD];
	_ =	sdelay $0x3  }
0x96: {  	_ =	strace s2  }
0x97: {  	_ =	strace $0x8FFFFFFF  }
0x98: {  	s18 =	sld [smem:$0x3FDB];
	_ =	sdelay $0x1  }
0x99: {  	s19 =	simm.s32 $_scs_section_size  }
0x9a: {  	s4 =	simm.s32 $_size__tile_overlayer_lowered;
	s5 =	simm.s32 $_tile_overlayer_lowered  }
0x9b: {  	s22 =	simm.s32 $0x1BFF;
	s21 =	sshll.u32 s5, $0x1;
	s2 =	sadd.s32 s19, s18  }
0x9c: {  	s6 =	simm.s32 $0x0;
	s20 =	sshll.u32 s4, $0x1;
	s4 =	sadd.s32 s21, s2  }
0x9d: {  	[timem:s6], [sflag:s22] =	dma.local [hbm:s4], s20  }
0x9e: {  	_ =	swait.ge [sflag:s22], s20  }
0x9f: {  	s3 =	ssub.s32 $0x0, s20;
	[sflag:s22] =	ssyncset.done $0x0  }
0xa0: {  	[sflag:s22] =	ssyncadd.s32 s3;
	_ =	sdelay $0x1  }
0xa1: {  	s23 =	simm.s32 $0x1B8B  }
0xa2: {  	_ =	swait.ge [sflag:s23], $0x1  }
0xa3: {  	[sflag:s23] =	ssyncset.done $0x0  }
0xa4: {  	s25 =	simm.s32 $0x1B8E;
	s24 =	sld [smem:$0x3FFE];
	[sflag:s23] =	ssyncadd.s32 $0xFFFFFFFF  }
0xa5: {  	s26 =	simm.s32 $execute0_lowered;
	[smem:$0x3FD2] =	sst s25  }
0xa6: {  	s4 =	sshll.u32 s26, $0x1;
	_ =	strace $0x8000004C;
	[dreg:$0x1] =	wrdreg $0xFFFFFFFF  }
0xa7: {  	s28 =	simm.s32 $_size_execute0_lowered;
	s2 =	sadd.s32 s2, s4;
	[dreg:$0x0] =	wrdreg $0x0  }
0xa8: {  	s4 =	sshll.u32 s28, $0x1;
	[dreg:$0x2] =	wrdreg s2  }
0xa9: {  	[dreg:$0x3] =	wrdreg s4  }
0xaa: {  	[dreg:$0x4] =	wrdreg $0xC0  }
0xab: {  	_ =	task [dreg:s6], $0x5FFFF  }
0xac: {  	[dreg:$0x1] =	wrdreg $0xFFFFFFFF  }
0xad: {  	[dreg:$0x0] =	wrdreg $0x60  }
0xae: {  	[dreg:$0x2] =	wrdreg s24  }
0xaf: {  	[dreg:$0x3] =	wrdreg $0x148200  }
0xb0: {  	[dreg:$0x4] =	wrdreg $0x9  }
0xb1: {  	_ =	task.clear_ibuf [dreg:s6], $0x5FFFF;
	_ =	strace $0x9000004C  }
0xb2: {  	s29 =	simm.s32 $0x9;
	_ =	strace $0x8000004E  }
0xb3: {  	_ =	swait.ge [sflag:s29], $0x1  }
0xb4: {  	[sflag:s29] =	ssyncadd.s32 $0xFFFFFFFF  }
0xb5: {  	_ =	strace $0x9000004E  }
0xb6: {  	_ =	sfence  }
0xb7: {  	s30 =	sld [smem:$0x0];
	_ =	sdelay $0x2  }
0xb8: {  	s31 =	sshll.u32 s1, $0xD;
	s1 =	sshrl.u32 s1, $0x2  }
0xb9: {  	s3 =	sand.u32 $0x4000, s31;
	s1 =	sadd.s32 s1, s30  }
0xba: {  	s0 =	sor.u32 s3, s0;
	s1 =	sshll.u32 s1, $0x11  }
0xbb: {  	s0 =	sor.u32 s1, s0  }
0xbc: {  	s0 =	sadd.s32 $0x8F2B, s0  }
0xbd: {  	[sflag:s0] =	ssyncadd.remote.s32 $0x1  }
0xbe: {  	_ =	sfence.sel $0xFFFF  }
0xbf: {  	[dreg:$0x0] =	wrdreg $0xFFFFFFFF;
	(pc) =	sbr.abs _section_cstart, $3  }
0xc0: {  	[dreg:$0x1] =	wrdreg $0xFFFFFFFF  }
0xc1: {  	_ =	task.clear_ibuf [dreg:s6], $0x2FFFF;
	_ =	strace $0x9FFFFFFF  }
0xc2: {  	(tm) =	ssettm $0x7FFFFFFF  }
0xc3: {  	_ =	shalt  }
tec
execute0_lowered:
.L_overlay_start_1:
0x0: {  	(tag) =	ssettag $0x1  }
0x1: {  	s0 =	srdreg.scid;
	s5 =	rddreg [dreg:$0x0]  }
0x2: {  	s12 =	stileid.u32;
	s2 =	rddreg [dreg:$0x1];
	s3 =	simm.s32 $0x0  }
0x3: {  	s14 =	simm.s32 $0xC8;
	s15 =	simm.s32 $0x4E20;
	s16 =	simm.s32 $0x8020  }
0x4: {  	s18 =	simm.s32 $0xB220;
	s20 =	simm.s32 $0xE420;
	s22 =	simm.s32 $0x11620  }
0x5: {  	s23 =	simm.s32 $0x1;
	s28 =	simm.s32 $0x5;
	s29 =	simm.s32 $0x6  }
0x6: {  	s30 =	simm.s32 $0x7;
	s31 =	simm.s32 $0x8;
	s17 =	simm.s32 $0x0  }
0x7: {  	s0 =	sand.u32 $0x1, s0;
	s7 =	smul.u32 $0xA000, s12;
	[smem:$0x7FF] =	sst s3  }
0x8: {  	s4 =	sadd.s32 $0x17000, s5;
	s10 =	sadd.s32 $0x2B000, s5;
	s26 =	sshll.u32 s12, $0x6  }
0x9: {  	s1 =	sshll.u32 s0, $0x4;
	s6 =	smul.u32 $0xA0000, s0;
	_ =	strace $0x8000004D  }
0xa: {  	s8 =	ssub.s32 $0x2, s0;
	p0 =	seq.s32 s0, $0x0;
	s0 =	simm.s32 $0xA  }
0xb: {  	s1 =	sor.u32 s12, s1;
	s9 =	sshrl.u32 s8, $0x1;
	s24 =	sadd.s32 s7, s2  }
0xc: {  	s25 =	sshrl.u32 s7, $0x3;
	s10 =	smov.u32 @p0 s4;
	s12 =	sor.u32 $0x1C0B, s26  }
0xd: {  	s26 =	simm.s32 $0x4;
	s1 =	smul.u32 $0x2710, s1;
	s6 =	sadd.s32 s7, s6  }
0xe: {  	s8 =	ssub.s32 s8, s9;
	s9 =	sadd.s32 s10, s25;
	s10 =	simm.s32 $0xB  }
0xf: {  	s13 =	sshrl.u32 s24, $0x3;
	s24 =	simm.s32 $0x2;
	s6 =	sshrl.u32 s6, $0x3  }
0x10: {  	s25 =	simm.s32 $0x3;
	s1 =	sshrl.u32 s1, $0x3;
	s11 =	sadd.s32 s6, s5  }
0x11: {  	s8 =	smax.u32 s8, $0x1;
	s1 =	sadd.s32 s1, s5;
	s7 =	sadd.s32 $0x3F000, s11  }
0x12: {  	s5 =	sadd.s32 $0x3600, s1;
	s6 =	sadd.s32 $0xD240, s1;
	s1 =	simm.s32 $0x9  }
.LBB2_1:
0x13: {  	[tilespmem:s3], [sflag:$0xB] =	stream.linear.gather [hbm4b:s5+s3], $0x2710, $0x38;
	[tilespmem:$0x1E820] =	vst v63  }
0x14: {  	_ =	swait.ge [sflag:s10], $0x2710  }
0x15: {  	[sflag:s10] =	ssyncset.done $0x0  }
0x16: {  	s11 =	simm.s32 $0x2710;
	[sflag:s10] =	ssyncadd.s32 $0xFFFFD8F0  }
0x17: {  	[tilespmem:s11], [sflag:$0xB] =	stream.linear.gather [hbm4b:s6+s3], $0x2710, $0x38;
	[tilespmem:$0x1E820] =	vst v63  }
0x18: {  	_ =	swait.ge [sflag:s10], $0x2710  }
0x19: {  	[sflag:s10] =	ssyncset.done $0x0  }
0x1a: {  	[sflag:s10] =	ssyncadd.s32 $0xFFFFD8F0  }
0x1b: {  	[spmem:s13], [sflag:s12] =	dma.local [hbm:s9], $0x1400  }
0x1c: {  	_ =	swait.ge [sflag:s10], $0x1400  }
0x1d: {  	[sflag:s10] =	ssyncset.done $0x0  }
0x1e: {  	[sflag:s10] =	ssyncadd.s32 $0xFFFFEC00  }
0x1f: {  	[bflag:$0x0] =	sbarrier.arrive $0xFFFF  }
0x20: {  	[tilespmem:s15], [sflag:$0x1] =	stream.indirect.gather [hbm4b:s4+s14], $0x40, s3, s14, $0xb8;
	[tilespmem:$0x1E820] =	vst v63  }
0x21: {  	_ = 	snop  }
0x22: {  	[tilespmem:s16], [sflag:$0x2] =	stream.indirect.gather [hbm4b:s4+s14], $0x40, s14, s14, $0xb8;
	[tilespmem:$0x1E820] =	vst v63  }
0x23: {  	s21 =	simm.s32 $0x190  }
0x24: {  	[tilespmem:s18], [sflag:$0x3] =	stream.indirect.gather [hbm4b:s4+s14], $0x40, s21, s14, $0xb8;
	[tilespmem:$0x1E820] =	vst v63  }
0x25: {  	s19 =	simm.s32 $0x258  }
0x26: {  	[tilespmem:s20], [sflag:$0x4] =	stream.indirect.gather [hbm4b:s4+s14], $0x40, s19, s14, $0xb8;
	[tilespmem:$0x1E820] =	vst v63  }
0x27: {  	s21 =	simm.s32 $0x320  }
0x28: {  	[tilespmem:s22], [sflag:$0x5] =	stream.indirect.gather [hbm4b:s4+s14], $0x40, s21, s14, $0xb8;
	[tilespmem:$0x1E820] =	vst v63  }
0x29: {  	_ =	swait.ge [sflag:s23], $0x3200  }
0x2a: {  	[sflag:s23] =	ssyncset.done $0x0  }
0x2b: {  	s19 =	simm.s32 $0x2710;
	[sflag:s23] =	ssyncadd.s32 $0xFFFFCE00  }
0x2c: {  	[spmem:s2] =	stream.indirect.scatter.add.f32 [tilespmem:s15], [sflag:$0x6], $0x40, s19, s14, $0xb8;
	[tilespmem:$0x1E820] =	vst v63  }
0x2d: {  	_ =	swait.ge [sflag:s24], $0x3200  }
0x2e: {  	[sflag:s24] =	ssyncset.done $0x0  }
0x2f: {  	s11 =	simm.s32 $0x27D8;
	[sflag:s24] =	ssyncadd.s32 $0xFFFFCE00  }
0x30: {  	[spmem:s2] =	stream.indirect.scatter.add.f32 [tilespmem:s16], [sflag:$0x7], $0x40, s11, s14, $0xb8;
	[tilespmem:$0x1E820] =	vst v63  }
0x31: {  	_ =	swait.ge [sflag:s25], $0x3200  }
0x32: {  	[sflag:s25] =	ssyncset.done $0x0  }
0x33: {  	s21 =	simm.s32 $0x28A0;
	[sflag:s25] =	ssyncadd.s32 $0xFFFFCE00  }
0x34: {  	[spmem:s2] =	stream.indirect.scatter.add.f32 [tilespmem:s18], [sflag:$0x8], $0x40, s21, s14, $0xb8;
	[tilespmem:$0x1E820] =	vst v63  }
0x35: {  	_ =	swait.ge [sflag:s26], $0x3200  }
0x36: {  	[sflag:s26] =	ssyncset.done $0x0  }
0x37: {  	s11 =	simm.s32 $0x2968;
	[sflag:s26] =	ssyncadd.s32 $0xFFFFCE00  }
0x38: {  	[spmem:s2] =	stream.indirect.scatter.add.f32 [tilespmem:s20], [sflag:$0x9], $0x40, s11, s14, $0xb8;
	[tilespmem:$0x1E820] =	vst v63  }
0x39: {  	_ =	swait.ge [sflag:s28], $0x3200  }
0x3a: {  	[sflag:s28] =	ssyncset.done $0x0  }
0x3b: {  	s21 =	simm.s32 $0x2A30;
	[sflag:s28] =	ssyncadd.s32 $0xFFFFCE00  }
0x3c: {  	[spmem:s2] =	stream.indirect.scatter.add.f32 [tilespmem:s22], [sflag:$0xA], $0x40, s21, s14, $0xb8;
	[tilespmem:$0x1E820] =	vst v63  }
0x3d: {  	_ =	swait.ge [sflag:s29], $0x3200  }
0x3e: {  	[sflag:s29] =	ssyncset.done $0x0  }
0x3f: {  	s11 =	simm.s32 $0x3E8;
	[sflag:s29] =	ssyncadd.s32 $0xFFFFCE00  }
0x40: {  	[tilespmem:s15], [sflag:$0x1] =	stream.indirect.gather [hbm4b:s4+s14], $0x40, s11, s14, $0xb8;
	[tilespmem:$0x1E820] =	vst v63  }
0x41: {  	_ =	swait.ge [sflag:s30], $0x3200  }
0x42: {  	[sflag:s30] =	ssyncset.done $0x0  }
0x43: {  	s21 =	simm.s32 $0x4B0;
	[sflag:s30] =	ssyncadd.s32 $0xFFFFCE00  }
0x44: {  	[tilespmem:s16], [sflag:$0x2] =	stream.indirect.gather [hbm4b:s4+s14], $0x40, s21, s14, $0xb8;
	[tilespmem:$0x1E820] =	vst v63  }
0x45: {  	_ =	swait.ge [sflag:s31], $0x3200  }
0x46: {  	[sflag:s31] =	ssyncset.done $0x0  }
0x47: {  	s11 =	simm.s32 $0x578;
	[sflag:s31] =	ssyncadd.s32 $0xFFFFCE00  }
0x48: {  	[tilespmem:s18], [sflag:$0x3] =	stream.indirect.gather [hbm4b:s4+s14], $0x40, s11, s14, $0xb8;
	[tilespmem:$0x1E820] =	vst v63  }
0x49: {  	_ =	swait.ge [sflag:s1], $0x3200  }
0x4a: {  	[sflag:s1] =	ssyncset.done $0x0  }
0x4b: {  	s21 =	simm.s32 $0x640;
	[sflag:s1] =	ssyncadd.s32 $0xFFFFCE00  }
0x4c: {  	[tilespmem:s20], [sflag:$0x4] =	stream.indirect.gather [hbm4b:s4+s14], $0x40, s21, s14, $0xb8;
	[tilespmem:$0x1E820] =	vst v63  }
0x4d: {  	_ =	swait.ge [sflag:s0], $0x3200  }
0x4e: {  	[sflag:s0] =	ssyncset.done $0x0  }
0x4f: {  	s19 =	simm.s32 $0xFA0;
	s21 =	simm.s32 $0x708;
	[sflag:s0] =	ssyncadd.s32 $0xFFFFCE00  }
.LBB2_2:
0x50: {  	[tilespmem:s22], [sflag:$0x5] =	stream.indirect.gather [hbm4b:s4+s14], $0x40, s21, s14, $0xb8;
	[tilespmem:$0x1E820] =	vst v63  }
0x51: {  	s21 =	smov.u32 s19  }
0x52: {  	p0 =	sne.s32 s19, $0x7D00;
	s19 =	sadd.s32 $0xFA0, s19;
	_ =	swait.ge [sflag:s23], $0x3200  }
0x53: {  	s21 =	sshra.s32 s21, $0x2;
	[sflag:s23] =	ssyncset.done $0x0  }
0x54: {  	s11 =	sadd.s32 $0x2710, s21;
	[sflag:s23] =	ssyncadd.s32 $0xFFFFCE00  }
0x55: {  	[spmem:s2] =	stream.indirect.scatter.add.f32 [tilespmem:s15], [sflag:$0x6], $0x40, s11, s14, $0xb8;
	[tilespmem:$0x1E820] =	vst v63  }
0x56: {  	_ =	swait.ge [sflag:s24], $0x3200  }
0x57: {  	[sflag:s24] =	ssyncset.done $0x0  }
0x58: {  	s11 =	sadd.s32 $0x27D8, s21;
	[sflag:s24] =	ssyncadd.s32 $0xFFFFCE00  }
0x59: {  	[spmem:s2] =	stream.indirect.scatter.add.f32 [tilespmem:s16], [sflag:$0x7], $0x40, s11, s14, $0xb8;
	[tilespmem:$0x1E820] =	vst v63  }
0x5a: {  	_ =	swait.ge [sflag:s25], $0x3200  }
0x5b: {  	[sflag:s25] =	ssyncset.done $0x0  }
0x5c: {  	s11 =	sadd.s32 $0x28A0, s21;
	[sflag:s25] =	ssyncadd.s32 $0xFFFFCE00  }
0x5d: {  	[spmem:s2] =	stream.indirect.scatter.add.f32 [tilespmem:s18], [sflag:$0x8], $0x40, s11, s14, $0xb8;
	[tilespmem:$0x1E820] =	vst v63  }
0x5e: {  	_ =	swait.ge [sflag:s26], $0x3200  }
0x5f: {  	[sflag:s26] =	ssyncset.done $0x0  }
0x60: {  	s11 =	sadd.s32 $0x2968, s21;
	[sflag:s26] =	ssyncadd.s32 $0xFFFFCE00  }
0x61: {  	[spmem:s2] =	stream.indirect.scatter.add.f32 [tilespmem:s20], [sflag:$0x9], $0x40, s11, s14, $0xb8;
	[tilespmem:$0x1E820] =	vst v63  }
0x62: {  	_ =	swait.ge [sflag:s28], $0x3200  }
0x63: {  	[sflag:s28] =	ssyncset.done $0x0  }
0x64: {  	s11 =	sadd.s32 $0x2A30, s21;
	[sflag:s28] =	ssyncadd.s32 $0xFFFFCE00  }
0x65: {  	[spmem:s2] =	stream.indirect.scatter.add.f32 [tilespmem:s22], [sflag:$0xA], $0x40, s11, s14, $0xb8;
	[tilespmem:$0x1E820] =	vst v63  }
0x66: {  	_ =	swait.ge [sflag:s29], $0x3200  }
0x67: {  	[sflag:s29] =	ssyncset.done $0x0  }
0x68: {  	s11 =	sadd.s32 $0x3E8, s21;
	[sflag:s29] =	ssyncadd.s32 $0xFFFFCE00  }
0x69: {  	[tilespmem:s15], [sflag:$0x1] =	stream.indirect.gather [hbm4b:s4+s14], $0x40, s11, s14, $0xb8;
	[tilespmem:$0x1E820] =	vst v63  }
0x6a: {  	_ =	swait.ge [sflag:s30], $0x3200  }
0x6b: {  	[sflag:s30] =	ssyncset.done $0x0  }
0x6c: {  	s11 =	sadd.s32 $0x4B0, s21;
	[sflag:s30] =	ssyncadd.s32 $0xFFFFCE00  }
0x6d: {  	[tilespmem:s16], [sflag:$0x2] =	stream.indirect.gather [hbm4b:s4+s14], $0x40, s11, s14, $0xb8;
	[tilespmem:$0x1E820] =	vst v63  }
0x6e: {  	_ =	swait.ge [sflag:s31], $0x3200  }
0x6f: {  	[sflag:s31] =	ssyncset.done $0x0  }
0x70: {  	s11 =	sadd.s32 $0x578, s21;
	[sflag:s31] =	ssyncadd.s32 $0xFFFFCE00  }
0x71: {  	[tilespmem:s18], [sflag:$0x3] =	stream.indirect.gather [hbm4b:s4+s14], $0x40, s11, s14, $0xb8;
	[tilespmem:$0x1E820] =	vst v63  }
0x72: {  	_ =	swait.ge [sflag:s1], $0x3200  }
0x73: {  	[sflag:s1] =	ssyncset.done $0x0  }
.Ltmp0:
0x74: {  	s11 =	sadd.s32 $0x640, s21;
	[sflag:s1] =	ssyncadd.s32 $0xFFFFCE00;
	(pc) =	sbr.rel @p0 .LBB2_2-.Ltmp0, $4  }
0x75: {  	[tilespmem:s20], [sflag:$0x4] =	stream.indirect.gather [hbm4b:s4+s14], $0x40, s11, s14, $0xb8;
	[tilespmem:$0x1E820] =	vst v63  }
0x76: {  	_ =	swait.ge [sflag:s0], $0x3200  }
0x77: {  	[sflag:s0] =	ssyncset.done $0x0  }
0x78: {  	s21 =	sadd.s32 $0x708, s21;
	[sflag:s0] =	ssyncadd.s32 $0xFFFFCE00  }
0x79: {  	[tilespmem:s22], [sflag:$0x5] =	stream.indirect.gather [hbm4b:s4+s14], $0x40, s21, s14, $0xb8;
	[tilespmem:$0x1E820] =	vst v63  }
0x7a: {  	_ =	swait.ge [sflag:s23], $0x3200  }
0x7b: {  	[sflag:s23] =	ssyncset.done $0x0  }
0x7c: {  	s11 =	simm.s32 $0x4A38;
	[sflag:s23] =	ssyncadd.s32 $0xFFFFCE00  }
0x7d: {  	[spmem:s2] =	stream.indirect.scatter.add.f32 [tilespmem:s15], [sflag:$0x6], $0x40, s11, s14, $0xb8;
	[tilespmem:$0x1E820] =	vst v63  }
0x7e: {  	_ =	swait.ge [sflag:s24], $0x3200  }
0x7f: {  	[sflag:s24] =	ssyncset.done $0x0  }
0x80: {  	s19 =	simm.s32 $0x4B00;
	[sflag:s24] =	ssyncadd.s32 $0xFFFFCE00  }
0x81: {  	[spmem:s2] =	stream.indirect.scatter.add.f32 [tilespmem:s16], [sflag:$0x7], $0x40, s19, s14, $0xb8;
	[tilespmem:$0x1E820] =	vst v63  }
0x82: {  	_ =	swait.ge [sflag:s25], $0x3200  }
0x83: {  	[sflag:s25] =	ssyncset.done $0x0  }
0x84: {  	s21 =	simm.s32 $0x4BC8;
	[sflag:s25] =	ssyncadd.s32 $0xFFFFCE00  }
0x85: {  	[spmem:s2] =	stream.indirect.scatter.add.f32 [tilespmem:s18], [sflag:$0x8], $0x40, s21, s14, $0xb8;
	[tilespmem:$0x1E820] =	vst v63  }
0x86: {  	_ =	swait.ge [sflag:s26], $0x3200  }
0x87: {  	[sflag:s26] =	ssyncset.done $0x0  }
0x88: {  	s19 =	simm.s32 $0x4C90;
	[sflag:s26] =	ssyncadd.s32 $0xFFFFCE00  }
0x89: {  	[spmem:s2] =	stream.indirect.scatter.add.f32 [tilespmem:s20], [sflag:$0x9], $0x40, s19, s14, $0xb8;
	[tilespmem:$0x1E820] =	vst v63  }
0x8a: {  	_ =	swait.ge [sflag:s28], $0x3200  }
0x8b: {  	[sflag:s28] =	ssyncset.done $0x0  }
0x8c: {  	s21 =	simm.s32 $0x4D58;
	[sflag:s28] =	ssyncadd.s32 $0xFFFFCE00  }
0x8d: {  	[spmem:s2] =	stream.indirect.scatter.add.f32 [tilespmem:s22], [sflag:$0xA], $0x40, s21, s14, $0xb8;
	[tilespmem:$0x1E820] =	vst v63  }
0x8e: {  	_ =	swait.ge [sflag:s29], $0x3200  }
0x8f: {  	[sflag:s29] =	ssyncset.done $0x0  }
0x90: {  	[sflag:s29] =	ssyncadd.s32 $0xFFFFCE00  }
0x91: {  	_ =	swait.ge [sflag:s30], $0x3200  }
0x92: {  	[sflag:s30] =	ssyncset.done $0x0  }
0x93: {  	[sflag:s30] =	ssyncadd.s32 $0xFFFFCE00  }
0x94: {  	_ =	swait.ge [sflag:s31], $0x3200  }
0x95: {  	[sflag:s31] =	ssyncset.done $0x0  }
0x96: {  	[sflag:s31] =	ssyncadd.s32 $0xFFFFCE00  }
0x97: {  	_ =	swait.ge [sflag:s1], $0x3200  }
0x98: {  	[sflag:s1] =	ssyncset.done $0x0  }
0x99: {  	[sflag:s1] =	ssyncadd.s32 $0xFFFFCE00  }
0x9a: {  	_ =	swait.ge [sflag:s0], $0x3200  }
0x9b: {  	s17 =	sadd.s32 $0x1, s17;
	[sflag:s0] =	ssyncset.done $0x0  }
0x9c: {  	p0 =	sne.s32 s17, s8;
	[sflag:s0] =	ssyncadd.s32 $0xFFFFCE00  }
.Ltmp1:
0x9d: {  	[bflag:$0x0] =	sbarrier.arrive $0xFFFF;
	(pc) =	sbr.rel @p0 .LBB2_1-.Ltmp1, $4  }
0x9e: {  	[hbm:s7], [sflag:s12] =	dma.local [spmem:s13], $0x1400  }
0x9f: {  	_ =	swait.ge [sflag:s10], $0x1400  }
0xa0: {  	[sflag:s10] =	ssyncset.done $0x0  }
0xa1: {  	[sflag:s10] =	ssyncadd.s32 $0xFFFFEC00  }
0xa2: {  	_ =	sfence.sel $0x180000  }
0xa3: {  	[bflag:$0x0] =	sbarrier.arrive $0xFFFF  }
0xa4: {  	_ =	strace $0x9000004D  }
0xa5: {  	s0 =	stileid.u32;
	[bflag:$0x2] =	sbarrier.arrive $0xFFFF  }
0xa6: {  	p0 =	sne.s32 s0, $0x0;
	s0 =	rddreg [dreg:$0x2]  }
0xa7: {  	s0 =	sadd.s32 @!p0 $0x100000, s0  }
0xa8: {  	[sflag:s0] =	ssyncadd.tile.s32 @!p0 $0x1;
	_ =	shalt  }
.Lfunc_end2:
_tile_overlayer_lowered:
.L_overlay_start_2:
0xa9: {  	(tag) =	ssettag $0x2  }
0xaa: {  	s0 =	rddreg [dreg:$0x0];
	s2 =	stileid.u32  }
0xab: {  	s1 =	rddreg [dreg:$0x1];
	p0 =	sne.s32 s2, $0x0  }
0xac: {  	s3 =	rddreg [dreg:$0x2];
	[bflag:$0x3] =	sbarrier.arrive $0xFFFF;
	s2 =	simm.s32 @!p0 $0x1C0B  }
0xad: {  	[timem:s3], [sflag:s2] =	dma.local @!p0 [hbm:s0], s1  }
0xae: {  	s0 =	simm.s32 @!p0 $0xB  }
0xaf: {  	_ =	swait.ge @!p0 [sflag:s0], s1  }
0xb0: {  	s1 =	ssub.s32 @!p0 $0x0, s1;
	[sflag:s0] =	ssyncset.done @!p0 $0x0  }
0xb1: {  	[sflag:s0] =	ssyncadd.s32 @!p0 s1  }
0xb2: {  	[bflag:$0x3] =	sbarrier.arrive $0xFFFF  }
0xb3: {  	_ =	shalt  }

// kernel: kernel.8.cloned.1.call-start
scs
__scs_entry_jumppad:
0x0: {  	(pc) =	sbr.rel $0x88, $3  }
0x1: {  	(tag) =	ssettag $0x0;
	lr =	simm.s32 $0x1  }
0x2: {  	[smem:$0x3F95] =	sst lr;
	_ =	strace $0xD0000000  }
0x3: {  	_ = 	snop  }
0x4: {  	_ = 	snop  }
0x5: {  	_ = 	snop  }
0x6: {  	_ = 	snop  }
0x7: {  	_ = 	snop  }
__scs_overlays_trampoline_lowered:
0x8: {  	[smem:$0x3FA4] =	sst s0  }
0x9: {  	[smem:$0x3FA5] =	sst s1  }
0xa: {  	[smem:$0x3FA6] =	sst s2  }
0xb: {  	[smem:$0x3FA7] =	sst s3  }
0xc: {  	[smem:$0x3FA8] =	sst s4  }
0xd: {  	[smem:$0x3FA9] =	sst s5  }
0xe: {  	[smem:$0x3FAA] =	sst s6  }
0xf: {  	[smem:$0x3FAB] =	sst s7  }
0x10: {  	[smem:$0x3FAC] =	sst s8  }
0x11: {  	[smem:$0x3FAD] =	sst s9;
	s0 =	simm.s32 @!p0 $0x0  }
0x12: {  	s1 =	sld [smem:$0x3F93];
	s0 =	simm.s32 @p0 $0x1  }
0x13: {  	[smem:$0x3FAE] =	sst s0;
	s0 =	simm.s32 @!p1 $0x0  }
0x14: {  	s2 =	sld [smem:$0x3F92];
	s0 =	simm.s32 @p1 $0x1  }
0x15: {  	[smem:$0x3FAF] =	sst s0;
	s0 =	simm.s32 @!p2 $0x0  }
0x16: {  	s3 =	sld [smem:$0x3FDB];
	s0 =	simm.s32 @p2 $0x1  }
0x17: {  	s4 =	simm.s32 $0x1BF5;
	[smem:$0x3FB1] =	sst s0  }
0x18: {  	s0 =	sld [smem:$0x3F94];
	_ =	swait.ge [sflag:s4], $0x0  }
0x19: {  	s7 =	sld [smem:$0x3F95]  }
0x1a: {  	s8 =	sadd.s32 $0xFFFFE003, lr  }
0x1b: {  	s9 =	sadd.s32 $0xFFFFFEF7, lr;
	s5 =	simm.s32 $0xFFFFFFFF;
	p2 =	slt.u32 s8, $0xFFFFF086  }
0x1c: {  	p1 =	slt.u32 s9, $0xF7A;
	s5 =	simm.s32 @!p2 $0x0  }
0x1d: {  	s5 =	simm.s32 @p1 $0x1;
	p0 =	seq.s32 s7, s2  }
0x1e: {  	s7 =	smul.u32 @!p0 $0xF7A, s2;
	p2 =	seq.s32 @!p0 s5, $0x0  }
0x1f: {  	s9 =	smul.u32 $0xF7A, s1;
	s8 =	simm.s32 @!p0 $0x1BF5;
	p2 =	por !p2, p0  }
0x20: {  	[sflag:s8] =	ssyncset.s32 @!p0 $0xFFFFF086;
	s6 =	sadd.s32 @!p0 s3, s7;
	s7 =	simm.s32 @!p0 $0x108  }
0x21: {  	s3 =	sadd.s32 s3, s9;
	s6 =	sadd.s32 @!p0 $0x88, s6;
	s7 =	simm.s32 @p2 $0x1082  }
0x22: {  	[simem:s7], [sflag:s8] =	dma.local @!p0 [hbm:s6], $0xF7A  }
0x23: {  	s9 =	sor.u32 $0xD0000000, s2;
	s6 =	simm.s32 $0x108;
	_ =	swait.ge @!p0 [sflag:s8], $0x0  }
0x24: {  	s3 =	sadd.s32 $0x88, s3;
	s6 =	simm.s32 @!p1 $0x1082;
	[sflag:s4] =	ssyncset.s32 $0xFFFFF086  }
0x25: {  	[simem:s6], [sflag:s4] =	dma.local [hbm:s3], $0xF7A  }
0x26: {  	[smem:$0x3F95] =	sst s1;
	(tag) =	ssettag s2;
	_ =	strace s9  }
0x27: {  	s1 =	sld [smem:$0x3FA5]  }
0x28: {  	s2 =	sld [smem:$0x3FA6]  }
0x29: {  	s4 =	sld [smem:$0x3FA8]  }
0x2a: {  	p0 =	seq.s32 s5, $0x0;
	s5 =	sld [smem:$0x3FA9]  }
0x2b: {  	s6 =	sld [smem:$0x3FAA]  }
0x2c: {  	s7 =	sld [smem:$0x3FAB]  }
0x2d: {  	s3 =	simm.s32 $0x108;
	s8 =	sld [smem:$0x3FAC]  }
0x2e: {  	s3 =	simm.s32 @!p0 $0x1082;
	s9 =	sld [smem:$0x3FAD]  }
0x2f: {  	lr =	sadd.s32 s0, s3;
	s0 =	sld [smem:$0x3FA4]  }
0x30: {  	s3 =	sld [smem:$0x3FA7]  }
0x31: {  	[smem:$0x3FB0] =	sst s10  }
0x32: {  	s10 =	sld [smem:$0x3FAE];
	_ =	sdelay $0x3  }
0x33: {  	p0 =	seq.s32 s10, $0x1;
	s10 =	sld [smem:$0x3FB0];
	_ =	sdelay $0x3  }
0x34: {  	[smem:$0x3FB0] =	sst s10  }
0x35: {  	s10 =	sld [smem:$0x3FAF];
	_ =	sdelay $0x3  }
0x36: {  	p1 =	seq.s32 s10, $0x1;
	s10 =	sld [smem:$0x3FB0];
	_ =	sdelay $0x3  }
0x37: {  	[smem:$0x3FB0] =	sst s10  }
0x38: {  	s10 =	sld [smem:$0x3FB1]  }
0x39: {  	_ = 	snop;
	(pc) =	sbr.ind lr, $3  }
0x3a: {  	_ = 	snop  }
0x3b: {  	_ = 	snop  }
0x3c: {  	p2 =	seq.s32 s10, $0x1;
	s10 =	sld [smem:$0x3FB0]  }
0x3d: {  	_ =	shalt  }
0x3e: {  	_ =	shalt  }
0x3f: {  	_ =	shalt  }
0x40: {  	_ =	shalt  }
0x41: {  	_ =	shalt  }
0x42: {  	_ =	shalt  }
0x43: {  	_ =	shalt  }
0x44: {  	_ =	shalt  }
0x45: {  	_ =	shalt  }
0x46: {  	_ =	shalt  }
0x47: {  	_ =	shalt  }
0x48: {  	_ =	shalt  }
0x49: {  	_ =	shalt  }
0x4a: {  	_ =	shalt  }
0x4b: {  	_ =	shalt  }
0x4c: {  	_ =	shalt  }
0x4d: {  	_ =	shalt  }
0x4e: {  	_ =	shalt  }
0x4f: {  	_ =	shalt  }
0x50: {  	_ =	shalt  }
0x51: {  	_ =	shalt  }
0x52: {  	_ =	shalt  }
0x53: {  	_ =	shalt  }
0x54: {  	_ =	shalt  }
0x55: {  	_ =	shalt  }
0x56: {  	_ =	shalt  }
0x57: {  	_ =	shalt  }
0x58: {  	_ =	shalt  }
0x59: {  	_ =	shalt  }
0x5a: {  	_ =	shalt  }
0x5b: {  	_ =	shalt  }
0x5c: {  	_ =	shalt  }
0x5d: {  	_ =	shalt  }
0x5e: {  	_ =	shalt  }
0x5f: {  	_ =	shalt  }
0x60: {  	_ =	shalt  }
0x61: {  	_ =	shalt  }
0x62: {  	_ =	shalt  }
0x63: {  	_ =	shalt  }
0x64: {  	_ =	shalt  }
0x65: {  	_ =	shalt  }
0x66: {  	_ =	shalt  }
0x67: {  	_ =	shalt  }
0x68: {  	_ =	shalt  }
0x69: {  	_ =	shalt  }
0x6a: {  	_ =	shalt  }
0x6b: {  	_ =	shalt  }
0x6c: {  	_ =	shalt  }
0x6d: {  	_ =	shalt  }
0x6e: {  	_ =	shalt  }
0x6f: {  	_ =	shalt  }
0x70: {  	_ =	shalt  }
0x71: {  	_ =	shalt  }
0x72: {  	_ =	shalt  }
0x73: {  	_ =	shalt  }
0x74: {  	_ =	shalt  }
0x75: {  	_ =	shalt  }
0x76: {  	_ =	shalt  }
0x77: {  	_ =	shalt  }
0x78: {  	_ =	shalt  }
0x79: {  	_ =	shalt  }
0x7a: {  	_ =	shalt  }
0x7b: {  	_ =	shalt  }
0x7c: {  	_ =	shalt  }
0x7d: {  	_ =	shalt  }
0x7e: {  	_ =	shalt  }
0x7f: {  	_ =	shalt  }
0x80: {  	_ =	shalt  }
0x81: {  	_ =	shalt  }
0x82: {  	_ =	shalt  }
0x83: {  	_ =	shalt  }
0x84: {  	_ =	shalt  }
0x85: {  	_ =	shalt  }
0x86: {  	_ =	shalt  }
0x87: {  	_ =	shalt  }
.Lfunc_end0:
.L_simem_size_0:
called_computation_lowered:
.L_overlay_start_0:
0x88: {  	s2 =	sld [smem:$0x3FD9]  }
0x89: {  	s3 =	sld [smem:$0x3FFE];
	_ =	sdelay $0x1  }
0x8a: {  	s1 =	srdreg.scid  }
0x8b: {  	s0 =	sand.u32 $0x1, s1  }
0x8c: {  	s17 =	sshll.u32 s0, $0xA;
	s2 =	sadd.s32 s3, s2  }
0x8d: {  	s2 =	sadd.s32 s2, s17  }
0x8e: {  	[smem:$0x3FBC] =	sst s2  }
0x8f: {  	_ = 	snop  }
0x90: {  	s2 =	sld [smem:$0x3FD0];
	(tm) =	ssettm $0x1  }
0x91: {  	s18 =	sld [smem:$0x3FFB];
	_ =	sdelay $0x3  }
0x92: {  	_ =	strace s18  }
0x93: {  	s3 =	sld [smem:$0x3FFC];
	_ =	sdelay $0x3  }
0x94: {  	_ =	strace s3  }
0x95: {  	s3 =	sld [smem:$0x3FFD];
	_ =	sdelay $0x3  }
0x96: {  	_ =	strace s3  }
0x97: {  	_ =	strace $0x8FFFFFFF  }
0x98: {  	s19 =	sld [smem:$0x3FDB];
	_ =	sdelay $0x1  }
0x99: {  	s4 =	simm.s32 $_scs_section_size  }
0x9a: {  	s5 =	simm.s32 $_size__tile_overlayer_lowered;
	s6 =	simm.s32 $_tile_overlayer_lowered  }
0x9b: {  	s22 =	simm.s32 $0x1BFF;
	s21 =	sshll.u32 s6, $0x1;
	s3 =	sadd.s32 s4, s19  }
0x9c: {  	s7 =	simm.s32 $0x0;
	s20 =	sshll.u32 s5, $0x1;
	s5 =	sadd.s32 s21, s3  }
0x9d: {  	[timem:s7], [sflag:s22] =	dma.local [hbm:s5], s20  }
0x9e: {  	_ =	swait.ge [sflag:s22], s20  }
0x9f: {  	s4 =	ssub.s32 $0x0, s20;
	[sflag:s22] =	ssyncset.done $0x0  }
0xa0: {  	[sflag:s22] =	ssyncadd.s32 s4;
	_ =	sdelay $0x1  }
0xa1: {  	s23 =	simm.s32 $0x1B8B  }
0xa2: {  	_ =	swait.ge [sflag:s23], $0x1  }
0xa3: {  	[sflag:s23] =	ssyncset.done $0x0  }
0xa4: {  	s25 =	simm.s32 $0x1B8E;
	s24 =	sld [smem:$0x3FFE];
	[sflag:s23] =	ssyncadd.s32 $0xFFFFFFFF  }
0xa5: {  	s26 =	simm.s32 $execute0_lowered;
	[smem:$0x3FD2] =	sst s25  }
0xa6: {  	s5 =	sshll.u32 s26, $0x1;
	_ =	strace $0x80000046;
	[dreg:$0x1] =	wrdreg $0xFFFFFFFF  }
0xa7: {  	s28 =	simm.s32 $_size_execute0_lowered;
	s3 =	sadd.s32 s3, s5;
	[dreg:$0x0] =	wrdreg $0x0  }
0xa8: {  	s5 =	sshll.u32 s28, $0x1;
	[dreg:$0x2] =	wrdreg s3  }
0xa9: {  	[dreg:$0x3] =	wrdreg s5  }
0xaa: {  	[dreg:$0x4] =	wrdreg $0xC0  }
0xab: {  	_ =	task [dreg:s7], $0x5FFFF  }
0xac: {  	[dreg:$0x1] =	wrdreg $0xFFFFFFFF  }
0xad: {  	[dreg:$0x0] =	wrdreg $0x60  }
0xae: {  	[dreg:$0x2] =	wrdreg s24  }
0xaf: {  	[dreg:$0x3] =	wrdreg s2  }
0xb0: {  	[dreg:$0x4] =	wrdreg $0x4EE80  }
0xb1: {  	[dreg:$0x5] =	wrdreg $0x9  }
0xb2: {  	_ =	task.clear_ibuf [dreg:s7], $0x6FFFF;
	_ =	strace $0x90000046  }
0xb3: {  	s29 =	simm.s32 $0x9;
	_ =	strace $0x80000048  }
0xb4: {  	_ =	swait.ge [sflag:s29], $0x1  }
0xb5: {  	[sflag:s29] =	ssyncadd.s32 $0xFFFFFFFF  }
0xb6: {  	_ =	strace $0x90000048  }
0xb7: {  	_ =	sfence  }
0xb8: {  	s30 =	sld [smem:$0x0];
	_ =	sdelay $0x2  }
0xb9: {  	s31 =	sshll.u32 s1, $0xD;
	s1 =	sshrl.u32 s1, $0x2  }
0xba: {  	s3 =	sand.u32 $0x4000, s31;
	s1 =	sadd.s32 s1, s30  }
0xbb: {  	s0 =	sor.u32 s3, s0;
	s1 =	sshll.u32 s1, $0x11  }
0xbc: {  	s0 =	sor.u32 s1, s0  }
0xbd: {  	s0 =	sadd.s32 $0x8F2B, s0  }
0xbe: {  	[sflag:s0] =	ssyncadd.remote.s32 $0x1  }
0xbf: {  	_ =	sfence.sel $0xFFFF  }
0xc0: {  	[dreg:$0x0] =	wrdreg $0xFFFFFFFF;
	(pc) =	sbr.abs _section_cstart, $3  }
0xc1: {  	[dreg:$0x1] =	wrdreg $0xFFFFFFFF  }
0xc2: {  	_ =	task.clear_ibuf [dreg:s7], $0x2FFFF;
	_ =	strace $0x9FFFFFFF  }
0xc3: {  	(tm) =	ssettm $0x7FFFFFFF  }
tec
execute0_lowered:
.L_overlay_start_1:
0x0: {  	(tag) =	ssettag $0x1  }
0x1: {  	s5 =	rddreg [dreg:$0x0]  }
0x2: {  	s1 =	srdreg.scid;
	s7 =	rddreg [dreg:$0x1]  }
0x3: {  	s0 =	stileid.u32;
	s2 =	rddreg [dreg:$0x2]  }
0x4: {  	s3 =	simm.s32 $0x0;
	s13 =	simm.s32 $0xC8;
	s14 =	simm.s32 $0x1  }
0x5: {  	s15 =	simm.s32 $0x0;
	s6 =	sand.u32 $0x1, s1;
	s1 =	rddreg [dreg:$0x3]  }
0x6: {  	s8 =	smul.u32 $0x280, s0;
	[smem:$0x7FF] =	sst s3;
	s31 =	sshll.u32 s0, $0x6  }
0x7: {  	s4 =	sshll.u32 s6, $0x4;
	_ =	strace $0x80000047;
	s11 =	smul.u32 $0x2800, s6  }
0x8: {  	s6 =	ssub.s32 $0x2, s6;
	s4 =	sor.u32 s0, s4;
	s9 =	sshrl.u32 s8, $0x3  }
0x9: {  	s12 =	sshrl.u32 s6, $0x1;
	s30 =	sadd.s32 s8, s2;
	s10 =	smul.u32 $0x2710, s4  }
0xa: {  	s9 =	sadd.s32 s9, s5;
	s4 =	sadd.s32 $0x17600, s5;
	s28 =	sadd.s32 s8, s11  }
0xb: {  	s29 =	ssub.s32 s6, s12;
	s11 =	sor.u32 $0x1C02, s31;
	s12 =	sshrl.u32 s30, $0x3  }
0xc: {  	s6 =	sadd.s32 $0x17000, s9;
	s8 =	smax.u32 s29, $0x1;
	s10 =	sshrl.u32 s10, $0x3  }
0xd: {  	s9 =	simm.s32 $0x2;
	s5 =	sadd.s32 s5, s10;
	s10 =	sshrl.u32 s28, $0x3  }
0xe: {  	v0 =	vimm.s32 $0x0;
	s5 =	sadd.s32 $0xD240, s5;
	s7 =	sadd.s32 s7, s10;
	s10 =	simm.s32 $0x4E20  }
.LBB2_1:
0xf: {  	[tilespmem:s3], [sflag:$0x2] =	stream.linear.gather [hbm4b:s5+s3], $0x2710, $0x38;
	[tilespmem:$0x5168] =	vst v63  }
0x10: {  	_ =	swait.ge [sflag:s9], $0x2710  }
0x11: {  	[sflag:s9] =	ssyncset.done $0x0  }
0x12: {  	[sflag:s9] =	ssyncadd.s32 $0xFFFFD8F0  }
0x13: {  	[tilespmem:s10], [sflag:$0x2] =	stream.linear.gather [hbm4b:s4+s3], $0xC8, $0x38;
	[tilespmem:$0x5168] =	vst v63  }
0x14: {  	_ =	swait.ge [sflag:s9], $0xC8  }
0x15: {  	[sflag:s9] =	ssyncset.done $0x0  }
0x16: {  	[sflag:s9] =	ssyncadd.s32 $0xFFFFFF38  }
0x17: {  	[spmem:s12], [sflag:s11] =	dma.local [hbm:s6], $0x50  }
0x18: {  	_ =	swait.ge [sflag:s9], $0x50  }
0x19: {  	[sflag:s9] =	ssyncset.done $0x0  }
0x1a: {  	s16 =	simm.s32 $0x0;
	[sflag:s9] =	ssyncadd.s32 $0xFFFFFFB0  }
0x1b: {  	v1 =	vld [tilespmem:s16+$0xB0]  }
0x1c: {  	v6 =	vld [tilespmem:s16+$0x0]  }
0x1d: {  	v13 =	vld [tilespmem:s16+$0x10]  }
0x1e: {  	v16 =	vld [tilespmem:s16+$0x20]  }
0x1f: {  	v24 =	vld [tilespmem:s16+$0x60]  }
0x20: {  	v25 =	vld [tilespmem:s16+$0x70]  }
0x21: {  	v17 =	vld [tilespmem:s16+$0x30]  }
0x22: {  	v2 =	vld [tilespmem:s16+$0xB8]  }
0x23: {  	v20 =	vld [tilespmem:s16+$0x50]  }
0x24: {  	v3 =	vand.u32 $0x1, v1;
	v1 =	vshra.s32 v1, $0x1;
	v5 =	vand.u32 $0x1, v13  }
0x25: {  	v7 =	vand.u32 $0x1, v24;
	v8 =	vand.u32 $0x1, v25;
	v22 =	vshra.s32 v6, $0x1  }
0x26: {  	v21 =	vshra.s32 v13, $0x1;
	v23 =	vshra.s32 v16, $0x1;
	v19 =	vshra.s32 v17, $0x1  }
0x27: {  	v18 =	vld [tilespmem:s16+$0x40];
	vm0 =	veq.s32 v3, $0x1;
	v3 =	vand.u32 $0x1, v2;
	v2 =	vshra.s32 v2, $0x1  }
0x28: {  	vm1 =	veq.s32 v5, $0x1;
	v5 =	vand.u32 $0x1, v20;
	vm11 =	veq.s32 v7, $0x1  }
0x29: {  	vm12 =	veq.s32 v8, $0x1;
	v4 =	vsel vm0, $0x1400, v0;
	vm8 =	veq.s32 v3, $0x1  }
0x2a: {  	v20 =	vshra.s32 v20, $0x1;
	v1 =	vadd.s32 v1, v4;
	v3 =	vsel vm8, $0x1400, v0  }
0x2b: {  	vm10 =	veq.s32 v5, $0x1;
	[tilespmem:s16+$0x27C0] =	vst v1;
	v2 =	vadd.s32 v2, v3;
	v1 =	vld [tilespmem:s16+$0x80];
	v3 =	vand.u32 $0x1, v16  }
0x2c: {  	v5 =	vsel vm1, $0x1400, v0;
	[tilespmem:s16+$0x27C8] =	vst v2;
	vm2 =	veq.s32 v3, $0x1;
	v3 =	vand.u32 $0x1, v18;
	v2 =	vld [tilespmem:s16+$0x90]  }
0x2d: {  	v11 =	vsel vm11, $0x1400, v0;
	v4 =	vand.u32 $0x1, v6;
	vm4 =	veq.s32 v3, $0x1;
	v3 =	vld [tilespmem:s16+$0xA0]  }
0x2e: {  	v14 =	vsel vm12, $0x1400, v0;
	v15 =	vsel vm10, $0x1400, v0;
	vm9 =	veq.s32 v4, $0x1  }
0x2f: {  	v4 =	vand.u32 $0x1, v17;
	v16 =	vshra.s32 v18, $0x1;
	v17 =	vshra.s32 v24, $0x1  }
0x30: {  	vm3 =	veq.s32 v4, $0x1;
	v4 =	vsel vm9, $0x1400, v0;
	v8 =	vand.u32 $0x1, v1  }
0x31: {  	v18 =	vshra.s32 v25, $0x1;
	vm13 =	veq.s32 v8, $0x1;
	v8 =	vand.u32 $0x1, v2  }
0x32: {  	v7 =	vsel vm2, $0x1400, v0;
	vm14 =	veq.s32 v8, $0x1;
	v8 =	vand.u32 $0x1, v3  }
0x33: {  	s17 =	simm.s32 $0xC8;
	v9 =	vsel vm3, $0x1400, v0;
	v10 =	vsel vm4, $0x1400, v0;
	vm15 =	veq.s32 v8, $0x1  }
0x34: {  	s18 =	simm.s32 $0x640;
	v13 =	vld [tilespmem:s17+$0xB0];
	v12 =	vsel vm13, $0x1400, v0;
	v8 =	vsel vm14, $0x1400, v0;
	v6 =	vsel vm15, $0x1400, v0  }
.LBB2_2:
0x35: {  	p0 =	sne.s32 s18, $0x9920;
	v24 =	vld [tilespmem:s17+$0xB8];
	v1 =	vshra.s32 v1, $0x1;
	v2 =	vshra.s32 v2, $0x1;
	v3 =	vshra.s32 v3, $0x1  }
0x36: {  	v4 =	vadd.s32 v22, v4;
	v5 =	vadd.s32 v21, v5;
	v7 =	vadd.s32 v23, v7;
	v25 =	vld [tilespmem:s17+$0x0]  }
0x37: {  	v21 =	vld [tilespmem:s17+$0x10];
	[tilespmem:s16+$0x2710] =	vst v4;
	v4 =	vadd.s32 v19, v9;
	v9 =	vadd.s32 v16, v10;
	v10 =	vadd.s32 v20, v15  }
0x38: {  	v12 =	vadd.s32 v1, v12;
	v16 =	vld [tilespmem:s17+$0x20];
	[tilespmem:s16+$0x2720] =	vst v5;
	v5 =	vadd.s32 v17, v11;
	v11 =	vadd.s32 v18, v14  }
0x39: {  	v6 =	vadd.s32 v3, v6;
	v17 =	vld [tilespmem:s17+$0x30];
	v1 =	vand.u32 $0x1, v13;
	[tilespmem:s16+$0x2730] =	vst v7;
	v7 =	vadd.s32 v2, v8  }
0x3a: {  	v18 =	vld [tilespmem:s17+$0x40];
	vm0 =	veq.s32 v1, $0x1;
	v1 =	vand.u32 $0x1, v24;
	[tilespmem:s16+$0x2740] =	vst v4  }
0x3b: {  	v3 =	vshra.s32 v13, $0x1;
	v20 =	vld [tilespmem:s17+$0x50];
	v2 =	vsel vm0, $0x1400, v0;
	vm0 =	veq.s32 v1, $0x1;
	[tilespmem:s16+$0x2750] =	vst v9  }
0x3c: {  	v26 =	vld [tilespmem:s17+$0x60];
	v1 =	vadd.s32 v3, v2;
	v2 =	vsel vm0, $0x1400, v0;
	v3 =	vshra.s32 v24, $0x1;
	[tilespmem:s16+$0x2760] =	vst v10  }
0x3d: {  	v4 =	vand.u32 $0x1, v25;
	v8 =	vand.u32 $0x1, v21;
	v24 =	vld [tilespmem:s17+$0x70];
	[tilespmem:s17+$0x27C0] =	vst v1;
	v2 =	vadd.s32 v3, v2  }
0x3e: {  	vm0 =	veq.s32 v4, $0x1;
	v3 =	vand.u32 $0x1, v16;
	v4 =	vand.u32 $0x1, v17;
	v1 =	vld [tilespmem:s17+$0x80];
	[tilespmem:s17+$0x27C8] =	vst v2  }
0x3f: {  	vm1 =	veq.s32 v8, $0x1;
	vm2 =	veq.s32 v3, $0x1;
	v3 =	vand.u32 $0x1, v18;
	v2 =	vld [tilespmem:s17+$0x90];
	[tilespmem:s16+$0x2770] =	vst v5  }
0x40: {  	vm3 =	veq.s32 v4, $0x1;
	vm4 =	veq.s32 v3, $0x1;
	v5 =	vand.u32 $0x1, v20;
	v3 =	vld [tilespmem:s17+$0xA0];
	[tilespmem:s16+$0x2780] =	vst v11  }
0x41: {  	v4 =	vsel vm0, $0x1400, v0;
	vm0 =	veq.s32 v5, $0x1;
	v8 =	vand.u32 $0x1, v26;
	[tilespmem:s16+$0x2790] =	vst v12  }
0x42: {  	v5 =	vsel vm1, $0x1400, v0;
	vm1 =	veq.s32 v8, $0x1;
	v8 =	vand.u32 $0x1, v24;
	[tilespmem:s16+$0x27A0] =	vst v7  }
0x43: {  	v7 =	vsel vm2, $0x1400, v0;
	vm2 =	veq.s32 v8, $0x1;
	v8 =	vand.u32 $0x1, v1;
	[tilespmem:s16+$0x27B0] =	vst v6;
	s16 =	smov.u32 s17  }
0x44: {  	v9 =	vsel vm3, $0x1400, v0;
	vm3 =	veq.s32 v8, $0x1;
	v6 =	vand.u32 $0x1, v2  }
0x45: {  	v10 =	vsel vm4, $0x1400, v0;
	vm4 =	veq.s32 v6, $0x1;
	v6 =	vand.u32 $0x1, v3  }
.Ltmp0:
0x46: {  	v15 =	vsel vm0, $0x1400, v0;
	v11 =	vsel vm1, $0x1400, v0;
	vm0 =	veq.s32 v6, $0x1;
	(pc) =	sbr.rel @p0 .LBB2_2-.Ltmp0, $4  }
0x47: {  	v14 =	vsel vm2, $0x1400, v0;
	v12 =	vsel vm3, $0x1400, v0;
	v8 =	vsel vm4, $0x1400, v0  }
0x48: {  	v22 =	vshra.s32 v25, $0x1;
	v21 =	vshra.s32 v21, $0x1;
	v6 =	vsel vm0, $0x1400, v0  }
0x49: {  	v23 =	vshra.s32 v16, $0x1;
	v19 =	vshra.s32 v17, $0x1;
	v16 =	vshra.s32 v18, $0x1;
	s17 =	sshra.s32 s18, $0x2  }
0x4a: {  	v20 =	vshra.s32 v20, $0x1;
	v17 =	vshra.s32 v26, $0x1;
	v18 =	vshra.s32 v24, $0x1;
	s18 =	sadd.s32 $0x320, s18;
	v13 =	vld [tilespmem:s17+$0xB0]  }
0x4b: {  	v24 =	vld [tilespmem:s17+$0xB8]  }
0x4c: {  	v25 =	vld [tilespmem:s17+$0x0];
	v4 =	vadd.s32 v22, v4;
	v63 =	vadd.s32 v21, v5;
	v23 =	vadd.s32 v23, v7  }
0x4d: {  	v62 =	vld [tilespmem:s17+$0x10];
	v27 =	vadd.s32 v19, v9;
	v1 =	vshra.s32 v1, $0x1;
	v2 =	vshra.s32 v2, $0x1  }
0x4e: {  	v3 =	vshra.s32 v3, $0x1;
	v29 =	vadd.s32 v16, v10;
	v30 =	vadd.s32 v20, v15  }
0x4f: {  	v11 =	vadd.s32 v17, v11;
	v14 =	vadd.s32 v18, v14;
	[tilespmem:s16+$0x2710] =	vst v4;
	v1 =	vadd.s32 v1, v12  }
0x50: {  	v2 =	vadd.s32 v2, v8;
	v3 =	vadd.s32 v3, v6;
	v21 =	vld [tilespmem:s17+$0x20];
	[tilespmem:s16+$0x2720] =	vst v63;
	v32 =	vand.u32 $0x1, v13  }
0x51: {  	v26 =	vld [tilespmem:s17+$0x30];
	v35 =	vshra.s32 v13, $0x1;
	vm0 =	veq.s32 v32, $0x1;
	v33 =	vand.u32 $0x1, v24  }
0x52: {  	[tilespmem:s16+$0x2730] =	vst v23;
	v39 =	vshra.s32 v24, $0x1;
	v40 =	vand.u32 $0x1, v25;
	v41 =	vand.u32 $0x1, v62  }
0x53: {  	v28 =	vld [tilespmem:s17+$0x40];
	[tilespmem:s16+$0x2740] =	vst v27;
	v55 =	vshra.s32 v62, $0x1;
	v34 =	vsel vm0, $0x1400, v0;
	vm8 =	veq.s32 v33, $0x1  }
0x54: {  	v31 =	vld [tilespmem:s17+$0x50];
	[tilespmem:s16+$0x2750] =	vst v29;
	vm9 =	veq.s32 v40, $0x1;
	vm1 =	veq.s32 v41, $0x1;
	v36 =	vadd.s32 v35, v34  }
0x55: {  	v4 =	vld [tilespmem:s17+$0x60];
	[tilespmem:s16+$0x2760] =	vst v30;
	v38 =	vsel vm8, $0x1400, v0;
	v43 =	vand.u32 $0x1, v21;
	v48 =	vsel vm9, $0x1400, v0  }
0x56: {  	v37 =	vld [tilespmem:s17+$0x70];
	v51 =	vsel vm1, $0x1400, v0;
	[tilespmem:s17+$0x27C0] =	vst v36;
	v10 =	vadd.s32 v39, v38;
	v44 =	vand.u32 $0x1, v26  }
0x57: {  	v42 =	vld [tilespmem:s17+$0x80];
	vm2 =	veq.s32 v43, $0x1;
	v56 =	vadd.s32 v55, v51;
	v7 =	vshra.s32 v26, $0x1;
	[tilespmem:s17+$0x27C8] =	vst v10  }
0x58: {  	v46 =	vld [tilespmem:s17+$0x90];
	v45 =	vand.u32 $0x1, v28;
	vm3 =	veq.s32 v44, $0x1;
	v53 =	vsel vm2, $0x1400, v0;
	[tilespmem:s16+$0x2770] =	vst v11  }
0x59: {  	v9 =	vshra.s32 v28, $0x1;
	vm4 =	veq.s32 v45, $0x1;
	v47 =	vand.u32 $0x1, v31;
	v49 =	vld [tilespmem:s17+$0xA0];
	[tilespmem:s16+$0x2780] =	vst v14  }
0x5a: {  	v54 =	vsel vm3, $0x1400, v0;
	v58 =	vshra.s32 v31, $0x1;
	vm10 =	veq.s32 v47, $0x1;
	[tilespmem:s16+$0x27A0] =	vst v2  }
0x5b: {  	v50 =	vand.u32 $0x1, v4;
	v2 =	vshra.s32 v25, $0x1;
	[tilespmem:s16+$0x27B0] =	vst v3;
	v3 =	vsel vm4, $0x1400, v0  }
0x5c: {  	[tilespmem:s16+$0x2790] =	vst v1;
	v6 =	vadd.s32 v7, v54;
	vm11 =	veq.s32 v50, $0x1;
	v52 =	vand.u32 $0x1, v37  }
0x5d: {  	v1 =	vand.u32 $0x1, v42;
	v2 =	vadd.s32 v2, v48;
	[tilespmem:s17+$0x2720] =	vst v56;
	v57 =	vsel vm10, $0x1400, v0  }
0x5e: {  	v3 =	vadd.s32 v9, v3;
	[tilespmem:s17+$0x2740] =	vst v6;
	v60 =	vshra.s32 v37, $0x1;
	vm12 =	veq.s32 v52, $0x1  }
0x5f: {  	vm13 =	veq.s32 v1, $0x1;
	v1 =	vand.u32 $0x1, v46;
	[tilespmem:s17+$0x2710] =	vst v2;
	v59 =	vadd.s32 v58, v57  }
0x60: {  	[tilespmem:s17+$0x2750] =	vst v3;
	vm14 =	veq.s32 v1, $0x1;
	v1 =	vshra.s32 v21, $0x1;
	v3 =	vsel vm12, $0x1400, v0  }
0x61: {  	[tilespmem:s17+$0x2760] =	vst v59;
	v1 =	vadd.s32 v1, v53;
	v3 =	vadd.s32 v60, v3;
	v2 =	vand.u32 $0x1, v49  }
0x62: {  	[tilespmem:s17+$0x2730] =	vst v1;
	v1 =	vsel vm11, $0x1400, v0;
	vm15 =	veq.s32 v2, $0x1;
	v2 =	vshra.s32 v4, $0x1  }
0x63: {  	v61 =	vshra.s32 v42, $0x1;
	[tilespmem:s17+$0x2780] =	vst v3;
	v1 =	vadd.s32 v2, v1;
	v2 =	vsel vm13, $0x1400, v0  }
0x64: {  	v62 =	vshra.s32 v46, $0x1;
	[tilespmem:s17+$0x2770] =	vst v1;
	v1 =	vsel vm14, $0x1400, v0;
	v2 =	vadd.s32 v61, v2  }
0x65: {  	v63 =	vshra.s32 v49, $0x1;
	v3 =	vsel vm15, $0x1400, v0;
	v1 =	vadd.s32 v62, v1;
	[tilespmem:s17+$0x2790] =	vst v2  }
0x66: {  	v2 =	vadd.s32 v63, v3;
	[tilespmem:s17+$0x27A0] =	vst v1  }
0x67: {  	[tilespmem:s17+$0x27B0] =	vst v2  }
0x68: {  	s16 =	simm.s32 $0x0;
	[bflag:$0x0] =	sbarrier.arrive $0xFFFF  }
.LBB2_4:
0x69: {  	p0 =	sne.s32 s16, $0x9920  }
.Ltmp1:
0x6a: {  	_ = 	snop;
	(pc) =	sbr.rel @p0 .LBB2_4-.Ltmp1, $4  }
0x6b: {  	_ = 	snop  }
0x6c: {  	s17 =	sshra.s32 s16, $0x2  }
0x6d: {  	s16 =	sadd.s32 $0x320, s16;
	s17 =	sadd.s32 $0x2710, s17  }
0x6e: {  	[spmem:s2] =	stream.indirect.scatter.add.f32 [tilespmem:s10], [sflag:$0x1], $0x1, s17, s13, $0xb8;
	[tilespmem:$0x5168] =	vst v63  }
0x6f: {  	_ =	swait.ge [sflag:s14], $0xC8  }
0x70: {  	s16 =	simm.s32 $0x31;
	[sflag:s14] =	ssyncset.done $0x0  }
.LBB2_6:
0x71: {  	p0 =	sne.s32 s16, $0x1;
	s16 =	sadd.s32 $0xFFFFFFFF, s16;
	[sflag:s14] =	ssyncadd.s32 $0xFFFFFF38  }
.Ltmp2:
0x72: {  	(pc) =	sbr.rel @p0 .LBB2_6-.Ltmp2, $3  }
0x73: {  	_ =	sdelay $0x1  }
0x74: {  	_ =	swait.ge [sflag:s14], $0xC8  }
0x75: {  	[sflag:s14] =	ssyncset.done $0x0  }
0x76: {  	s15 =	sadd.s32 $0x1, s15  }
0x77: {  	[sflag:s14] =	ssyncadd.s32 $0xFFFFFF38;
	p0 =	sne.s32 s15, s8  }
.Ltmp3:
0x78: {  	[bflag:$0x0] =	sbarrier.arrive $0xFFFF;
	(pc) =	sbr.rel @p0 .LBB2_1-.Ltmp3, $4  }
0x79: {  	[hbm:s7], [sflag:s11] =	dma.local [spmem:s12], $0x50  }
0x7a: {  	_ =	swait.ge [sflag:s9], $0x50  }
0x7b: {  	[sflag:s9] =	ssyncset.done $0x0  }
0x7c: {  	[sflag:s9] =	ssyncadd.s32 $0xFFFFFFB0  }
0x7d: {  	_ =	sfence.sel $0x180000  }
0x7e: {  	[bflag:$0x0] =	sbarrier.arrive $0xFFFF  }
0x7f: {  	p0 =	sne.s32 s0, $0x0;
	_ =	strace $0x90000047  }
0x80: {  	s0 =	sadd.s32 @!p0 $0x100000, s1;
	[bflag:$0x2] =	sbarrier.arrive $0xFFFF  }
0x81: {  	[sflag:s0] =	ssyncadd.tile.s32 @!p0 $0x1;
	_ =	shalt  }
.Lfunc_end2:
_tile_overlayer_lowered:
.L_overlay_start_2:
0x82: {  	(tag) =	ssettag $0x2  }
0x83: {  	s0 =	rddreg [dreg:$0x0];
	s2 =	stileid.u32  }
0x84: {  	s1 =	rddreg [dreg:$0x1];
	p0 =	sne.s32 s2, $0x0  }
0x85: {  	s3 =	rddreg [dreg:$0x2];
	[bflag:$0x3] =	sbarrier.arrive $0xFFFF;
	s2 =	simm.s32 @!p0 $0x1C02  }
0x86: {  	[timem:s3], [sflag:s2] =	dma.local @!p0 [hbm:s0], s1  }
0x87: {  	s0 =	simm.s32 @!p0 $0x2  }
0x88: {  	_ =	swait.ge @!p0 [sflag:s0], s1  }
0x89: {  	s1 =	ssub.s32 @!p0 $0x0, s1;
	[sflag:s0] =	ssyncset.done @!p0 $0x0  }
0x8a: {  	[sflag:s0] =	ssyncadd.s32 @!p0 s1  }
0x8b: {  	[bflag:$0x3] =	sbarrier.arrive $0xFFFF  }
0x8c: {  	_ =	shalt  }

</sc_bundles>
